<compile_context>
chip_gen: v7x
topology: tpu7x:2x2x1
jax: 0.10.2.dev20260603
libtpu: 0.0.44.dev20260713+nightly
codegen_flags: <defaults>
</compile_context>

<pallas_src>
import functools
import math

import jax
import jax.numpy as jnp
from jax import lax
from jax.experimental import pallas as pl
from jax.experimental.pallas import tpu as pltpu
from jax.experimental.pallas import tpu_sc as plsc

_NUM_CORES = 2
_NUM_SUBCORES = 16
_LANES = 16
_NUM_WORKERS = _NUM_CORES * _NUM_SUBCORES

_CHUNK = 64
_NBUF = 2
_PREFETCH = 1


@functools.lru_cache(maxsize=None)
def _make_lookup(vocab, d_model, batch):
  assert batch % _NUM_WORKERS == 0
  b_per_w = batch // _NUM_WORKERS
  assert b_per_w % _CHUNK == 0
  n_chunks = b_per_w // _CHUNK
  n_vecs = d_model // _LANES
  scale = math.sqrt(float(d_model))

  mesh = plsc.VectorSubcoreMesh(core_axis_name="c", subcore_axis_name="s")

  @functools.partial(
      pl.kernel,
      mesh=mesh,
      out_type=jax.ShapeDtypeStruct((batch, d_model), jnp.float32),
      scratch_types=[
          pltpu.VMEM((n_chunks, _CHUNK), jnp.int32),
          pltpu.VMEM((_NBUF, _CHUNK, d_model), jnp.float32),
          [pltpu.SemaphoreType.DMA for _ in range(_NBUF)],
          [pltpu.SemaphoreType.DMA for _ in range(_NBUF)],
      ],
  )
  def lookup(table_hbm, idx_hbm, out_hbm, idx_v, rows_v, gsems, ssems):
    wid = lax.axis_index("s") * _NUM_CORES + lax.axis_index("c")
    base = wid * b_per_w
    pltpu.sync_copy(idx_hbm.at[wid], idx_v)

    def gather_copy(c, buf):
      return pltpu.make_async_copy(
          table_hbm.at[idx_v.at[c]],
          rows_v.at[buf],
          gsems[buf],
      )

    def store_copy(c, buf):
      return pltpu.make_async_copy(
          rows_v.at[buf],
          out_hbm.at[pl.ds(base + c * _CHUNK, _CHUNK)],
          ssems[buf],
      )

    gather_copy(0, 0).start()
    if _PREFETCH > 1:
      gather_copy(1, 1).start()

    @pl.loop(0, n_chunks // _NBUF)
    def per_round(g):
      c0 = g * _NBUF
      for b in range(_NBUF):
        c = c0 + b
        gather_copy(c, b).wait()
        bn = (b + _PREFETCH) % _NBUF
        cn = c + _PREFETCH

        @pl.when(cn < n_chunks)
        def _():
          @pl.when(cn >= _NBUF)
          def _():
            store_copy(cn - _NBUF, bn).wait()

          gather_copy(cn, bn).start()

        def scale_row(r, _):
          for j in range(n_vecs):
            sl = pl.ds(j * _LANES, _LANES)
            rows_v[b, r, sl] = rows_v[b, r, sl] * scale
          return _

        lax.fori_loop(0, _CHUNK, scale_row, 0)
        store_copy(c, b).start()

    for b in range(_NBUF):
      store_copy(n_chunks - _NBUF + b, b).wait()

  return lookup


def kernel(x, table):
  vocab, d_model = table.shape
  batch = x.size
  b_per_w = batch // _NUM_WORKERS
  x_3d = x.reshape(_NUM_WORKERS, b_per_w // _CHUNK, _CHUNK).astype(jnp.int32)
  out = _make_lookup(vocab, d_model, batch)(table, x_3d)
  return out.reshape(*x.shape, d_model)

# --- scband reference (transcript-rebuilt; emitter-appended) ---
"""Pipeline reference for scband-token-embedding-1632087572765 (READ-ONLY COPY).

The authoritative reference and input builder live on the scoring server;
editing this copy changes nothing except your own understanding.
"""

import jax, jax.numpy as jnp
import numpy as np
import math

VOCAB_SIZE = 100000
D_MODEL = 768

def setup_inputs(seed: int = 0) -> dict:
    key = jax.random.key(seed)
    k1, k2 = jax.random.split(key)
    x = jax.random.randint(k1, (4, 4096), 0, VOCAB_SIZE, dtype=jnp.int64 if jax.config.jax_enable_x64 else jnp.int32)
    table = jax.random.normal(k2, (VOCAB_SIZE, D_MODEL), dtype=jnp.float32)
    return {"x": x, "table": table}

def reference(x, table):
    # embedding lookup followed by sqrt(d_model) scaling
    emb = jnp.take(table, x, axis=0)
    return emb * math.sqrt(D_MODEL)

if __name__ == "__main__":
    import jax
    _d = setup_inputs()
    print(jax.jit(kernel)(*tuple(_d.values())))

</pallas_src>

<mosaic_0001>
#map = affine_map<(d0, d1) -> (0, 0)>
#map1 = affine_map<(d0, d1) -> (0, 0, 0)>
module attributes {stable_mosaic.version = 14 : i64} {
  func.func @lookup(%arg0: i32, %arg1: i32, %arg2: memref<100000x768xf32, #tpu.memory_space<hbm>>, %arg3: memref<32x8x64xi32, #tpu.memory_space<hbm>>, %arg4: memref<16384x768xf32, #tpu.memory_space<hbm>>, %arg5: memref<8x64xi32, #tpu.memory_space<vmem>>, %arg6: memref<2x64x768xf32, #tpu.memory_space<vmem>>, %arg7: memref<!tpu.dma_semaphore, #tpu.memory_space<semaphore_mem>>, %arg8: memref<!tpu.dma_semaphore, #tpu.memory_space<semaphore_mem>>, %arg9: memref<!tpu.dma_semaphore, #tpu.memory_space<semaphore_mem>>, %arg10: memref<!tpu.dma_semaphore, #tpu.memory_space<semaphore_mem>>) attributes {dimension_semantics = [#tpu.dimension_semantics<core_parallel>, #tpu.dimension_semantics<subcore_parallel>], iteration_bounds = array<i64: 2, 16>, scalar_prefetch = 0 : i64, scratch_operands = 6 : i64, tpu.core_type = #tpu.core_type<sc_vector_subcore>, window_params = [{transform_indices = #map}, {transform_indices = #map1}, {transform_indices = #map}]} {
    %mul3A = arith.constant 2 : i32
    %mul3A_0 = arith.muli %arg1, %mul3A : i32
    %add3A = arith.addi %mul3A_0, %arg0 : i32
    %mul3A_1 = arith.constant 512 : i32
    %mul3A_2 = arith.muli %add3A, %mul3A_1 : i32
    "tpu.region"() ({
      %run_scoped3A = tpu.sem_alloc : memref<!tpu.dma_semaphore, #tpu.memory_space<semaphore_mem>>
      %dma_start3A_47 = arith.constant 0 : i32
      %dma_start3A_48 = arith.constant 0 : i32
      %dma_start3A_49 = tpu.memref_slice %arg3[%add3A, %dma_start3A_47, %dma_start3A_48] : memref<32x8x64xi32, #tpu.memory_space<hbm>> -> memref<1x8x64xi32, #tpu.memory_space<hbm>>
      %dma_start3A_50 = tpu.memref_squeeze %dma_start3A_49 : memref<1x8x64xi32, #tpu.memory_space<hbm>> -> memref<8x64xi32, #tpu.memory_space<hbm>>
      %dma_start3A_51 = arith.constant 0 : i32
      %dma_start3A_52 = arith.constant 0 : i32
      %dma_start3A_53 = tpu.memref_slice %arg3[%add3A, %dma_start3A_51, %dma_start3A_52] : memref<32x8x64xi32, #tpu.memory_space<hbm>> -> memref<1x8x64xi32, #tpu.memory_space<hbm>>
      %dma_start3A_54 = tpu.memref_squeeze %dma_start3A_53 : memref<1x8x64xi32, #tpu.memory_space<hbm>> -> memref<8x64xi32, #tpu.memory_space<hbm>>
      tpu.enqueue_dma source(%dma_start3A_54 : memref<8x64xi32, #tpu.memory_space<hbm>>) target(%arg5 : memref<8x64xi32, #tpu.memory_space<vmem>>) target_semaphore(%run_scoped3A : memref<!tpu.dma_semaphore, #tpu.memory_space<semaphore_mem>>)
      %dma_wait3A_55 = arith.constant 0 : i32
      %dma_wait3A_56 = arith.constant 0 : i32
      %dma_wait3A_57 = tpu.memref_slice %arg3[%add3A, %dma_wait3A_55, %dma_wait3A_56] : memref<32x8x64xi32, #tpu.memory_space<hbm>> -> memref<1x8x64xi32, #tpu.memory_space<hbm>>
      %dma_wait3A_58 = tpu.memref_squeeze %dma_wait3A_57 : memref<1x8x64xi32, #tpu.memory_space<hbm>> -> memref<8x64xi32, #tpu.memory_space<hbm>>
      %dma_wait3A_59 = arith.constant 0 : i32
      %dma_wait3A_60 = arith.constant 0 : i32
      %dma_wait3A_61 = tpu.memref_slice %arg3[%add3A, %dma_wait3A_59, %dma_wait3A_60] : memref<32x8x64xi32, #tpu.memory_space<hbm>> -> memref<1x8x64xi32, #tpu.memory_space<hbm>>
      %dma_wait3A_62 = tpu.memref_squeeze %dma_wait3A_61 : memref<1x8x64xi32, #tpu.memory_space<hbm>> -> memref<8x64xi32, #tpu.memory_space<hbm>>
      tpu.wait_dma2 semaphore(%run_scoped3A : memref<!tpu.dma_semaphore, #tpu.memory_space<semaphore_mem>>) src(%dma_wait3A_62 : memref<8x64xi32, #tpu.memory_space<hbm>>) dst(%arg5 : memref<8x64xi32, #tpu.memory_space<vmem>>)
      tpu.yield
    }) : () -> ()
    %dma_start3A = arith.constant 0 : i32
    %dma_start3A_3 = arith.constant 0 : i32
    %dma_start3A_4 = arith.constant 0 : i32
    %dma_start3A_5 = arith.constant 0 : i32
    %dma_start3A_6 = tpu.memref_slice %arg6[%dma_start3A_3, %dma_start3A_4, %dma_start3A_5] : memref<2x64x768xf32, #tpu.memory_space<vmem>> -> memref<1x64x768xf32, #tpu.memory_space<vmem>>
    %dma_start3A_7 = tpu.memref_squeeze %dma_start3A_6 : memref<1x64x768xf32, #tpu.memory_space<vmem>> -> memref<64x768xf32, #tpu.memory_space<vmem>>
    %dma_start3A_8 = arith.constant 0 : i32
    %dma_start3A_9 = tpu.memref_slice %arg5[%dma_start3A, %dma_start3A_8] : memref<8x64xi32, #tpu.memory_space<vmem>> -> memref<1x64xi32, #tpu.memory_space<vmem>>
    %dma_start3A_10 = tpu.memref_squeeze %dma_start3A_9 : memref<1x64xi32, #tpu.memory_space<vmem>> -> memref<64xi32, #tpu.memory_space<vmem>>
    %dma_start3A_11 = arith.constant 0 : i32
    %dma_start3A_12 = arith.constant 0 : i32
    %dma_start3A_13 = tpu.memref_slice %arg2[%dma_start3A_11, %dma_start3A_12] : memref<100000x768xf32, #tpu.memory_space<hbm>> -> memref<100000x768xf32, #tpu.memory_space<hbm>>
    tpu.enqueue_indirect_dma source(%dma_start3A_13 : memref<100000x768xf32, #tpu.memory_space<hbm>>) target(%dma_start3A_7 : memref<64x768xf32, #tpu.memory_space<vmem>>) offsets(%dma_start3A_10 : memref<64xi32, #tpu.memory_space<vmem>>) semaphore(%arg7 : memref<!tpu.dma_semaphore, #tpu.memory_space<semaphore_mem>>)
    %scan3A = arith.constant 0 : i32
    %scan3A_14 = arith.constant 4 : i32
    %scan3A_15 = arith.addi %scan3A, %scan3A_14 : i32
    %scan3A_16 = arith.constant 1 : i32
    scf.for %scan3A_47 = %scan3A to %scan3A_15 step %scan3A_16  : i32 {
      %mul3A_48 = arith.constant 1 : i32
      %mul3A_49 = arith.muli %scan3A_47, %mul3A_48 : i32
      %add3A_50 = arith.constant 0 : i32
      %add3A_51 = arith.addi %add3A_50, %mul3A_49 : i32
      %mul3A_52 = arith.constant 2 : i32
      %mul3A_53 = arith.muli %add3A_51, %mul3A_52 : i32
      %add3A_54 = arith.constant 0 : i32
      %add3A_55 = arith.addi %mul3A_53, %add3A_54 : i32
      %dma_wait3A_56 = arith.constant 0 : i32
      %dma_wait3A_57 = arith.constant 0 : i32
      %dma_wait3A_58 = arith.constant 0 : i32
      %dma_wait3A_59 = tpu.memref_slice %arg6[%dma_wait3A_56, %dma_wait3A_57, %dma_wait3A_58] : memref<2x64x768xf32, #tpu.memory_space<vmem>> -> memref<1x64x768xf32, #tpu.memory_space<vmem>>
      %dma_wait3A_60 = tpu.memref_squeeze %dma_wait3A_59 : memref<1x64x768xf32, #tpu.memory_space<vmem>> -> memref<64x768xf32, #tpu.memory_space<vmem>>
      %dma_wait3A_61 = arith.constant 0 : i32
      %dma_wait3A_62 = tpu.memref_slice %arg5[%add3A_55, %dma_wait3A_61] : memref<8x64xi32, #tpu.memory_space<vmem>> -> memref<1x64xi32, #tpu.memory_space<vmem>>
      %dma_wait3A_63 = tpu.memref_squeeze %dma_wait3A_62 : memref<1x64xi32, #tpu.memory_space<vmem>> -> memref<64xi32, #tpu.memory_space<vmem>>
      %dma_wait3A_64 = arith.constant 0 : i32
      %dma_wait3A_65 = arith.constant 0 : i32
      %dma_wait3A_66 = tpu.memref_slice %arg2[%dma_wait3A_64, %dma_wait3A_65] : memref<100000x768xf32, #tpu.memory_space<hbm>> -> memref<100000x768xf32, #tpu.memory_space<hbm>>
      tpu.wait_indirect_dma semaphore(%arg7 : memref<!tpu.dma_semaphore, #tpu.memory_space<semaphore_mem>>) src(%dma_wait3A_66 : memref<100000x768xf32, #tpu.memory_space<hbm>>) dst(%dma_wait3A_60 : memref<64x768xf32, #tpu.memory_space<vmem>>)
      %add3A_67 = arith.constant 1 : i32
      %add3A_68 = arith.addi %add3A_55, %add3A_67 : i32
      %lt3A = arith.constant 8 : i32
      %lt3A_69 = arith.cmpi slt, %add3A_68, %lt3A : i32
      %convert_element_type3A = arith.extui %lt3A_69 : i1 to i32
      %cond3A = arith.constant 0 : i32
      %cond3A_70 = arith.cmpi ne, %convert_element_type3A, %cond3A : i32
      scf.if %cond3A_70 {
        %ge3A = arith.constant 2 : i32
        %ge3A_135 = arith.cmpi sge, %add3A_68, %ge3A : i32
        %convert_element_type3A_136 = arith.extui %ge3A_135 : i1 to i32
        %cond3A_137 = arith.constant 0 : i32
        %cond3A_138 = arith.cmpi ne, %convert_element_type3A_136, %cond3A_137 : i32
        scf.if %cond3A_138 {
          %sub3A = arith.constant 2 : i32
          %sub3A_150 = arith.subi %add3A_68, %sub3A : i32
          %mul3A_151 = arith.constant 64 : i32
          %mul3A_152 = arith.muli %sub3A_150, %mul3A_151 : i32
          %add3A_153 = arith.addi %mul3A_2, %mul3A_152 : i32
          %dma_wait3A_154 = arith.constant 1 : i32
          %dma_wait3A_155 = arith.constant 0 : i32
          %dma_wait3A_156 = arith.constant 0 : i32
          %dma_wait3A_157 = tpu.memref_slice %arg6[%dma_wait3A_154, %dma_wait3A_155, %dma_wait3A_156] : memref<2x64x768xf32, #tpu.memory_space<vmem>> -> memref<1x64x768xf32, #tpu.memory_space<vmem>>
          %dma_wait3A_158 = tpu.memref_squeeze %dma_wait3A_157 : memref<1x64x768xf32, #tpu.memory_space<vmem>> -> memref<64x768xf32, #tpu.memory_space<vmem>>
          %dma_wait3A_159 = arith.constant 0 : i32
          %dma_wait3A_160 = tpu.memref_slice %arg4[%add3A_153, %dma_wait3A_159] : memref<16384x768xf32, #tpu.memory_space<hbm>> -> memref<64x768xf32, #tpu.memory_space<hbm>>
          %dma_wait3A_161 = arith.constant 0 : i32
          %dma_wait3A_162 = tpu.memref_slice %arg4[%add3A_153, %dma_wait3A_161] : memref<16384x768xf32, #tpu.memory_space<hbm>> -> memref<64x768xf32, #tpu.memory_space<hbm>>
          %dma_wait3A_163 = arith.constant 0 : i32
          %dma_wait3A_164 = arith.constant 0 : i32
          %dma_wait3A_165 = tpu.memref_slice %arg6[%dma_wait3A_154, %dma_wait3A_163, %dma_wait3A_164] : memref<2x64x768xf32, #tpu.memory_space<vmem>> -> memref<1x64x768xf32, #tpu.memory_space<vmem>>
          %dma_wait3A_166 = tpu.memref_squeeze %dma_wait3A_165 : memref<1x64x768xf32, #tpu.memory_space<vmem>> -> memref<64x768xf32, #tpu.memory_space<vmem>>
          tpu.wait_dma2 semaphore(%arg10 : memref<!tpu.dma_semaphore, #tpu.memory_space<semaphore_mem>>) src(%dma_wait3A_166 : memref<64x768xf32, #tpu.memory_space<vmem>>) dst(%dma_wait3A_162 : memref<64x768xf32, #tpu.memory_space<hbm>>)
        } else {
        }
        %dma_start3A_139 = arith.constant 1 : i32
        %dma_start3A_140 = arith.constant 0 : i32
        %dma_start3A_141 = arith.constant 0 : i32
        %dma_start3A_142 = tpu.memref_slice %arg6[%dma_start3A_139, %dma_start3A_140, %dma_start3A_141] : memref<2x64x768xf32, #tpu.memory_space<vmem>> -> memref<1x64x768xf32, #tpu.memory_space<vmem>>
        %dma_start3A_143 = tpu.memref_squeeze %dma_start3A_142 : memref<1x64x768xf32, #tpu.memory_space<vmem>> -> memref<64x768xf32, #tpu.memory_space<vmem>>
        %dma_start3A_144 = arith.constant 0 : i32
        %dma_start3A_145 = tpu.memref_slice %arg5[%add3A_68, %dma_start3A_144] : memref<8x64xi32, #tpu.memory_space<vmem>> -> memref<1x64xi32, #tpu.memory_space<vmem>>
        %dma_start3A_146 = tpu.memref_squeeze %dma_start3A_145 : memref<1x64xi32, #tpu.memory_space<vmem>> -> memref<64xi32, #tpu.memory_space<vmem>>
        %dma_start3A_147 = arith.constant 0 : i32
        %dma_start3A_148 = arith.constant 0 : i32
        %dma_start3A_149 = tpu.memref_slice %arg2[%dma_start3A_147, %dma_start3A_148] : memref<100000x768xf32, #tpu.memory_space<hbm>> -> memref<100000x768xf32, #tpu.memory_space<hbm>>
        tpu.enqueue_indirect_dma source(%dma_start3A_149 : memref<100000x768xf32, #tpu.memory_space<hbm>>) target(%dma_start3A_143 : memref<64x768xf32, #tpu.memory_space<vmem>>) offsets(%dma_start3A_146 : memref<64xi32, #tpu.memory_space<vmem>>) semaphore(%arg8 : memref<!tpu.dma_semaphore, #tpu.memory_space<semaphore_mem>>)
      } else {
      }
      %scan3A_71 = arith.constant 0 : i32
      %scan3A_72 = arith.constant 0 : i32
      %scan3A_73 = arith.constant 64 : i32
      %scan3A_74 = arith.addi %scan3A_72, %scan3A_73 : i32
      %scan3A_75 = arith.constant 1 : i32
      scf.for %scan3A_135 = %scan3A_72 to %scan3A_74 step %scan3A_75  : i32 {
        %get3A = arith.constant 0 : i32
        %get3A_136 = arith.index_cast %get3A : i32 to index
        %get3A_137 = arith.index_cast %scan3A_135 : i32 to index
        %get3A_138 = arith.constant 0 : index
        %get3A_139 = tpu.vector_load %arg6[%get3A_136, %get3A_137, %get3A_138] {strides = array<i32>} : memref<2x64x768xf32, #tpu.memory_space<vmem>>, vector<1x1x16xf32>,
        %get3A_140 = vector.shape_cast %get3A_139 : vector<1x1x16xf32> to vector<16xf32>
        %mul3A_141 = arith.constant 27.7128124 : f32
        %mul3A_142 = vector.broadcast %mul3A_141 : f32 to vector<16xf32>
        %mul3A_143 = arith.mulf %get3A_140, %mul3A_142 : vector<16xf32>
        %swap3A = arith.constant 0 : i32
        %swap3A_144 = arith.index_cast %swap3A : i32 to index
        %swap3A_145 = arith.index_cast %scan3A_135 : i32 to index
        %swap3A_146 = arith.constant 0 : index
        %swap3A_147 = tpu.vector_load %arg6[%swap3A_144, %swap3A_145, %swap3A_146] {strides = array<i32>} : memref<2x64x768xf32, #tpu.memory_space<vmem>>, vector<1x1x16xf32>,
        %swap3A_148 = vector.shape_cast %swap3A_147 : vector<1x1x16xf32> to vector<16xf32>
        %swap3A_149 = vector.shape_cast %mul3A_143 : vector<16xf32> to vector<1x1x16xf32>
        tpu.vector_store %arg6[%swap3A_144, %swap3A_145, %swap3A_146], %swap3A_149 {strides = array<i32>} : memref<2x64x768xf32, #tpu.memory_space<vmem>>, vector<1x1x16xf32>,
        %get3A_150 = arith.constant 0 : i32
        %get3A_151 = arith.index_cast %get3A_150 : i32 to index
        %get3A_152 = arith.index_cast %scan3A_135 : i32 to index
        %get3A_153 = arith.constant 16 : index
        %get3A_154 = tpu.vector_load %arg6[%get3A_151, %get3A_152, %get3A_153] {strides = array<i32>} : memref<2x64x768xf32, #tpu.memory_space<vmem>>, vector<1x1x16xf32>,
        %get3A_155 = vector.shape_cast %get3A_154 : vector<1x1x16xf32> to vector<16xf32>
        %mul3A_156 = arith.constant 27.7128124 : f32
        %mul3A_157 = vector.broadcast %mul3A_156 : f32 to vector<16xf32>
        %mul3A_158 = arith.mulf %get3A_155, %mul3A_157 : vector<16xf32>
        %swap3A_159 = arith.constant 0 : i32
        %swap3A_160 = arith.index_cast %swap3A_159 : i32 to index
        %swap3A_161 = arith.index_cast %scan3A_135 : i32 to index
        %swap3A_162 = arith.constant 16 : index
        %swap3A_163 = tpu.vector_load %arg6[%swap3A_160, %swap3A_161, %swap3A_162] {strides = array<i32>} : memref<2x64x768xf32, #tpu.memory_space<vmem>>, vector<1x1x16xf32>,
        %swap3A_164 = vector.shape_cast %swap3A_163 : vector<1x1x16xf32> to vector<16xf32>
        %swap3A_165 = vector.shape_cast %mul3A_158 : vector<16xf32> to vector<1x1x16xf32>
        tpu.vector_store %arg6[%swap3A_160, %swap3A_161, %swap3A_162], %swap3A_165 {strides = array<i32>} : memref<2x64x768xf32, #tpu.memory_space<vmem>>, vector<1x1x16xf32>,
        %get3A_166 = arith.constant 0 : i32
        %get3A_167 = arith.index_cast %get3A_166 : i32 to index
        %get3A_168 = arith.index_cast %scan3A_135 : i32 to index
        %get3A_169 = arith.constant 32 : index
        %get3A_170 = tpu.vector_load %arg6[%get3A_167, %get3A_168, %get3A_169] {strides = array<i32>} : memref<2x64x768xf32, #tpu.memory_space<vmem>>, vector<1x1x16xf32>,
        %get3A_171 = vector.shape_cast %get3A_170 : vector<1x1x16xf32> to vector<16xf32>
        %mul3A_172 = arith.constant 27.7128124 : f32
        %mul3A_173 = vector.broadcast %mul3A_172 : f32 to vector<16xf32>
        %mul3A_174 = arith.mulf %get3A_171, %mul3A_173 : vector<16xf32>
        %swap3A_175 = arith.constant 0 : i32
        %swap3A_176 = arith.index_cast %swap3A_175 : i32 to index
        %swap3A_177 = arith.index_cast %scan3A_135 : i32 to index
        %swap3A_178 = arith.constant 32 : index
        %swap3A_179 = tpu.vector_load %arg6[%swap3A_176, %swap3A_177, %swap3A_178] {strides = array<i32>} : memref<2x64x768xf32, #tpu.memory_space<vmem>>, vector<1x1x16xf32>,
        %swap3A_180 = vector.shape_cast %swap3A_179 : vector<1x1x16xf32> to vector<16xf32>
        %swap3A_181 = vector.shape_cast %mul3A_174 : vector<16xf32> to vector<1x1x16xf32>
        tpu.vector_store %arg6[%swap3A_176, %swap3A_177, %swap3A_178], %swap3A_181 {strides = array<i32>} : memref<2x64x768xf32, #tpu.memory_space<vmem>>, vector<1x1x16xf32>,
        %get3A_182 = arith.constant 0 : i32
        %get3A_183 = arith.index_cast %get3A_182 : i32 to index
        %get3A_184 = arith.index_cast %scan3A_135 : i32 to index
        %get3A_185 = arith.constant 48 : index
        %get3A_186 = tpu.vector_load %arg6[%get3A_183, %get3A_184, %get3A_185] {strides = array<i32>} : memref<2x64x768xf32, #tpu.memory_space<vmem>>, vector<1x1x16xf32>,
        %get3A_187 = vector.shape_cast %get3A_186 : vector<1x1x16xf32> to vector<16xf32>
        %mul3A_188 = arith.constant 27.7128124 : f32
        %mul3A_189 = vector.broadcast %mul3A_188 : f32 to vector<16xf32>
        %mul3A_190 = arith.mulf %get3A_187, %mul3A_189 : vector<16xf32>
        %swap3A_191 = arith.constant 0 : i32
        %swap3A_192 = arith.index_cast %swap3A_191 : i32 to index
        %swap3A_193 = arith.index_cast %scan3A_135 : i32 to index
        %swap3A_194 = arith.constant 48 : index
        %swap3A_195 = tpu.vector_load %arg6[%swap3A_192, %swap3A_193, %swap3A_194] {strides = array<i32>} : memref<2x64x768xf32, #tpu.memory_space<vmem>>, vector<1x1x16xf32>,
        %swap3A_196 = vector.shape_cast %swap3A_195 : vector<1x1x16xf32> to vector<16xf32>
        %swap3A_197 = vector.shape_cast %mul3A_190 : vector<16xf32> to vector<1x1x16xf32>
        tpu.vector_store %arg6[%swap3A_192, %swap3A_193, %swap3A_194], %swap3A_197 {strides = array<i32>} : memref<2x64x768xf32, #tpu.memory_space<vmem>>, vector<1x1x16xf32>,
        %get3A_198 = arith.constant 0 : i32
        %get3A_199 = arith.index_cast %get3A_198 : i32 to index
        %get3A_200 = arith.index_cast %scan3A_135 : i32 to index
        %get3A_201 = arith.constant 64 : index
        %get3A_202 = tpu.vector_load %arg6[%get3A_199, %get3A_200, %get3A_201] {strides = array<i32>} : memref<2x64x768xf32, #tpu.memory_space<vmem>>, vector<1x1x16xf32>,
        %get3A_203 = vector.shape_cast %get3A_202 : vector<1x1x16xf32> to vector<16xf32>
        %mul3A_204 = arith.constant 27.7128124 : f32
        %mul3A_205 = vector.broadcast %mul3A_204 : f32 to vector<16xf32>
        %mul3A_206 = arith.mulf %get3A_203, %mul3A_205 : vector<16xf32>
        %swap3A_207 = arith.constant 0 : i32
        %swap3A_208 = arith.index_cast %swap3A_207 : i32 to index
        %swap3A_209 = arith.index_cast %scan3A_135 : i32 to index
        %swap3A_210 = arith.constant 64 : index
        %swap3A_211 = tpu.vector_load %arg6[%swap3A_208, %swap3A_209, %swap3A_210] {strides = array<i32>} : memref<2x64x768xf32, #tpu.memory_space<vmem>>, vector<1x1x16xf32>,
        %swap3A_212 = vector.shape_cast %swap3A_211 : vector<1x1x16xf32> to vector<16xf32>
        %swap3A_213 = vector.shape_cast %mul3A_206 : vector<16xf32> to vector<1x1x16xf32>
        tpu.vector_store %arg6[%swap3A_208, %swap3A_209, %swap3A_210], %swap3A_213 {strides = array<i32>} : memref<2x64x768xf32, #tpu.memory_space<vmem>>, vector<1x1x16xf32>,
        %get3A_214 = arith.constant 0 : i32
        %get3A_215 = arith.index_cast %get3A_214 : i32 to index
        %get3A_216 = arith.index_cast %scan3A_135 : i32 to index
        %get3A_217 = arith.constant 80 : index
        %get3A_218 = tpu.vector_load %arg6[%get3A_215, %get3A_216, %get3A_217] {strides = array<i32>} : memref<2x64x768xf32, #tpu.memory_space<vmem>>, vector<1x1x16xf32>,
        %get3A_219 = vector.shape_cast %get3A_218 : vector<1x1x16xf32> to vector<16xf32>
        %mul3A_220 = arith.constant 27.7128124 : f32
        %mul3A_221 = vector.broadcast %mul3A_220 : f32 to vector<16xf32>
        %mul3A_222 = arith.mulf %get3A_219, %mul3A_221 : vector<16xf32>
        %swap3A_223 = arith.constant 0 : i32
        %swap3A_224 = arith.index_cast %swap3A_223 : i32 to index
        %swap3A_225 = arith.index_cast %scan3A_135 : i32 to index
        %swap3A_226 = arith.constant 80 : index
        %swap3A_227 = tpu.vector_load %arg6[%swap3A_224, %swap3A_225, %swap3A_226] {strides = array<i32>} : memref<2x64x768xf32, #tpu.memory_space<vmem>>, vector<1x1x16xf32>,
        %swap3A_228 = vector.shape_cast %swap3A_227 : vector<1x1x16xf32> to vector<16xf32>
        %swap3A_229 = vector.shape_cast %mul3A_222 : vector<16xf32> to vector<1x1x16xf32>
        tpu.vector_store %arg6[%swap3A_224, %swap3A_225, %swap3A_226], %swap3A_229 {strides = array<i32>} : memref<2x64x768xf32, #tpu.memory_space<vmem>>, vector<1x1x16xf32>,
        %get3A_230 = arith.constant 0 : i32
        %get3A_231 = arith.index_cast %get3A_230 : i32 to index
        %get3A_232 = arith.index_cast %scan3A_135 : i32 to index
        %get3A_233 = arith.constant 96 : index
        %get3A_234 = tpu.vector_load %arg6[%get3A_231, %get3A_232, %get3A_233] {strides = array<i32>} : memref<2x64x768xf32, #tpu.memory_space<vmem>>, vector<1x1x16xf32>,
        %get3A_235 = vector.shape_cast %get3A_234 : vector<1x1x16xf32> to vector<16xf32>
        %mul3A_236 = arith.constant 27.7128124 : f32
        %mul3A_237 = vector.broadcast %mul3A_236 : f32 to vector<16xf32>
        %mul3A_238 = arith.mulf %get3A_235, %mul3A_237 : vector<16xf32>
        %swap3A_239 = arith.constant 0 : i32
        %swap3A_240 = arith.index_cast %swap3A_239 : i32 to index
        %swap3A_241 = arith.index_cast %scan3A_135 : i32 to index
        %swap3A_242 = arith.constant 96 : index
        %swap3A_243 = tpu.vector_load %arg6[%swap3A_240, %swap3A_241, %swap3A_242] {strides = array<i32>} : memref<2x64x768xf32, #tpu.memory_space<vmem>>, vector<1x1x16xf32>,
        %swap3A_244 = vector.shape_cast %swap3A_243 : vector<1x1x16xf32> to vector<16xf32>
        %swap3A_245 = vector.shape_cast %mul3A_238 : vector<16xf32> to vector<1x1x16xf32>
        tpu.vector_store %arg6[%swap3A_240, %swap3A_241, %swap3A_242], %swap3A_245 {strides = array<i32>} : memref<2x64x768xf32, #tpu.memory_space<vmem>>, vector<1x1x16xf32>,
        %get3A_246 = arith.constant 0 : i32
        %get3A_247 = arith.index_cast %get3A_246 : i32 to index
        %get3A_248 = arith.index_cast %scan3A_135 : i32 to index
        %get3A_249 = arith.constant 112 : index
        %get3A_250 = tpu.vector_load %arg6[%get3A_247, %get3A_248, %get3A_249] {strides = array<i32>} : memref<2x64x768xf32, #tpu.memory_space<vmem>>, vector<1x1x16xf32>,
        %get3A_251 = vector.shape_cast %get3A_250 : vector<1x1x16xf32> to vector<16xf32>
        %mul3A_252 = arith.constant 27.7128124 : f32
        %mul3A_253 = vector.broadcast %mul3A_252 : f32 to vector<16xf32>
        %mul3A_254 = arith.mulf %get3A_251, %mul3A_253 : vector<16xf32>
        %swap3A_255 = arith.constant 0 : i32
        %swap3A_256 = arith.index_cast %swap3A_255 : i32 to index
        %swap3A_257 = arith.index_cast %scan3A_135 : i32 to index
        %swap3A_258 = arith.constant 112 : index
        %swap3A_259 = tpu.vector_load %arg6[%swap3A_256, %swap3A_257, %swap3A_258] {strides = array<i32>} : memref<2x64x768xf32, #tpu.memory_space<vmem>>, vector<1x1x16xf32>,
        %swap3A_260 = vector.shape_cast %swap3A_259 : vector<1x1x16xf32> to vector<16xf32>
        %swap3A_261 = vector.shape_cast %mul3A_254 : vector<16xf32> to vector<1x1x16xf32>
        tpu.vector_store %arg6[%swap3A_256, %swap3A_257, %swap3A_258], %swap3A_261 {strides = array<i32>} : memref<2x64x768xf32, #tpu.memory_space<vmem>>, vector<1x1x16xf32>,
        %get3A_262 = arith.constant 0 : i32
        %get3A_263 = arith.index_cast %get3A_262 : i32 to index
        %get3A_264 = arith.index_cast %scan3A_135 : i32 to index
        %get3A_265 = arith.constant 128 : index
        %get3A_266 = tpu.vector_load %arg6[%get3A_263, %get3A_264, %get3A_265] {strides = array<i32>} : memref<2x64x768xf32, #tpu.memory_space<vmem>>, vector<1x1x16xf32>,
        %get3A_267 = vector.shape_cast %get3A_266 : vector<1x1x16xf32> to vector<16xf32>
        %mul3A_268 = arith.constant 27.7128124 : f32
        %mul3A_269 = vector.broadcast %mul3A_268 : f32 to vector<16xf32>
        %mul3A_270 = arith.mulf %get3A_267, %mul3A_269 : vector<16xf32>
        %swap3A_271 = arith.constant 0 : i32
        %swap3A_272 = arith.index_cast %swap3A_271 : i32 to index
        %swap3A_273 = arith.index_cast %scan3A_135 : i32 to index
        %swap3A_274 = arith.constant 128 : index
        %swap3A_275 = tpu.vector_load %arg6[%swap3A_272, %swap3A_273, %swap3A_274] {strides = array<i32>} : memref<2x64x768xf32, #tpu.memory_space<vmem>>, vector<1x1x16xf32>,
        %swap3A_276 = vector.shape_cast %swap3A_275 : vector<1x1x16xf32> to vector<16xf32>
        %swap3A_277 = vector.shape_cast %mul3A_270 : vector<16xf32> to vector<1x1x16xf32>
        tpu.vector_store %arg6[%swap3A_272, %swap3A_273, %swap3A_274], %swap3A_277 {strides = array<i32>} : memref<2x64x768xf32, #tpu.memory_space<vmem>>, vector<1x1x16xf32>,
        %get3A_278 = arith.constant 0 : i32
        %get3A_279 = arith.index_cast %get3A_278 : i32 to index
        %get3A_280 = arith.index_cast %scan3A_135 : i32 to index
        %get3A_281 = arith.constant 144 : index
        %get3A_282 = tpu.vector_load %arg6[%get3A_279, %get3A_280, %get3A_281] {strides = array<i32>} : memref<2x64x768xf32, #tpu.memory_space<vmem>>, vector<1x1x16xf32>,
        %get3A_283 = vector.shape_cast %get3A_282 : vector<1x1x16xf32> to vector<16xf32>
        %mul3A_284 = arith.constant 27.7128124 : f32
        %mul3A_285 = vector.broadcast %mul3A_284 : f32 to vector<16xf32>
        %mul3A_286 = arith.mulf %get3A_283, %mul3A_285 : vector<16xf32>
        %swap3A_287 = arith.constant 0 : i32
        %swap3A_288 = arith.index_cast %swap3A_287 : i32 to index
        %swap3A_289 = arith.index_cast %scan3A_135 : i32 to index
        %swap3A_290 = arith.constant 144 : index
        %swap3A_291 = tpu.vector_load %arg6[%swap3A_288, %swap3A_289, %swap3A_290] {strides = array<i32>} : memref<2x64x768xf32, #tpu.memory_space<vmem>>, vector<1x1x16xf32>,
        %swap3A_292 = vector.shape_cast %swap3A_291 : vector<1x1x16xf32> to vector<16xf32>
        %swap3A_293 = vector.shape_cast %mul3A_286 : vector<16xf32> to vector<1x1x16xf32>
        tpu.vector_store %arg6[%swap3A_288, %swap3A_289, %swap3A_290], %swap3A_293 {strides = array<i32>} : memref<2x64x768xf32, #tpu.memory_space<vmem>>, vector<1x1x16xf32>,
        %get3A_294 = arith.constant 0 : i32
        %get3A_295 = arith.index_cast %get3A_294 : i32 to index
        %get3A_296 = arith.index_cast %scan3A_135 : i32 to index
        %get3A_297 = arith.constant 160 : index
        %get3A_298 = tpu.vector_load %arg6[%get3A_295, %get3A_296, %get3A_297] {strides = array<i32>} : memref<2x64x768xf32, #tpu.memory_space<vmem>>, vector<1x1x16xf32>,
        %get3A_299 = vector.shape_cast %get3A_298 : vector<1x1x16xf32> to vector<16xf32>
        %mul3A_300 = arith.constant 27.7128124 : f32
        %mul3A_301 = vector.broadcast %mul3A_300 : f32 to vector<16xf32>
        %mul3A_302 = arith.mulf %get3A_299, %mul3A_301 : vector<16xf32>
        %swap3A_303 = arith.constant 0 : i32
        %swap3A_304 = arith.index_cast %swap3A_303 : i32 to index
        %swap3A_305 = arith.index_cast %scan3A_135 : i32 to index
        %swap3A_306 = arith.constant 160 : index
        %swap3A_307 = tpu.vector_load %arg6[%swap3A_304, %swap3A_305, %swap3A_306] {strides = array<i32>} : memref<2x64x768xf32, #tpu.memory_space<vmem>>, vector<1x1x16xf32>,
        %swap3A_308 = vector.shape_cast %swap3A_307 : vector<1x1x16xf32> to vector<16xf32>
        %swap3A_309 = vector.shape_cast %mul3A_302 : vector<16xf32> to vector<1x1x16xf32>
        tpu.vector_store %arg6[%swap3A_304, %swap3A_305, %swap3A_306], %swap3A_309 {strides = array<i32>} : memref<2x64x768xf32, #tpu.memory_space<vmem>>, vector<1x1x16xf32>,
        %get3A_310 = arith.constant 0 : i32
        %get3A_311 = arith.index_cast %get3A_310 : i32 to index
        %get3A_312 = arith.index_cast %scan3A_135 : i32 to index
        %get3A_313 = arith.constant 176 : index
        %get3A_314 = tpu.vector_load %arg6[%get3A_311, %get3A_312, %get3A_313] {strides = array<i32>} : memref<2x64x768xf32, #tpu.memory_space<vmem>>, vector<1x1x16xf32>,
        %get3A_315 = vector.shape_cast %get3A_314 : vector<1x1x16xf32> to vector<16xf32>
        %mul3A_316 = arith.constant 27.7128124 : f32
        %mul3A_317 = vector.broadcast %mul3A_316 : f32 to vector<16xf32>
        %mul3A_318 = arith.mulf %get3A_315, %mul3A_317 : vector<16xf32>
        %swap3A_319 = arith.constant 0 : i32
        %swap3A_320 = arith.index_cast %swap3A_319 : i32 to index
        %swap3A_321 = arith.index_cast %scan3A_135 : i32 to index
        %swap3A_322 = arith.constant 176 : index
        %swap3A_323 = tpu.vector_load %arg6[%swap3A_320, %swap3A_321, %swap3A_322] {strides = array<i32>} : memref<2x64x768xf32, #tpu.memory_space<vmem>>, vector<1x1x16xf32>,
        %swap3A_324 = vector.shape_cast %swap3A_323 : vector<1x1x16xf32> to vector<16xf32>
        %swap3A_325 = vector.shape_cast %mul3A_318 : vector<16xf32> to vector<1x1x16xf32>
        tpu.vector_store %arg6[%swap3A_320, %swap3A_321, %swap3A_322], %swap3A_325 {strides = array<i32>} : memref<2x64x768xf32, #tpu.memory_space<vmem>>, vector<1x1x16xf32>,
        %get3A_326 = arith.constant 0 : i32
        %get3A_327 = arith.index_cast %get3A_326 : i32 to index
        %get3A_328 = arith.index_cast %scan3A_135 : i32 to index
        %get3A_329 = arith.constant 192 : index
        %get3A_330 = tpu.vector_load %arg6[%get3A_327, %get3A_328, %get3A_329] {strides = array<i32>} : memref<2x64x768xf32, #tpu.memory_space<vmem>>, vector<1x1x16xf32>,
        %get3A_331 = vector.shape_cast %get3A_330 : vector<1x1x16xf32> to vector<16xf32>
        %mul3A_332 = arith.constant 27.7128124 : f32
        %mul3A_333 = vector.broadcast %mul3A_332 : f32 to vector<16xf32>
        %mul3A_334 = arith.mulf %get3A_331, %mul3A_333 : vector<16xf32>
        %swap3A_335 = arith.constant 0 : i32
        %swap3A_336 = arith.index_cast %swap3A_335 : i32 to index
        %swap3A_337 = arith.index_cast %scan3A_135 : i32 to index
        %swap3A_338 = arith.constant 192 : index
        %swap3A_339 = tpu.vector_load %arg6[%swap3A_336, %swap3A_337, %swap3A_338] {strides = array<i32>} : memref<2x64x768xf32, #tpu.memory_space<vmem>>, vector<1x1x16xf32>,
        %swap3A_340 = vector.shape_cast %swap3A_339 : vector<1x1x16xf32> to vector<16xf32>
        %swap3A_341 = vector.shape_cast %mul3A_334 : vector<16xf32> to vector<1x1x16xf32>
        tpu.vector_store %arg6[%swap3A_336, %swap3A_337, %swap3A_338], %swap3A_341 {strides = array<i32>} : memref<2x64x768xf32, #tpu.memory_space<vmem>>, vector<1x1x16xf32>,
        %get3A_342 = arith.constant 0 : i32
        %get3A_343 = arith.index_cast %get3A_342 : i32 to index
        %get3A_344 = arith.index_cast %scan3A_135 : i32 to index
        %get3A_345 = arith.constant 208 : index
        %get3A_346 = tpu.vector_load %arg6[%get3A_343, %get3A_344, %get3A_345] {strides = array<i32>} : memref<2x64x768xf32, #tpu.memory_space<vmem>>, vector<1x1x16xf32>,
        %get3A_347 = vector.shape_cast %get3A_346 : vector<1x1x16xf32> to vector<16xf32>
        %mul3A_348 = arith.constant 27.7128124 : f32
        %mul3A_349 = vector.broadcast %mul3A_348 : f32 to vector<16xf32>
        %mul3A_350 = arith.mulf %get3A_347, %mul3A_349 : vector<16xf32>
        %swap3A_351 = arith.constant 0 : i32
        %swap3A_352 = arith.index_cast %swap3A_351 : i32 to index
        %swap3A_353 = arith.index_cast %scan3A_135 : i32 to index
        %swap3A_354 = arith.constant 208 : index
        %swap3A_355 = tpu.vector_load %arg6[%swap3A_352, %swap3A_353, %swap3A_354] {strides = array<i32>} : memref<2x64x768xf32, #tpu.memory_space<vmem>>, vector<1x1x16xf32>,
        %swap3A_356 = vector.shape_cast %swap3A_355 : vector<1x1x16xf32> to vector<16xf32>
        %swap3A_357 = vector.shape_cast %mul3A_350 : vector<16xf32> to vector<1x1x16xf32>
        tpu.vector_store %arg6[%swap3A_352, %swap3A_353, %swap3A_354], %swap3A_357 {strides = array<i32>} : memref<2x64x768xf32, #tpu.memory_space<vmem>>, vector<1x1x16xf32>,
        %get3A_358 = arith.constant 0 : i32
        %get3A_359 = arith.index_cast %get3A_358 : i32 to index
        %get3A_360 = arith.index_cast %scan3A_135 : i32 to index
        %get3A_361 = arith.constant 224 : index
        %get3A_362 = tpu.vector_load %arg6[%get3A_359, %get3A_360, %get3A_361] {strides = array<i32>} : memref<2x64x768xf32, #tpu.memory_space<vmem>>, vector<1x1x16xf32>,
        %get3A_363 = vector.shape_cast %get3A_362 : vector<1x1x16xf32> to vector<16xf32>
        %mul3A_364 = arith.constant 27.7128124 : f32
        %mul3A_365 = vector.broadcast %mul3A_364 : f32 to vector<16xf32>
        %mul3A_366 = arith.mulf %get3A_363, %mul3A_365 : vector<16xf32>
        %swap3A_367 = arith.constant 0 : i32
        %swap3A_368 = arith.index_cast %swap3A_367 : i32 to index
        %swap3A_369 = arith.index_cast %scan3A_135 : i32 to index
        %swap3A_370 = arith.constant 224 : index
        %swap3A_371 = tpu.vector_load %arg6[%swap3A_368, %swap3A_369, %swap3A_370] {strides = array<i32>} : memref<2x64x768xf32, #tpu.memory_space<vmem>>, vector<1x1x16xf32>,
        %swap3A_372 = vector.shape_cast %swap3A_371 : vector<1x1x16xf32> to vector<16xf32>
        %swap3A_373 = vector.shape_cast %mul3A_366 : vector<16xf32> to vector<1x1x16xf32>
        tpu.vector_store %arg6[%swap3A_368, %swap3A_369, %swap3A_370], %swap3A_373 {strides = array<i32>} : memref<2x64x768xf32, #tpu.memory_space<vmem>>, vector<1x1x16xf32>,
        %get3A_374 = arith.constant 0 : i32
        %get3A_375 = arith.index_cast %get3A_374 : i32 to index
        %get3A_376 = arith.index_cast %scan3A_135 : i32 to index
        %get3A_377 = arith.constant 240 : index
        %get3A_378 = tpu.vector_load %arg6[%get3A_375, %get3A_376, %get3A_377] {strides = array<i32>} : memref<2x64x768xf32, #tpu.memory_space<vmem>>, vector<1x1x16xf32>,
        %get3A_379 = vector.shape_cast %get3A_378 : vector<1x1x16xf32> to vector<16xf32>
        %mul3A_380 = arith.constant 27.7128124 : f32
        %mul3A_381 = vector.broadcast %mul3A_380 : f32 to vector<16xf32>
        %mul3A_382 = arith.mulf %get3A_379, %mul3A_381 : vector<16xf32>
        %swap3A_383 = arith.constant 0 : i32
        %swap3A_384 = arith.index_cast %swap3A_383 : i32 to index
        %swap3A_385 = arith.index_cast %scan3A_135 : i32 to index
        %swap3A_386 = arith.constant 240 : index
        %swap3A_387 = tpu.vector_load %arg6[%swap3A_384, %swap3A_385, %swap3A_386] {strides = array<i32>} : memref<2x64x768xf32, #tpu.memory_space<vmem>>, vector<1x1x16xf32>,
        %swap3A_388 = vector.shape_cast %swap3A_387 : vector<1x1x16xf32> to vector<16xf32>
        %swap3A_389 = vector.shape_cast %mul3A_382 : vector<16xf32> to vector<1x1x16xf32>
        tpu.vector_store %arg6[%swap3A_384, %swap3A_385, %swap3A_386], %swap3A_389 {strides = array<i32>} : memref<2x64x768xf32, #tpu.memory_space<vmem>>, vector<1x1x16xf32>,
        %get3A_390 = arith.constant 0 : i32
        %get3A_391 = arith.index_cast %get3A_390 : i32 to index
        %get3A_392 = arith.index_cast %scan3A_135 : i32 to index
        %get3A_393 = arith.constant 256 : index
        %get3A_394 = tpu.vector_load %arg6[%get3A_391, %get3A_392, %get3A_393] {strides = array<i32>} : memref<2x64x768xf32, #tpu.memory_space<vmem>>, vector<1x1x16xf32>,
        %get3A_395 = vector.shape_cast %get3A_394 : vector<1x1x16xf32> to vector<16xf32>
        %mul3A_396 = arith.constant 27.7128124 : f32
        %mul3A_397 = vector.broadcast %mul3A_396 : f32 to vector<16xf32>
        %mul3A_398 = arith.mulf %get3A_395, %mul3A_397 : vector<16xf32>
        %swap3A_399 = arith.constant 0 : i32
        %swap3A_400 = arith.index_cast %swap3A_399 : i32 to index
        %swap3A_401 = arith.index_cast %scan3A_135 : i32 to index
        %swap3A_402 = arith.constant 256 : index
        %swap3A_403 = tpu.vector_load %arg6[%swap3A_400, %swap3A_401, %swap3A_402] {strides = array<i32>} : memref<2x64x768xf32, #tpu.memory_space<vmem>>, vector<1x1x16xf32>,
        %swap3A_404 = vector.shape_cast %swap3A_403 : vector<1x1x16xf32> to vector<16xf32>
        %swap3A_405 = vector.shape_cast %mul3A_398 : vector<16xf32> to vector<1x1x16xf32>
        tpu.vector_store %arg6[%swap3A_400, %swap3A_401, %swap3A_402], %swap3A_405 {strides = array<i32>} : memref<2x64x768xf32, #tpu.memory_space<vmem>>, vector<1x1x16xf32>,
        %get3A_406 = arith.constant 0 : i32
        %get3A_407 = arith.index_cast %get3A_406 : i32 to index
        %get3A_408 = arith.index_cast %scan3A_135 : i32 to index
        %get3A_409 = arith.constant 272 : index
        %get3A_410 = tpu.vector_load %arg6[%get3A_407, %get3A_408, %get3A_409] {strides = array<i32>} : memref<2x64x768xf32, #tpu.memory_space<vmem>>, vector<1x1x16xf32>,
        %get3A_411 = vector.shape_cast %get3A_410 : vector<1x1x16xf32> to vector<16xf32>
        %mul3A_412 = arith.constant 27.7128124 : f32
        %mul3A_413 = vector.broadcast %mul3A_412 : f32 to vector<16xf32>
        %mul3A_414 = arith.mulf %get3A_411, %mul3A_413 : vector<16xf32>
        %swap3A_415 = arith.constant 0 : i32
        %swap3A_416 = arith.index_cast %swap3A_415 : i32 to index
        %swap3A_417 = arith.index_cast %scan3A_135 : i32 to index
        %swap3A_418 = arith.constant 272 : index
        %swap3A_419 = tpu.vector_load %arg6[%swap3A_416, %swap3A_417, %swap3A_418] {strides = array<i32>} : memref<2x64x768xf32, #tpu.memory_space<vmem>>, vector<1x1x16xf32>,
        %swap3A_420 = vector.shape_cast %swap3A_419 : vector<1x1x16xf32> to vector<16xf32>
        %swap3A_421 = vector.shape_cast %mul3A_414 : vector<16xf32> to vector<1x1x16xf32>
        tpu.vector_store %arg6[%swap3A_416, %swap3A_417, %swap3A_418], %swap3A_421 {strides = array<i32>} : memref<2x64x768xf32, #tpu.memory_space<vmem>>, vector<1x1x16xf32>,
        %get3A_422 = arith.constant 0 : i32
        %get3A_423 = arith.index_cast %get3A_422 : i32 to index
        %get3A_424 = arith.index_cast %scan3A_135 : i32 to index
        %get3A_425 = arith.constant 288 : index
        %get3A_426 = tpu.vector_load %arg6[%get3A_423, %get3A_424, %get3A_425] {strides = array<i32>} : memref<2x64x768xf32, #tpu.memory_space<vmem>>, vector<1x1x16xf32>,
        %get3A_427 = vector.shape_cast %get3A_426 : vector<1x1x16xf32> to vector<16xf32>
        %mul3A_428 = arith.constant 27.7128124 : f32
        %mul3A_429 = vector.broadcast %mul3A_428 : f32 to vector<16xf32>
        %mul3A_430 = arith.mulf %get3A_427, %mul3A_429 : vector<16xf32>
        %swap3A_431 = arith.constant 0 : i32
        %swap3A_432 = arith.index_cast %swap3A_431 : i32 to index
        %swap3A_433 = arith.index_cast %scan3A_135 : i32 to index
        %swap3A_434 = arith.constant 288 : index
        %swap3A_435 = tpu.vector_load %arg6[%swap3A_432, %swap3A_433, %swap3A_434] {strides = array<i32>} : memref<2x64x768xf32, #tpu.memory_space<vmem>>, vector<1x1x16xf32>,
        %swap3A_436 = vector.shape_cast %swap3A_435 : vector<1x1x16xf32> to vector<16xf32>
        %swap3A_437 = vector.shape_cast %mul3A_430 : vector<16xf32> to vector<1x1x16xf32>
        tpu.vector_store %arg6[%swap3A_432, %swap3A_433, %swap3A_434], %swap3A_437 {strides = array<i32>} : memref<2x64x768xf32, #tpu.memory_space<vmem>>, vector<1x1x16xf32>,
        %get3A_438 = arith.constant 0 : i32
        %get3A_439 = arith.index_cast %get3A_438 : i32 to index
        %get3A_440 = arith.index_cast %scan3A_135 : i32 to index
        %get3A_441 = arith.constant 304 : index
        %get3A_442 = tpu.vector_load %arg6[%get3A_439, %get3A_440, %get3A_441] {strides = array<i32>} : memref<2x64x768xf32, #tpu.memory_space<vmem>>, vector<1x1x16xf32>,
        %get3A_443 = vector.shape_cast %get3A_442 : vector<1x1x16xf32> to vector<16xf32>
        %mul3A_444 = arith.constant 27.7128124 : f32
        %mul3A_445 = vector.broadcast %mul3A_444 : f32 to vector<16xf32>
        %mul3A_446 = arith.mulf %get3A_443, %mul3A_445 : vector<16xf32>
        %swap3A_447 = arith.constant 0 : i32
        %swap3A_448 = arith.index_cast %swap3A_447 : i32 to index
        %swap3A_449 = arith.index_cast %scan3A_135 : i32 to index
        %swap3A_450 = arith.constant 304 : index
        %swap3A_451 = tpu.vector_load %arg6[%swap3A_448, %swap3A_449, %swap3A_450] {strides = array<i32>} : memref<2x64x768xf32, #tpu.memory_space<vmem>>, vector<1x1x16xf32>,
        %swap3A_452 = vector.shape_cast %swap3A_451 : vector<1x1x16xf32> to vector<16xf32>
        %swap3A_453 = vector.shape_cast %mul3A_446 : vector<16xf32> to vector<1x1x16xf32>
        tpu.vector_store %arg6[%swap3A_448, %swap3A_449, %swap3A_450], %swap3A_453 {strides = array<i32>} : memref<2x64x768xf32, #tpu.memory_space<vmem>>, vector<1x1x16xf32>,
        %get3A_454 = arith.constant 0 : i32
        %get3A_455 = arith.index_cast %get3A_454 : i32 to index
        %get3A_456 = arith.index_cast %scan3A_135 : i32 to index
        %get3A_457 = arith.constant 320 : index
        %get3A_458 = tpu.vector_load %arg6[%get3A_455, %get3A_456, %get3A_457] {strides = array<i32>} : memref<2x64x768xf32, #tpu.memory_space<vmem>>, vector<1x1x16xf32>,
        %get3A_459 = vector.shape_cast %get3A_458 : vector<1x1x16xf32> to vector<16xf32>
        %mul3A_460 = arith.constant 27.7128124 : f32
        %mul3A_461 = vector.broadcast %mul3A_460 : f32 to vector<16xf32>
        %mul3A_462 = arith.mulf %get3A_459, %mul3A_461 : vector<16xf32>
        %swap3A_463 = arith.constant 0 : i32
        %swap3A_464 = arith.index_cast %swap3A_463 : i32 to index
        %swap3A_465 = arith.index_cast %scan3A_135 : i32 to index
        %swap3A_466 = arith.constant 320 : index
        %swap3A_467 = tpu.vector_load %arg6[%swap3A_464, %swap3A_465, %swap3A_466] {strides = array<i32>} : memref<2x64x768xf32, #tpu.memory_space<vmem>>, vector<1x1x16xf32>,
        %swap3A_468 = vector.shape_cast %swap3A_467 : vector<1x1x16xf32> to vector<16xf32>
        %swap3A_469 = vector.shape_cast %mul3A_462 : vector<16xf32> to vector<1x1x16xf32>
        tpu.vector_store %arg6[%swap3A_464, %swap3A_465, %swap3A_466], %swap3A_469 {strides = array<i32>} : memref<2x64x768xf32, #tpu.memory_space<vmem>>, vector<1x1x16xf32>,
        %get3A_470 = arith.constant 0 : i32
        %get3A_471 = arith.index_cast %get3A_470 : i32 to index
        %get3A_472 = arith.index_cast %scan3A_135 : i32 to index
        %get3A_473 = arith.constant 336 : index
        %get3A_474 = tpu.vector_load %arg6[%get3A_471, %get3A_472, %get3A_473] {strides = array<i32>} : memref<2x64x768xf32, #tpu.memory_space<vmem>>, vector<1x1x16xf32>,
        %get3A_475 = vector.shape_cast %get3A_474 : vector<1x1x16xf32> to vector<16xf32>
        %mul3A_476 = arith.constant 27.7128124 : f32
        %mul3A_477 = vector.broadcast %mul3A_476 : f32 to vector<16xf32>
        %mul3A_478 = arith.mulf %get3A_475, %mul3A_477 : vector<16xf32>
        %swap3A_479 = arith.constant 0 : i32
        %swap3A_480 = arith.index_cast %swap3A_479 : i32 to index
        %swap3A_481 = arith.index_cast %scan3A_135 : i32 to index
        %swap3A_482 = arith.constant 336 : index
        %swap3A_483 = tpu.vector_load %arg6[%swap3A_480, %swap3A_481, %swap3A_482] {strides = array<i32>} : memref<2x64x768xf32, #tpu.memory_space<vmem>>, vector<1x1x16xf32>,
        %swap3A_484 = vector.shape_cast %swap3A_483 : vector<1x1x16xf32> to vector<16xf32>
        %swap3A_485 = vector.shape_cast %mul3A_478 : vector<16xf32> to vector<1x1x16xf32>
        tpu.vector_store %arg6[%swap3A_480, %swap3A_481, %swap3A_482], %swap3A_485 {strides = array<i32>} : memref<2x64x768xf32, #tpu.memory_space<vmem>>, vector<1x1x16xf32>,
        %get3A_486 = arith.constant 0 : i32
        %get3A_487 = arith.index_cast %get3A_486 : i32 to index
        %get3A_488 = arith.index_cast %scan3A_135 : i32 to index
        %get3A_489 = arith.constant 352 : index
        %get3A_490 = tpu.vector_load %arg6[%get3A_487, %get3A_488, %get3A_489] {strides = array<i32>} : memref<2x64x768xf32, #tpu.memory_space<vmem>>, vector<1x1x16xf32>,
        %get3A_491 = vector.shape_cast %get3A_490 : vector<1x1x16xf32> to vector<16xf32>
        %mul3A_492 = arith.constant 27.7128124 : f32
        %mul3A_493 = vector.broadcast %mul3A_492 : f32 to vector<16xf32>
        %mul3A_494 = arith.mulf %get3A_491, %mul3A_493 : vector<16xf32>
        %swap3A_495 = arith.constant 0 : i32
        %swap3A_496 = arith.index_cast %swap3A_495 : i32 to index
        %swap3A_497 = arith.index_cast %scan3A_135 : i32 to index
        %swap3A_498 = arith.constant 352 : index
        %swap3A_499 = tpu.vector_load %arg6[%swap3A_496, %swap3A_497, %swap3A_498] {strides = array<i32>} : memref<2x64x768xf32, #tpu.memory_space<vmem>>, vector<1x1x16xf32>,
        %swap3A_500 = vector.shape_cast %swap3A_499 : vector<1x1x16xf32> to vector<16xf32>
        %swap3A_501 = vector.shape_cast %mul3A_494 : vector<16xf32> to vector<1x1x16xf32>
        tpu.vector_store %arg6[%swap3A_496, %swap3A_497, %swap3A_498], %swap3A_501 {strides = array<i32>} : memref<2x64x768xf32, #tpu.memory_space<vmem>>, vector<1x1x16xf32>,
        %get3A_502 = arith.constant 0 : i32
        %get3A_503 = arith.index_cast %get3A_502 : i32 to index
        %get3A_504 = arith.index_cast %scan3A_135 : i32 to index
        %get3A_505 = arith.constant 368 : index
        %get3A_506 = tpu.vector_load %arg6[%get3A_503, %get3A_504, %get3A_505] {strides = array<i32>} : memref<2x64x768xf32, #tpu.memory_space<vmem>>, vector<1x1x16xf32>,
        %get3A_507 = vector.shape_cast %get3A_506 : vector<1x1x16xf32> to vector<16xf32>
        %mul3A_508 = arith.constant 27.7128124 : f32
        %mul3A_509 = vector.broadcast %mul3A_508 : f32 to vector<16xf32>
        %mul3A_510 = arith.mulf %get3A_507, %mul3A_509 : vector<16xf32>
        %swap3A_511 = arith.constant 0 : i32
        %swap3A_512 = arith.index_cast %swap3A_511 : i32 to index
        %swap3A_513 = arith.index_cast %scan3A_135 : i32 to index
        %swap3A_514 = arith.constant 368 : index
        %swap3A_515 = tpu.vector_load %arg6[%swap3A_512, %swap3A_513, %swap3A_514] {strides = array<i32>} : memref<2x64x768xf32, #tpu.memory_space<vmem>>, vector<1x1x16xf32>,
        %swap3A_516 = vector.shape_cast %swap3A_515 : vector<1x1x16xf32> to vector<16xf32>
        %swap3A_517 = vector.shape_cast %mul3A_510 : vector<16xf32> to vector<1x1x16xf32>
        tpu.vector_store %arg6[%swap3A_512, %swap3A_513, %swap3A_514], %swap3A_517 {strides = array<i32>} : memref<2x64x768xf32, #tpu.memory_space<vmem>>, vector<1x1x16xf32>,
        %get3A_518 = arith.constant 0 : i32
        %get3A_519 = arith.index_cast %get3A_518 : i32 to index
        %get3A_520 = arith.index_cast %scan3A_135 : i32 to index
        %get3A_521 = arith.constant 384 : index
        %get3A_522 = tpu.vector_load %arg6[%get3A_519, %get3A_520, %get3A_521] {strides = array<i32>} : memref<2x64x768xf32, #tpu.memory_space<vmem>>, vector<1x1x16xf32>,
        %get3A_523 = vector.shape_cast %get3A_522 : vector<1x1x16xf32> to vector<16xf32>
        %mul3A_524 = arith.constant 27.7128124 : f32
        %mul3A_525 = vector.broadcast %mul3A_524 : f32 to vector<16xf32>
        %mul3A_526 = arith.mulf %get3A_523, %mul3A_525 : vector<16xf32>
        %swap3A_527 = arith.constant 0 : i32
        %swap3A_528 = arith.index_cast %swap3A_527 : i32 to index
        %swap3A_529 = arith.index_cast %scan3A_135 : i32 to index
        %swap3A_530 = arith.constant 384 : index
        %swap3A_531 = tpu.vector_load %arg6[%swap3A_528, %swap3A_529, %swap3A_530] {strides = array<i32>} : memref<2x64x768xf32, #tpu.memory_space<vmem>>, vector<1x1x16xf32>,
        %swap3A_532 = vector.shape_cast %swap3A_531 : vector<1x1x16xf32> to vector<16xf32>
        %swap3A_533 = vector.shape_cast %mul3A_526 : vector<16xf32> to vector<1x1x16xf32>
        tpu.vector_store %arg6[%swap3A_528, %swap3A_529, %swap3A_530], %swap3A_533 {strides = array<i32>} : memref<2x64x768xf32, #tpu.memory_space<vmem>>, vector<1x1x16xf32>,
        %get3A_534 = arith.constant 0 : i32
        %get3A_535 = arith.index_cast %get3A_534 : i32 to index
        %get3A_536 = arith.index_cast %scan3A_135 : i32 to index
        %get3A_537 = arith.constant 400 : index
        %get3A_538 = tpu.vector_load %arg6[%get3A_535, %get3A_536, %get3A_537] {strides = array<i32>} : memref<2x64x768xf32, #tpu.memory_space<vmem>>, vector<1x1x16xf32>,
        %get3A_539 = vector.shape_cast %get3A_538 : vector<1x1x16xf32> to vector<16xf32>
        %mul3A_540 = arith.constant 27.7128124 : f32
        %mul3A_541 = vector.broadcast %mul3A_540 : f32 to vector<16xf32>
        %mul3A_542 = arith.mulf %get3A_539, %mul3A_541 : vector<16xf32>
        %swap3A_543 = arith.constant 0 : i32
        %swap3A_544 = arith.index_cast %swap3A_543 : i32 to index
        %swap3A_545 = arith.index_cast %scan3A_135 : i32 to index
        %swap3A_546 = arith.constant 400 : index
        %swap3A_547 = tpu.vector_load %arg6[%swap3A_544, %swap3A_545, %swap3A_546] {strides = array<i32>} : memref<2x64x768xf32, #tpu.memory_space<vmem>>, vector<1x1x16xf32>,
        %swap3A_548 = vector.shape_cast %swap3A_547 : vector<1x1x16xf32> to vector<16xf32>
        %swap3A_549 = vector.shape_cast %mul3A_542 : vector<16xf32> to vector<1x1x16xf32>
        tpu.vector_store %arg6[%swap3A_544, %swap3A_545, %swap3A_546], %swap3A_549 {strides = array<i32>} : memref<2x64x768xf32, #tpu.memory_space<vmem>>, vector<1x1x16xf32>,
        %get3A_550 = arith.constant 0 : i32
        %get3A_551 = arith.index_cast %get3A_550 : i32 to index
        %get3A_552 = arith.index_cast %scan3A_135 : i32 to index
        %get3A_553 = arith.constant 416 : index
        %get3A_554 = tpu.vector_load %arg6[%get3A_551, %get3A_552, %get3A_553] {strides = array<i32>} : memref<2x64x768xf32, #tpu.memory_space<vmem>>, vector<1x1x16xf32>,
        %get3A_555 = vector.shape_cast %get3A_554 : vector<1x1x16xf32> to vector<16xf32>
        %mul3A_556 = arith.constant 27.7128124 : f32
        %mul3A_557 = vector.broadcast %mul3A_556 : f32 to vector<16xf32>
        %mul3A_558 = arith.mulf %get3A_555, %mul3A_557 : vector<16xf32>
        %swap3A_559 = arith.constant 0 : i32
        %swap3A_560 = arith.index_cast %swap3A_559 : i32 to index
        %swap3A_561 = arith.index_cast %scan3A_135 : i32 to index
        %swap3A_562 = arith.constant 416 : index
        %swap3A_563 = tpu.vector_load %arg6[%swap3A_560, %swap3A_561, %swap3A_562] {strides = array<i32>} : memref<2x64x768xf32, #tpu.memory_space<vmem>>, vector<1x1x16xf32>,
        %swap3A_564 = vector.shape_cast %swap3A_563 : vector<1x1x16xf32> to vector<16xf32>
        %swap3A_565 = vector.shape_cast %mul3A_558 : vector<16xf32> to vector<1x1x16xf32>
        tpu.vector_store %arg6[%swap3A_560, %swap3A_561, %swap3A_562], %swap3A_565 {strides = array<i32>} : memref<2x64x768xf32, #tpu.memory_space<vmem>>, vector<1x1x16xf32>,
        %get3A_566 = arith.constant 0 : i32
        %get3A_567 = arith.index_cast %get3A_566 : i32 to index
        %get3A_568 = arith.index_cast %scan3A_135 : i32 to index
        %get3A_569 = arith.constant 432 : index
        %get3A_570 = tpu.vector_load %arg6[%get3A_567, %get3A_568, %get3A_569] {strides = array<i32>} : memref<2x64x768xf32, #tpu.memory_space<vmem>>, vector<1x1x16xf32>,
        %get3A_571 = vector.shape_cast %get3A_570 : vector<1x1x16xf32> to vector<16xf32>
        %mul3A_572 = arith.constant 27.7128124 : f32
        %mul3A_573 = vector.broadcast %mul3A_572 : f32 to vector<16xf32>
        %mul3A_574 = arith.mulf %get3A_571, %mul3A_573 : vector<16xf32>
        %swap3A_575 = arith.constant 0 : i32
        %swap3A_576 = arith.index_cast %swap3A_575 : i32 to index
        %swap3A_577 = arith.index_cast %scan3A_135 : i32 to index
        %swap3A_578 = arith.constant 432 : index
        %swap3A_579 = tpu.vector_load %arg6[%swap3A_576, %swap3A_577, %swap3A_578] {strides = array<i32>} : memref<2x64x768xf32, #tpu.memory_space<vmem>>, vector<1x1x16xf32>,
        %swap3A_580 = vector.shape_cast %swap3A_579 : vector<1x1x16xf32> to vector<16xf32>
        %swap3A_581 = vector.shape_cast %mul3A_574 : vector<16xf32> to vector<1x1x16xf32>
        tpu.vector_store %arg6[%swap3A_576, %swap3A_577, %swap3A_578], %swap3A_581 {strides = array<i32>} : memref<2x64x768xf32, #tpu.memory_space<vmem>>, vector<1x1x16xf32>,
        %get3A_582 = arith.constant 0 : i32
        %get3A_583 = arith.index_cast %get3A_582 : i32 to index
        %get3A_584 = arith.index_cast %scan3A_135 : i32 to index
        %get3A_585 = arith.constant 448 : index
        %get3A_586 = tpu.vector_load %arg6[%get3A_583, %get3A_584, %get3A_585] {strides = array<i32>} : memref<2x64x768xf32, #tpu.memory_space<vmem>>, vector<1x1x16xf32>,
        %get3A_587 = vector.shape_cast %get3A_586 : vector<1x1x16xf32> to vector<16xf32>
        %mul3A_588 = arith.constant 27.7128124 : f32
        %mul3A_589 = vector.broadcast %mul3A_588 : f32 to vector<16xf32>
        %mul3A_590 = arith.mulf %get3A_587, %mul3A_589 : vector<16xf32>
        %swap3A_591 = arith.constant 0 : i32
        %swap3A_592 = arith.index_cast %swap3A_591 : i32 to index
        %swap3A_593 = arith.index_cast %scan3A_135 : i32 to index
        %swap3A_594 = arith.constant 448 : index
        %swap3A_595 = tpu.vector_load %arg6[%swap3A_592, %swap3A_593, %swap3A_594] {strides = array<i32>} : memref<2x64x768xf32, #tpu.memory_space<vmem>>, vector<1x1x16xf32>,
        %swap3A_596 = vector.shape_cast %swap3A_595 : vector<1x1x16xf32> to vector<16xf32>
        %swap3A_597 = vector.shape_cast %mul3A_590 : vector<16xf32> to vector<1x1x16xf32>
        tpu.vector_store %arg6[%swap3A_592, %swap3A_593, %swap3A_594], %swap3A_597 {strides = array<i32>} : memref<2x64x768xf32, #tpu.memory_space<vmem>>, vector<1x1x16xf32>,
        %get3A_598 = arith.constant 0 : i32
        %get3A_599 = arith.index_cast %get3A_598 : i32 to index
        %get3A_600 = arith.index_cast %scan3A_135 : i32 to index
        %get3A_601 = arith.constant 464 : index
        %get3A_602 = tpu.vector_load %arg6[%get3A_599, %get3A_600, %get3A_601] {strides = array<i32>} : memref<2x64x768xf32, #tpu.memory_space<vmem>>, vector<1x1x16xf32>,
        %get3A_603 = vector.shape_cast %get3A_602 : vector<1x1x16xf32> to vector<16xf32>
        %mul3A_604 = arith.constant 27.7128124 : f32
        %mul3A_605 = vector.broadcast %mul3A_604 : f32 to vector<16xf32>
        %mul3A_606 = arith.mulf %get3A_603, %mul3A_605 : vector<16xf32>
        %swap3A_607 = arith.constant 0 : i32
        %swap3A_608 = arith.index_cast %swap3A_607 : i32 to index
        %swap3A_609 = arith.index_cast %scan3A_135 : i32 to index
        %swap3A_610 = arith.constant 464 : index
        %swap3A_611 = tpu.vector_load %arg6[%swap3A_608, %swap3A_609, %swap3A_610] {strides = array<i32>} : memref<2x64x768xf32, #tpu.memory_space<vmem>>, vector<1x1x16xf32>,
        %swap3A_612 = vector.shape_cast %swap3A_611 : vector<1x1x16xf32> to vector<16xf32>
        %swap3A_613 = vector.shape_cast %mul3A_606 : vector<16xf32> to vector<1x1x16xf32>
        tpu.vector_store %arg6[%swap3A_608, %swap3A_609, %swap3A_610], %swap3A_613 {strides = array<i32>} : memref<2x64x768xf32, #tpu.memory_space<vmem>>, vector<1x1x16xf32>,
        %get3A_614 = arith.constant 0 : i32
        %get3A_615 = arith.index_cast %get3A_614 : i32 to index
        %get3A_616 = arith.index_cast %scan3A_135 : i32 to index
        %get3A_617 = arith.constant 480 : index
        %get3A_618 = tpu.vector_load %arg6[%get3A_615, %get3A_616, %get3A_617] {strides = array<i32>} : memref<2x64x768xf32, #tpu.memory_space<vmem>>, vector<1x1x16xf32>,
        %get3A_619 = vector.shape_cast %get3A_618 : vector<1x1x16xf32> to vector<16xf32>
        %mul3A_620 = arith.constant 27.7128124 : f32
        %mul3A_621 = vector.broadcast %mul3A_620 : f32 to vector<16xf32>
        %mul3A_622 = arith.mulf %get3A_619, %mul3A_621 : vector<16xf32>
        %swap3A_623 = arith.constant 0 : i32
        %swap3A_624 = arith.index_cast %swap3A_623 : i32 to index
        %swap3A_625 = arith.index_cast %scan3A_135 : i32 to index
        %swap3A_626 = arith.constant 480 : index
        %swap3A_627 = tpu.vector_load %arg6[%swap3A_624, %swap3A_625, %swap3A_626] {strides = array<i32>} : memref<2x64x768xf32, #tpu.memory_space<vmem>>, vector<1x1x16xf32>,
        %swap3A_628 = vector.shape_cast %swap3A_627 : vector<1x1x16xf32> to vector<16xf32>
        %swap3A_629 = vector.shape_cast %mul3A_622 : vector<16xf32> to vector<1x1x16xf32>
        tpu.vector_store %arg6[%swap3A_624, %swap3A_625, %swap3A_626], %swap3A_629 {strides = array<i32>} : memref<2x64x768xf32, #tpu.memory_space<vmem>>, vector<1x1x16xf32>,
        %get3A_630 = arith.constant 0 : i32
        %get3A_631 = arith.index_cast %get3A_630 : i32 to index
        %get3A_632 = arith.index_cast %scan3A_135 : i32 to index
        %get3A_633 = arith.constant 496 : index
        %get3A_634 = tpu.vector_load %arg6[%get3A_631, %get3A_632, %get3A_633] {strides = array<i32>} : memref<2x64x768xf32, #tpu.memory_space<vmem>>, vector<1x1x16xf32>,
        %get3A_635 = vector.shape_cast %get3A_634 : vector<1x1x16xf32> to vector<16xf32>
        %mul3A_636 = arith.constant 27.7128124 : f32
        %mul3A_637 = vector.broadcast %mul3A_636 : f32 to vector<16xf32>
        %mul3A_638 = arith.mulf %get3A_635, %mul3A_637 : vector<16xf32>
        %swap3A_639 = arith.constant 0 : i32
        %swap3A_640 = arith.index_cast %swap3A_639 : i32 to index
        %swap3A_641 = arith.index_cast %scan3A_135 : i32 to index
        %swap3A_642 = arith.constant 496 : index
        %swap3A_643 = tpu.vector_load %arg6[%swap3A_640, %swap3A_641, %swap3A_642] {strides = array<i32>} : memref<2x64x768xf32, #tpu.memory_space<vmem>>, vector<1x1x16xf32>,
        %swap3A_644 = vector.shape_cast %swap3A_643 : vector<1x1x16xf32> to vector<16xf32>
        %swap3A_645 = vector.shape_cast %mul3A_638 : vector<16xf32> to vector<1x1x16xf32>
        tpu.vector_store %arg6[%swap3A_640, %swap3A_641, %swap3A_642], %swap3A_645 {strides = array<i32>} : memref<2x64x768xf32, #tpu.memory_space<vmem>>, vector<1x1x16xf32>,
        %get3A_646 = arith.constant 0 : i32
        %get3A_647 = arith.index_cast %get3A_646 : i32 to index
        %get3A_648 = arith.index_cast %scan3A_135 : i32 to index
        %get3A_649 = arith.constant 512 : index
        %get3A_650 = tpu.vector_load %arg6[%get3A_647, %get3A_648, %get3A_649] {strides = array<i32>} : memref<2x64x768xf32, #tpu.memory_space<vmem>>, vector<1x1x16xf32>,
        %get3A_651 = vector.shape_cast %get3A_650 : vector<1x1x16xf32> to vector<16xf32>
        %mul3A_652 = arith.constant 27.7128124 : f32
        %mul3A_653 = vector.broadcast %mul3A_652 : f32 to vector<16xf32>
        %mul3A_654 = arith.mulf %get3A_651, %mul3A_653 : vector<16xf32>
        %swap3A_655 = arith.constant 0 : i32
        %swap3A_656 = arith.index_cast %swap3A_655 : i32 to index
        %swap3A_657 = arith.index_cast %scan3A_135 : i32 to index
        %swap3A_658 = arith.constant 512 : index
        %swap3A_659 = tpu.vector_load %arg6[%swap3A_656, %swap3A_657, %swap3A_658] {strides = array<i32>} : memref<2x64x768xf32, #tpu.memory_space<vmem>>, vector<1x1x16xf32>,
        %swap3A_660 = vector.shape_cast %swap3A_659 : vector<1x1x16xf32> to vector<16xf32>
        %swap3A_661 = vector.shape_cast %mul3A_654 : vector<16xf32> to vector<1x1x16xf32>
        tpu.vector_store %arg6[%swap3A_656, %swap3A_657, %swap3A_658], %swap3A_661 {strides = array<i32>} : memref<2x64x768xf32, #tpu.memory_space<vmem>>, vector<1x1x16xf32>,
        %get3A_662 = arith.constant 0 : i32
        %get3A_663 = arith.index_cast %get3A_662 : i32 to index
        %get3A_664 = arith.index_cast %scan3A_135 : i32 to index
        %get3A_665 = arith.constant 528 : index
        %get3A_666 = tpu.vector_load %arg6[%get3A_663, %get3A_664, %get3A_665] {strides = array<i32>} : memref<2x64x768xf32, #tpu.memory_space<vmem>>, vector<1x1x16xf32>,
        %get3A_667 = vector.shape_cast %get3A_666 : vector<1x1x16xf32> to vector<16xf32>
        %mul3A_668 = arith.constant 27.7128124 : f32
        %mul3A_669 = vector.broadcast %mul3A_668 : f32 to vector<16xf32>
        %mul3A_670 = arith.mulf %get3A_667, %mul3A_669 : vector<16xf32>
        %swap3A_671 = arith.constant 0 : i32
        %swap3A_672 = arith.index_cast %swap3A_671 : i32 to index
        %swap3A_673 = arith.index_cast %scan3A_135 : i32 to index
        %swap3A_674 = arith.constant 528 : index
        %swap3A_675 = tpu.vector_load %arg6[%swap3A_672, %swap3A_673, %swap3A_674] {strides = array<i32>} : memref<2x64x768xf32, #tpu.memory_space<vmem>>, vector<1x1x16xf32>,
        %swap3A_676 = vector.shape_cast %swap3A_675 : vector<1x1x16xf32> to vector<16xf32>
        %swap3A_677 = vector.shape_cast %mul3A_670 : vector<16xf32> to vector<1x1x16xf32>
        tpu.vector_store %arg6[%swap3A_672, %swap3A_673, %swap3A_674], %swap3A_677 {strides = array<i32>} : memref<2x64x768xf32, #tpu.memory_space<vmem>>, vector<1x1x16xf32>,
        %get3A_678 = arith.constant 0 : i32
        %get3A_679 = arith.index_cast %get3A_678 : i32 to index
        %get3A_680 = arith.index_cast %scan3A_135 : i32 to index
        %get3A_681 = arith.constant 544 : index
        %get3A_682 = tpu.vector_load %arg6[%get3A_679, %get3A_680, %get3A_681] {strides = array<i32>} : memref<2x64x768xf32, #tpu.memory_space<vmem>>, vector<1x1x16xf32>,
        %get3A_683 = vector.shape_cast %get3A_682 : vector<1x1x16xf32> to vector<16xf32>
        %mul3A_684 = arith.constant 27.7128124 : f32
        %mul3A_685 = vector.broadcast %mul3A_684 : f32 to vector<16xf32>
        %mul3A_686 = arith.mulf %get3A_683, %mul3A_685 : vector<16xf32>
        %swap3A_687 = arith.constant 0 : i32
        %swap3A_688 = arith.index_cast %swap3A_687 : i32 to index
        %swap3A_689 = arith.index_cast %scan3A_135 : i32 to index
        %swap3A_690 = arith.constant 544 : index
        %swap3A_691 = tpu.vector_load %arg6[%swap3A_688, %swap3A_689, %swap3A_690] {strides = array<i32>} : memref<2x64x768xf32, #tpu.memory_space<vmem>>, vector<1x1x16xf32>,
        %swap3A_692 = vector.shape_cast %swap3A_691 : vector<1x1x16xf32> to vector<16xf32>
        %swap3A_693 = vector.shape_cast %mul3A_686 : vector<16xf32> to vector<1x1x16xf32>
        tpu.vector_store %arg6[%swap3A_688, %swap3A_689, %swap3A_690], %swap3A_693 {strides = array<i32>} : memref<2x64x768xf32, #tpu.memory_space<vmem>>, vector<1x1x16xf32>,
        %get3A_694 = arith.constant 0 : i32
        %get3A_695 = arith.index_cast %get3A_694 : i32 to index
        %get3A_696 = arith.index_cast %scan3A_135 : i32 to index
        %get3A_697 = arith.constant 560 : index
        %get3A_698 = tpu.vector_load %arg6[%get3A_695, %get3A_696, %get3A_697] {strides = array<i32>} : memref<2x64x768xf32, #tpu.memory_space<vmem>>, vector<1x1x16xf32>,
        %get3A_699 = vector.shape_cast %get3A_698 : vector<1x1x16xf32> to vector<16xf32>
        %mul3A_700 = arith.constant 27.7128124 : f32
        %mul3A_701 = vector.broadcast %mul3A_700 : f32 to vector<16xf32>
        %mul3A_702 = arith.mulf %get3A_699, %mul3A_701 : vector<16xf32>
        %swap3A_703 = arith.constant 0 : i32
        %swap3A_704 = arith.index_cast %swap3A_703 : i32 to index
        %swap3A_705 = arith.index_cast %scan3A_135 : i32 to index
        %swap3A_706 = arith.constant 560 : index
        %swap3A_707 = tpu.vector_load %arg6[%swap3A_704, %swap3A_705, %swap3A_706] {strides = array<i32>} : memref<2x64x768xf32, #tpu.memory_space<vmem>>, vector<1x1x16xf32>,
        %swap3A_708 = vector.shape_cast %swap3A_707 : vector<1x1x16xf32> to vector<16xf32>
        %swap3A_709 = vector.shape_cast %mul3A_702 : vector<16xf32> to vector<1x1x16xf32>
        tpu.vector_store %arg6[%swap3A_704, %swap3A_705, %swap3A_706], %swap3A_709 {strides = array<i32>} : memref<2x64x768xf32, #tpu.memory_space<vmem>>, vector<1x1x16xf32>,
        %get3A_710 = arith.constant 0 : i32
        %get3A_711 = arith.index_cast %get3A_710 : i32 to index
        %get3A_712 = arith.index_cast %scan3A_135 : i32 to index
        %get3A_713 = arith.constant 576 : index
        %get3A_714 = tpu.vector_load %arg6[%get3A_711, %get3A_712, %get3A_713] {strides = array<i32>} : memref<2x64x768xf32, #tpu.memory_space<vmem>>, vector<1x1x16xf32>,
        %get3A_715 = vector.shape_cast %get3A_714 : vector<1x1x16xf32> to vector<16xf32>
        %mul3A_716 = arith.constant 27.7128124 : f32
        %mul3A_717 = vector.broadcast %mul3A_716 : f32 to vector<16xf32>
        %mul3A_718 = arith.mulf %get3A_715, %mul3A_717 : vector<16xf32>
        %swap3A_719 = arith.constant 0 : i32
        %swap3A_720 = arith.index_cast %swap3A_719 : i32 to index
        %swap3A_721 = arith.index_cast %scan3A_135 : i32 to index
        %swap3A_722 = arith.constant 576 : index
        %swap3A_723 = tpu.vector_load %arg6[%swap3A_720, %swap3A_721, %swap3A_722] {strides = array<i32>} : memref<2x64x768xf32, #tpu.memory_space<vmem>>, vector<1x1x16xf32>,
        %swap3A_724 = vector.shape_cast %swap3A_723 : vector<1x1x16xf32> to vector<16xf32>
        %swap3A_725 = vector.shape_cast %mul3A_718 : vector<16xf32> to vector<1x1x16xf32>
        tpu.vector_store %arg6[%swap3A_720, %swap3A_721, %swap3A_722], %swap3A_725 {strides = array<i32>} : memref<2x64x768xf32, #tpu.memory_space<vmem>>, vector<1x1x16xf32>,
        %get3A_726 = arith.constant 0 : i32
        %get3A_727 = arith.index_cast %get3A_726 : i32 to index
        %get3A_728 = arith.index_cast %scan3A_135 : i32 to index
        %get3A_729 = arith.constant 592 : index
        %get3A_730 = tpu.vector_load %arg6[%get3A_727, %get3A_728, %get3A_729] {strides = array<i32>} : memref<2x64x768xf32, #tpu.memory_space<vmem>>, vector<1x1x16xf32>,
        %get3A_731 = vector.shape_cast %get3A_730 : vector<1x1x16xf32> to vector<16xf32>
        %mul3A_732 = arith.constant 27.7128124 : f32
        %mul3A_733 = vector.broadcast %mul3A_732 : f32 to vector<16xf32>
        %mul3A_734 = arith.mulf %get3A_731, %mul3A_733 : vector<16xf32>
        %swap3A_735 = arith.constant 0 : i32
        %swap3A_736 = arith.index_cast %swap3A_735 : i32 to index
        %swap3A_737 = arith.index_cast %scan3A_135 : i32 to index
        %swap3A_738 = arith.constant 592 : index
        %swap3A_739 = tpu.vector_load %arg6[%swap3A_736, %swap3A_737, %swap3A_738] {strides = array<i32>} : memref<2x64x768xf32, #tpu.memory_space<vmem>>, vector<1x1x16xf32>,
        %swap3A_740 = vector.shape_cast %swap3A_739 : vector<1x1x16xf32> to vector<16xf32>
        %swap3A_741 = vector.shape_cast %mul3A_734 : vector<16xf32> to vector<1x1x16xf32>
        tpu.vector_store %arg6[%swap3A_736, %swap3A_737, %swap3A_738], %swap3A_741 {strides = array<i32>} : memref<2x64x768xf32, #tpu.memory_space<vmem>>, vector<1x1x16xf32>,
        %get3A_742 = arith.constant 0 : i32
        %get3A_743 = arith.index_cast %get3A_742 : i32 to index
        %get3A_744 = arith.index_cast %scan3A_135 : i32 to index
        %get3A_745 = arith.constant 608 : index
        %get3A_746 = tpu.vector_load %arg6[%get3A_743, %get3A_744, %get3A_745] {strides = array<i32>} : memref<2x64x768xf32, #tpu.memory_space<vmem>>, vector<1x1x16xf32>,
        %get3A_747 = vector.shape_cast %get3A_746 : vector<1x1x16xf32> to vector<16xf32>
        %mul3A_748 = arith.constant 27.7128124 : f32
        %mul3A_749 = vector.broadcast %mul3A_748 : f32 to vector<16xf32>
        %mul3A_750 = arith.mulf %get3A_747, %mul3A_749 : vector<16xf32>
        %swap3A_751 = arith.constant 0 : i32
        %swap3A_752 = arith.index_cast %swap3A_751 : i32 to index
        %swap3A_753 = arith.index_cast %scan3A_135 : i32 to index
        %swap3A_754 = arith.constant 608 : index
        %swap3A_755 = tpu.vector_load %arg6[%swap3A_752, %swap3A_753, %swap3A_754] {strides = array<i32>} : memref<2x64x768xf32, #tpu.memory_space<vmem>>, vector<1x1x16xf32>,
        %swap3A_756 = vector.shape_cast %swap3A_755 : vector<1x1x16xf32> to vector<16xf32>
        %swap3A_757 = vector.shape_cast %mul3A_750 : vector<16xf32> to vector<1x1x16xf32>
        tpu.vector_store %arg6[%swap3A_752, %swap3A_753, %swap3A_754], %swap3A_757 {strides = array<i32>} : memref<2x64x768xf32, #tpu.memory_space<vmem>>, vector<1x1x16xf32>,
        %get3A_758 = arith.constant 0 : i32
        %get3A_759 = arith.index_cast %get3A_758 : i32 to index
        %get3A_760 = arith.index_cast %scan3A_135 : i32 to index
        %get3A_761 = arith.constant 624 : index
        %get3A_762 = tpu.vector_load %arg6[%get3A_759, %get3A_760, %get3A_761] {strides = array<i32>} : memref<2x64x768xf32, #tpu.memory_space<vmem>>, vector<1x1x16xf32>,
        %get3A_763 = vector.shape_cast %get3A_762 : vector<1x1x16xf32> to vector<16xf32>
        %mul3A_764 = arith.constant 27.7128124 : f32
        %mul3A_765 = vector.broadcast %mul3A_764 : f32 to vector<16xf32>
        %mul3A_766 = arith.mulf %get3A_763, %mul3A_765 : vector<16xf32>
        %swap3A_767 = arith.constant 0 : i32
        %swap3A_768 = arith.index_cast %swap3A_767 : i32 to index
        %swap3A_769 = arith.index_cast %scan3A_135 : i32 to index
        %swap3A_770 = arith.constant 624 : index
        %swap3A_771 = tpu.vector_load %arg6[%swap3A_768, %swap3A_769, %swap3A_770] {strides = array<i32>} : memref<2x64x768xf32, #tpu.memory_space<vmem>>, vector<1x1x16xf32>,
        %swap3A_772 = vector.shape_cast %swap3A_771 : vector<1x1x16xf32> to vector<16xf32>
        %swap3A_773 = vector.shape_cast %mul3A_766 : vector<16xf32> to vector<1x1x16xf32>
        tpu.vector_store %arg6[%swap3A_768, %swap3A_769, %swap3A_770], %swap3A_773 {strides = array<i32>} : memref<2x64x768xf32, #tpu.memory_space<vmem>>, vector<1x1x16xf32>,
        %get3A_774 = arith.constant 0 : i32
        %get3A_775 = arith.index_cast %get3A_774 : i32 to index
        %get3A_776 = arith.index_cast %scan3A_135 : i32 to index
        %get3A_777 = arith.constant 640 : index
        %get3A_778 = tpu.vector_load %arg6[%get3A_775, %get3A_776, %get3A_777] {strides = array<i32>} : memref<2x64x768xf32, #tpu.memory_space<vmem>>, vector<1x1x16xf32>,
        %get3A_779 = vector.shape_cast %get3A_778 : vector<1x1x16xf32> to vector<16xf32>
        %mul3A_780 = arith.constant 27.7128124 : f32
        %mul3A_781 = vector.broadcast %mul3A_780 : f32 to vector<16xf32>
        %mul3A_782 = arith.mulf %get3A_779, %mul3A_781 : vector<16xf32>
        %swap3A_783 = arith.constant 0 : i32
        %swap3A_784 = arith.index_cast %swap3A_783 : i32 to index
        %swap3A_785 = arith.index_cast %scan3A_135 : i32 to index
        %swap3A_786 = arith.constant 640 : index
        %swap3A_787 = tpu.vector_load %arg6[%swap3A_784, %swap3A_785, %swap3A_786] {strides = array<i32>} : memref<2x64x768xf32, #tpu.memory_space<vmem>>, vector<1x1x16xf32>,
        %swap3A_788 = vector.shape_cast %swap3A_787 : vector<1x1x16xf32> to vector<16xf32>
        %swap3A_789 = vector.shape_cast %mul3A_782 : vector<16xf32> to vector<1x1x16xf32>
        tpu.vector_store %arg6[%swap3A_784, %swap3A_785, %swap3A_786], %swap3A_789 {strides = array<i32>} : memref<2x64x768xf32, #tpu.memory_space<vmem>>, vector<1x1x16xf32>,
        %get3A_790 = arith.constant 0 : i32
        %get3A_791 = arith.index_cast %get3A_790 : i32 to index
        %get3A_792 = arith.index_cast %scan3A_135 : i32 to index
        %get3A_793 = arith.constant 656 : index
        %get3A_794 = tpu.vector_load %arg6[%get3A_791, %get3A_792, %get3A_793] {strides = array<i32>} : memref<2x64x768xf32, #tpu.memory_space<vmem>>, vector<1x1x16xf32>,
        %get3A_795 = vector.shape_cast %get3A_794 : vector<1x1x16xf32> to vector<16xf32>
        %mul3A_796 = arith.constant 27.7128124 : f32
        %mul3A_797 = vector.broadcast %mul3A_796 : f32 to vector<16xf32>
        %mul3A_798 = arith.mulf %get3A_795, %mul3A_797 : vector<16xf32>
        %swap3A_799 = arith.constant 0 : i32
        %swap3A_800 = arith.index_cast %swap3A_799 : i32 to index
        %swap3A_801 = arith.index_cast %scan3A_135 : i32 to index
        %swap3A_802 = arith.constant 656 : index
        %swap3A_803 = tpu.vector_load %arg6[%swap3A_800, %swap3A_801, %swap3A_802] {strides = array<i32>} : memref<2x64x768xf32, #tpu.memory_space<vmem>>, vector<1x1x16xf32>,
        %swap3A_804 = vector.shape_cast %swap3A_803 : vector<1x1x16xf32> to vector<16xf32>
        %swap3A_805 = vector.shape_cast %mul3A_798 : vector<16xf32> to vector<1x1x16xf32>
        tpu.vector_store %arg6[%swap3A_800, %swap3A_801, %swap3A_802], %swap3A_805 {strides = array<i32>} : memref<2x64x768xf32, #tpu.memory_space<vmem>>, vector<1x1x16xf32>,
        %get3A_806 = arith.constant 0 : i32
        %get3A_807 = arith.index_cast %get3A_806 : i32 to index
        %get3A_808 = arith.index_cast %scan3A_135 : i32 to index
        %get3A_809 = arith.constant 672 : index
        %get3A_810 = tpu.vector_load %arg6[%get3A_807, %get3A_808, %get3A_809] {strides = array<i32>} : memref<2x64x768xf32, #tpu.memory_space<vmem>>, vector<1x1x16xf32>,
        %get3A_811 = vector.shape_cast %get3A_810 : vector<1x1x16xf32> to vector<16xf32>
        %mul3A_812 = arith.constant 27.7128124 : f32
        %mul3A_813 = vector.broadcast %mul3A_812 : f32 to vector<16xf32>
        %mul3A_814 = arith.mulf %get3A_811, %mul3A_813 : vector<16xf32>
        %swap3A_815 = arith.constant 0 : i32
        %swap3A_816 = arith.index_cast %swap3A_815 : i32 to index
        %swap3A_817 = arith.index_cast %scan3A_135 : i32 to index
        %swap3A_818 = arith.constant 672 : index
        %swap3A_819 = tpu.vector_load %arg6[%swap3A_816, %swap3A_817, %swap3A_818] {strides = array<i32>} : memref<2x64x768xf32, #tpu.memory_space<vmem>>, vector<1x1x16xf32>,
        %swap3A_820 = vector.shape_cast %swap3A_819 : vector<1x1x16xf32> to vector<16xf32>
        %swap3A_821 = vector.shape_cast %mul3A_814 : vector<16xf32> to vector<1x1x16xf32>
        tpu.vector_store %arg6[%swap3A_816, %swap3A_817, %swap3A_818], %swap3A_821 {strides = array<i32>} : memref<2x64x768xf32, #tpu.memory_space<vmem>>, vector<1x1x16xf32>,
        %get3A_822 = arith.constant 0 : i32
        %get3A_823 = arith.index_cast %get3A_822 : i32 to index
        %get3A_824 = arith.index_cast %scan3A_135 : i32 to index
        %get3A_825 = arith.constant 688 : index
        %get3A_826 = tpu.vector_load %arg6[%get3A_823, %get3A_824, %get3A_825] {strides = array<i32>} : memref<2x64x768xf32, #tpu.memory_space<vmem>>, vector<1x1x16xf32>,
        %get3A_827 = vector.shape_cast %get3A_826 : vector<1x1x16xf32> to vector<16xf32>
        %mul3A_828 = arith.constant 27.7128124 : f32
        %mul3A_829 = vector.broadcast %mul3A_828 : f32 to vector<16xf32>
        %mul3A_830 = arith.mulf %get3A_827, %mul3A_829 : vector<16xf32>
        %swap3A_831 = arith.constant 0 : i32
        %swap3A_832 = arith.index_cast %swap3A_831 : i32 to index
        %swap3A_833 = arith.index_cast %scan3A_135 : i32 to index
        %swap3A_834 = arith.constant 688 : index
        %swap3A_835 = tpu.vector_load %arg6[%swap3A_832, %swap3A_833, %swap3A_834] {strides = array<i32>} : memref<2x64x768xf32, #tpu.memory_space<vmem>>, vector<1x1x16xf32>,
        %swap3A_836 = vector.shape_cast %swap3A_835 : vector<1x1x16xf32> to vector<16xf32>
        %swap3A_837 = vector.shape_cast %mul3A_830 : vector<16xf32> to vector<1x1x16xf32>
        tpu.vector_store %arg6[%swap3A_832, %swap3A_833, %swap3A_834], %swap3A_837 {strides = array<i32>} : memref<2x64x768xf32, #tpu.memory_space<vmem>>, vector<1x1x16xf32>,
        %get3A_838 = arith.constant 0 : i32
        %get3A_839 = arith.index_cast %get3A_838 : i32 to index
        %get3A_840 = arith.index_cast %scan3A_135 : i32 to index
        %get3A_841 = arith.constant 704 : index
        %get3A_842 = tpu.vector_load %arg6[%get3A_839, %get3A_840, %get3A_841] {strides = array<i32>} : memref<2x64x768xf32, #tpu.memory_space<vmem>>, vector<1x1x16xf32>,
        %get3A_843 = vector.shape_cast %get3A_842 : vector<1x1x16xf32> to vector<16xf32>
        %mul3A_844 = arith.constant 27.7128124 : f32
        %mul3A_845 = vector.broadcast %mul3A_844 : f32 to vector<16xf32>
        %mul3A_846 = arith.mulf %get3A_843, %mul3A_845 : vector<16xf32>
        %swap3A_847 = arith.constant 0 : i32
        %swap3A_848 = arith.index_cast %swap3A_847 : i32 to index
        %swap3A_849 = arith.index_cast %scan3A_135 : i32 to index
        %swap3A_850 = arith.constant 704 : index
        %swap3A_851 = tpu.vector_load %arg6[%swap3A_848, %swap3A_849, %swap3A_850] {strides = array<i32>} : memref<2x64x768xf32, #tpu.memory_space<vmem>>, vector<1x1x16xf32>,
        %swap3A_852 = vector.shape_cast %swap3A_851 : vector<1x1x16xf32> to vector<16xf32>
        %swap3A_853 = vector.shape_cast %mul3A_846 : vector<16xf32> to vector<1x1x16xf32>
        tpu.vector_store %arg6[%swap3A_848, %swap3A_849, %swap3A_850], %swap3A_853 {strides = array<i32>} : memref<2x64x768xf32, #tpu.memory_space<vmem>>, vector<1x1x16xf32>,
        %get3A_854 = arith.constant 0 : i32
        %get3A_855 = arith.index_cast %get3A_854 : i32 to index
        %get3A_856 = arith.index_cast %scan3A_135 : i32 to index
        %get3A_857 = arith.constant 720 : index
        %get3A_858 = tpu.vector_load %arg6[%get3A_855, %get3A_856, %get3A_857] {strides = array<i32>} : memref<2x64x768xf32, #tpu.memory_space<vmem>>, vector<1x1x16xf32>,
        %get3A_859 = vector.shape_cast %get3A_858 : vector<1x1x16xf32> to vector<16xf32>
        %mul3A_860 = arith.constant 27.7128124 : f32
        %mul3A_861 = vector.broadcast %mul3A_860 : f32 to vector<16xf32>
        %mul3A_862 = arith.mulf %get3A_859, %mul3A_861 : vector<16xf32>
        %swap3A_863 = arith.constant 0 : i32
        %swap3A_864 = arith.index_cast %swap3A_863 : i32 to index
        %swap3A_865 = arith.index_cast %scan3A_135 : i32 to index
        %swap3A_866 = arith.constant 720 : index
        %swap3A_867 = tpu.vector_load %arg6[%swap3A_864, %swap3A_865, %swap3A_866] {strides = array<i32>} : memref<2x64x768xf32, #tpu.memory_space<vmem>>, vector<1x1x16xf32>,
        %swap3A_868 = vector.shape_cast %swap3A_867 : vector<1x1x16xf32> to vector<16xf32>
        %swap3A_869 = vector.shape_cast %mul3A_862 : vector<16xf32> to vector<1x1x16xf32>
        tpu.vector_store %arg6[%swap3A_864, %swap3A_865, %swap3A_866], %swap3A_869 {strides = array<i32>} : memref<2x64x768xf32, #tpu.memory_space<vmem>>, vector<1x1x16xf32>,
        %get3A_870 = arith.constant 0 : i32
        %get3A_871 = arith.index_cast %get3A_870 : i32 to index
        %get3A_872 = arith.index_cast %scan3A_135 : i32 to index
        %get3A_873 = arith.constant 736 : index
        %get3A_874 = tpu.vector_load %arg6[%get3A_871, %get3A_872, %get3A_873] {strides = array<i32>} : memref<2x64x768xf32, #tpu.memory_space<vmem>>, vector<1x1x16xf32>,
        %get3A_875 = vector.shape_cast %get3A_874 : vector<1x1x16xf32> to vector<16xf32>
        %mul3A_876 = arith.constant 27.7128124 : f32
        %mul3A_877 = vector.broadcast %mul3A_876 : f32 to vector<16xf32>
        %mul3A_878 = arith.mulf %get3A_875, %mul3A_877 : vector<16xf32>
        %swap3A_879 = arith.constant 0 : i32
        %swap3A_880 = arith.index_cast %swap3A_879 : i32 to index
        %swap3A_881 = arith.index_cast %scan3A_135 : i32 to index
        %swap3A_882 = arith.constant 736 : index
        %swap3A_883 = tpu.vector_load %arg6[%swap3A_880, %swap3A_881, %swap3A_882] {strides = array<i32>} : memref<2x64x768xf32, #tpu.memory_space<vmem>>, vector<1x1x16xf32>,
        %swap3A_884 = vector.shape_cast %swap3A_883 : vector<1x1x16xf32> to vector<16xf32>
        %swap3A_885 = vector.shape_cast %mul3A_878 : vector<16xf32> to vector<1x1x16xf32>
        tpu.vector_store %arg6[%swap3A_880, %swap3A_881, %swap3A_882], %swap3A_885 {strides = array<i32>} : memref<2x64x768xf32, #tpu.memory_space<vmem>>, vector<1x1x16xf32>,
        %get3A_886 = arith.constant 0 : i32
        %get3A_887 = arith.index_cast %get3A_886 : i32 to index
        %get3A_888 = arith.index_cast %scan3A_135 : i32 to index
        %get3A_889 = arith.constant 752 : index
        %get3A_890 = tpu.vector_load %arg6[%get3A_887, %get3A_888, %get3A_889] {strides = array<i32>} : memref<2x64x768xf32, #tpu.memory_space<vmem>>, vector<1x1x16xf32>,
        %get3A_891 = vector.shape_cast %get3A_890 : vector<1x1x16xf32> to vector<16xf32>
        %mul3A_892 = arith.constant 27.7128124 : f32
        %mul3A_893 = vector.broadcast %mul3A_892 : f32 to vector<16xf32>
        %mul3A_894 = arith.mulf %get3A_891, %mul3A_893 : vector<16xf32>
        %swap3A_895 = arith.constant 0 : i32
        %swap3A_896 = arith.index_cast %swap3A_895 : i32 to index
        %swap3A_897 = arith.index_cast %scan3A_135 : i32 to index
        %swap3A_898 = arith.constant 752 : index
        %swap3A_899 = tpu.vector_load %arg6[%swap3A_896, %swap3A_897, %swap3A_898] {strides = array<i32>} : memref<2x64x768xf32, #tpu.memory_space<vmem>>, vector<1x1x16xf32>,
        %swap3A_900 = vector.shape_cast %swap3A_899 : vector<1x1x16xf32> to vector<16xf32>
        %swap3A_901 = vector.shape_cast %mul3A_894 : vector<16xf32> to vector<1x1x16xf32>
        tpu.vector_store %arg6[%swap3A_896, %swap3A_897, %swap3A_898], %swap3A_901 {strides = array<i32>} : memref<2x64x768xf32, #tpu.memory_space<vmem>>, vector<1x1x16xf32>,
      }
      %scan3A_76 = arith.constant 64 : i32
      %mul3A_77 = arith.constant 64 : i32
      %mul3A_78 = arith.muli %add3A_55, %mul3A_77 : i32
      %add3A_79 = arith.addi %mul3A_2, %mul3A_78 : i32
      %dma_start3A_80 = arith.constant 0 : i32
      %dma_start3A_81 = arith.constant 0 : i32
      %dma_start3A_82 = arith.constant 0 : i32
      %dma_start3A_83 = tpu.memref_slice %arg6[%dma_start3A_80, %dma_start3A_81, %dma_start3A_82] : memref<2x64x768xf32, #tpu.memory_space<vmem>> -> memref<1x64x768xf32, #tpu.memory_space<vmem>>
      %dma_start3A_84 = tpu.memref_squeeze %dma_start3A_83 : memref<1x64x768xf32, #tpu.memory_space<vmem>> -> memref<64x768xf32, #tpu.memory_space<vmem>>
      %dma_start3A_85 = arith.constant 0 : i32
      %dma_start3A_86 = tpu.memref_slice %arg4[%add3A_79, %dma_start3A_85] : memref<16384x768xf32, #tpu.memory_space<hbm>> -> memref<64x768xf32, #tpu.memory_space<hbm>>
      %dma_start3A_87 = arith.constant 0 : i32
      %dma_start3A_88 = tpu.memref_slice %arg4[%add3A_79, %dma_start3A_87] : memref<16384x768xf32, #tpu.memory_space<hbm>> -> memref<64x768xf32, #tpu.memory_space<hbm>>
      %dma_start3A_89 = arith.constant 0 : i32
      %dma_start3A_90 = arith.constant 0 : i32
      %dma_start3A_91 = tpu.memref_slice %arg6[%dma_start3A_80, %dma_start3A_89, %dma_start3A_90] : memref<2x64x768xf32, #tpu.memory_space<vmem>> -> memref<1x64x768xf32, #tpu.memory_space<vmem>>
      %dma_start3A_92 = tpu.memref_squeeze %dma_start3A_91 : memref<1x64x768xf32, #tpu.memory_space<vmem>> -> memref<64x768xf32, #tpu.memory_space<vmem>>
      tpu.enqueue_dma source(%dma_start3A_92 : memref<64x768xf32, #tpu.memory_space<vmem>>) target(%dma_start3A_88 : memref<64x768xf32, #tpu.memory_space<hbm>>) target_semaphore(%arg9 : memref<!tpu.dma_semaphore, #tpu.memory_space<semaphore_mem>>)
      %add3A_93 = arith.constant 1 : i32
      %add3A_94 = arith.addi %mul3A_53, %add3A_93 : i32
      %dma_wait3A_95 = arith.constant 1 : i32
      %dma_wait3A_96 = arith.constant 0 : i32
      %dma_wait3A_97 = arith.constant 0 : i32
      %dma_wait3A_98 = tpu.memref_slice %arg6[%dma_wait3A_95, %dma_wait3A_96, %dma_wait3A_97] : memref<2x64x768xf32, #tpu.memory_space<vmem>> -> memref<1x64x768xf32, #tpu.memory_space<vmem>>
      %dma_wait3A_99 = tpu.memref_squeeze %dma_wait3A_98 : memref<1x64x768xf32, #tpu.memory_space<vmem>> -> memref<64x768xf32, #tpu.memory_space<vmem>>
      %dma_wait3A_100 = arith.constant 0 : i32
      %dma_wait3A_101 = tpu.memref_slice %arg5[%add3A_94, %dma_wait3A_100] : memref<8x64xi32, #tpu.memory_space<vmem>> -> memref<1x64xi32, #tpu.memory_space<vmem>>
      %dma_wait3A_102 = tpu.memref_squeeze %dma_wait3A_101 : memref<1x64xi32, #tpu.memory_space<vmem>> -> memref<64xi32, #tpu.memory_space<vmem>>
      %dma_wait3A_103 = arith.constant 0 : i32
      %dma_wait3A_104 = arith.constant 0 : i32
      %dma_wait3A_105 = tpu.memref_slice %arg2[%dma_wait3A_103, %dma_wait3A_104] : memref<100000x768xf32, #tpu.memory_space<hbm>> -> memref<100000x768xf32, #tpu.memory_space<hbm>>
      tpu.wait_indirect_dma semaphore(%arg8 : memref<!tpu.dma_semaphore, #tpu.memory_space<semaphore_mem>>) src(%dma_wait3A_105 : memref<100000x768xf32, #tpu.memory_space<hbm>>) dst(%dma_wait3A_99 : memref<64x768xf32, #tpu.memory_space<vmem>>)
      %add3A_106 = arith.constant 1 : i32
      %add3A_107 = arith.addi %add3A_94, %add3A_106 : i32
      %lt3A_108 = arith.constant 8 : i32
      %lt3A_109 = arith.cmpi slt, %add3A_107, %lt3A_108 : i32
      %convert_element_type3A_110 = arith.extui %lt3A_109 : i1 to i32
      %cond3A_111 = arith.constant 0 : i32
      %cond3A_112 = arith.cmpi ne, %convert_element_type3A_110, %cond3A_111 : i32
      scf.if %cond3A_112 {
        %ge3A = arith.constant 2 : i32
        %ge3A_135 = arith.cmpi sge, %add3A_107, %ge3A : i32
        %convert_element_type3A_136 = arith.extui %ge3A_135 : i1 to i32
        %cond3A_137 = arith.constant 0 : i32
        %cond3A_138 = arith.cmpi ne, %convert_element_type3A_136, %cond3A_137 : i32
        scf.if %cond3A_138 {
          %sub3A = arith.constant 2 : i32
          %sub3A_150 = arith.subi %add3A_107, %sub3A : i32
          %mul3A_151 = arith.constant 64 : i32
          %mul3A_152 = arith.muli %sub3A_150, %mul3A_151 : i32
          %add3A_153 = arith.addi %mul3A_2, %mul3A_152 : i32
          %dma_wait3A_154 = arith.constant 0 : i32
          %dma_wait3A_155 = arith.constant 0 : i32
          %dma_wait3A_156 = arith.constant 0 : i32
          %dma_wait3A_157 = tpu.memref_slice %arg6[%dma_wait3A_154, %dma_wait3A_155, %dma_wait3A_156] : memref<2x64x768xf32, #tpu.memory_space<vmem>> -> memref<1x64x768xf32, #tpu.memory_space<vmem>>
          %dma_wait3A_158 = tpu.memref_squeeze %dma_wait3A_157 : memref<1x64x768xf32, #tpu.memory_space<vmem>> -> memref<64x768xf32, #tpu.memory_space<vmem>>
          %dma_wait3A_159 = arith.constant 0 : i32
          %dma_wait3A_160 = tpu.memref_slice %arg4[%add3A_153, %dma_wait3A_159] : memref<16384x768xf32, #tpu.memory_space<hbm>> -> memref<64x768xf32, #tpu.memory_space<hbm>>
          %dma_wait3A_161 = arith.constant 0 : i32
          %dma_wait3A_162 = tpu.memref_slice %arg4[%add3A_153, %dma_wait3A_161] : memref<16384x768xf32, #tpu.memory_space<hbm>> -> memref<64x768xf32, #tpu.memory_space<hbm>>
          %dma_wait3A_163 = arith.constant 0 : i32
          %dma_wait3A_164 = arith.constant 0 : i32
          %dma_wait3A_165 = tpu.memref_slice %arg6[%dma_wait3A_154, %dma_wait3A_163, %dma_wait3A_164] : memref<2x64x768xf32, #tpu.memory_space<vmem>> -> memref<1x64x768xf32, #tpu.memory_space<vmem>>
          %dma_wait3A_166 = tpu.memref_squeeze %dma_wait3A_165 : memref<1x64x768xf32, #tpu.memory_space<vmem>> -> memref<64x768xf32, #tpu.memory_space<vmem>>
          tpu.wait_dma2 semaphore(%arg9 : memref<!tpu.dma_semaphore, #tpu.memory_space<semaphore_mem>>) src(%dma_wait3A_166 : memref<64x768xf32, #tpu.memory_space<vmem>>) dst(%dma_wait3A_162 : memref<64x768xf32, #tpu.memory_space<hbm>>)
        } else {
        }
        %dma_start3A_139 = arith.constant 0 : i32
        %dma_start3A_140 = arith.constant 0 : i32
        %dma_start3A_141 = arith.constant 0 : i32
        %dma_start3A_142 = tpu.memref_slice %arg6[%dma_start3A_139, %dma_start3A_140, %dma_start3A_141] : memref<2x64x768xf32, #tpu.memory_space<vmem>> -> memref<1x64x768xf32, #tpu.memory_space<vmem>>
        %dma_start3A_143 = tpu.memref_squeeze %dma_start3A_142 : memref<1x64x768xf32, #tpu.memory_space<vmem>> -> memref<64x768xf32, #tpu.memory_space<vmem>>
        %dma_start3A_144 = arith.constant 0 : i32
        %dma_start3A_145 = tpu.memref_slice %arg5[%add3A_107, %dma_start3A_144] : memref<8x64xi32, #tpu.memory_space<vmem>> -> memref<1x64xi32, #tpu.memory_space<vmem>>
        %dma_start3A_146 = tpu.memref_squeeze %dma_start3A_145 : memref<1x64xi32, #tpu.memory_space<vmem>> -> memref<64xi32, #tpu.memory_space<vmem>>
        %dma_start3A_147 = arith.constant 0 : i32
        %dma_start3A_148 = arith.constant 0 : i32
        %dma_start3A_149 = tpu.memref_slice %arg2[%dma_start3A_147, %dma_start3A_148] : memref<100000x768xf32, #tpu.memory_space<hbm>> -> memref<100000x768xf32, #tpu.memory_space<hbm>>
        tpu.enqueue_indirect_dma source(%dma_start3A_149 : memref<100000x768xf32, #tpu.memory_space<hbm>>) target(%dma_start3A_143 : memref<64x768xf32, #tpu.memory_space<vmem>>) offsets(%dma_start3A_146 : memref<64xi32, #tpu.memory_space<vmem>>) semaphore(%arg7 : memref<!tpu.dma_semaphore, #tpu.memory_space<semaphore_mem>>)
      } else {
      }
      %scan3A_113 = arith.constant 0 : i32
      %scan3A_114 = arith.constant 0 : i32
      %scan3A_115 = arith.constant 64 : i32
      %scan3A_116 = arith.addi %scan3A_114, %scan3A_115 : i32
      %scan3A_117 = arith.constant 1 : i32
      scf.for %scan3A_135 = %scan3A_114 to %scan3A_116 step %scan3A_117  : i32 {
        %get3A = arith.constant 1 : i32
        %get3A_136 = arith.index_cast %get3A : i32 to index
        %get3A_137 = arith.index_cast %scan3A_135 : i32 to index
        %get3A_138 = arith.constant 0 : index
        %get3A_139 = tpu.vector_load %arg6[%get3A_136, %get3A_137, %get3A_138] {strides = array<i32>} : memref<2x64x768xf32, #tpu.memory_space<vmem>>, vector<1x1x16xf32>,
        %get3A_140 = vector.shape_cast %get3A_139 : vector<1x1x16xf32> to vector<16xf32>
        %mul3A_141 = arith.constant 27.7128124 : f32
        %mul3A_142 = vector.broadcast %mul3A_141 : f32 to vector<16xf32>
        %mul3A_143 = arith.mulf %get3A_140, %mul3A_142 : vector<16xf32>
        %swap3A = arith.constant 1 : i32
        %swap3A_144 = arith.index_cast %swap3A : i32 to index
        %swap3A_145 = arith.index_cast %scan3A_135 : i32 to index
        %swap3A_146 = arith.constant 0 : index
        %swap3A_147 = tpu.vector_load %arg6[%swap3A_144, %swap3A_145, %swap3A_146] {strides = array<i32>} : memref<2x64x768xf32, #tpu.memory_space<vmem>>, vector<1x1x16xf32>,
        %swap3A_148 = vector.shape_cast %swap3A_147 : vector<1x1x16xf32> to vector<16xf32>
        %swap3A_149 = vector.shape_cast %mul3A_143 : vector<16xf32> to vector<1x1x16xf32>
        tpu.vector_store %arg6[%swap3A_144, %swap3A_145, %swap3A_146], %swap3A_149 {strides = array<i32>} : memref<2x64x768xf32, #tpu.memory_space<vmem>>, vector<1x1x16xf32>,
        %get3A_150 = arith.constant 1 : i32
        %get3A_151 = arith.index_cast %get3A_150 : i32 to index
        %get3A_152 = arith.index_cast %scan3A_135 : i32 to index
        %get3A_153 = arith.constant 16 : index
        %get3A_154 = tpu.vector_load %arg6[%get3A_151, %get3A_152, %get3A_153] {strides = array<i32>} : memref<2x64x768xf32, #tpu.memory_space<vmem>>, vector<1x1x16xf32>,
        %get3A_155 = vector.shape_cast %get3A_154 : vector<1x1x16xf32> to vector<16xf32>
        %mul3A_156 = arith.constant 27.7128124 : f32
        %mul3A_157 = vector.broadcast %mul3A_156 : f32 to vector<16xf32>
        %mul3A_158 = arith.mulf %get3A_155, %mul3A_157 : vector<16xf32>
        %swap3A_159 = arith.constant 1 : i32
        %swap3A_160 = arith.index_cast %swap3A_159 : i32 to index
        %swap3A_161 = arith.index_cast %scan3A_135 : i32 to index
        %swap3A_162 = arith.constant 16 : index
        %swap3A_163 = tpu.vector_load %arg6[%swap3A_160, %swap3A_161, %swap3A_162] {strides = array<i32>} : memref<2x64x768xf32, #tpu.memory_space<vmem>>, vector<1x1x16xf32>,
        %swap3A_164 = vector.shape_cast %swap3A_163 : vector<1x1x16xf32> to vector<16xf32>
        %swap3A_165 = vector.shape_cast %mul3A_158 : vector<16xf32> to vector<1x1x16xf32>
        tpu.vector_store %arg6[%swap3A_160, %swap3A_161, %swap3A_162], %swap3A_165 {strides = array<i32>} : memref<2x64x768xf32, #tpu.memory_space<vmem>>, vector<1x1x16xf32>,
        %get3A_166 = arith.constant 1 : i32
        %get3A_167 = arith.index_cast %get3A_166 : i32 to index
        %get3A_168 = arith.index_cast %scan3A_135 : i32 to index
        %get3A_169 = arith.constant 32 : index
        %get3A_170 = tpu.vector_load %arg6[%get3A_167, %get3A_168, %get3A_169] {strides = array<i32>} : memref<2x64x768xf32, #tpu.memory_space<vmem>>, vector<1x1x16xf32>,
        %get3A_171 = vector.shape_cast %get3A_170 : vector<1x1x16xf32> to vector<16xf32>
        %mul3A_172 = arith.constant 27.7128124 : f32
        %mul3A_173 = vector.broadcast %mul3A_172 : f32 to vector<16xf32>
        %mul3A_174 = arith.mulf %get3A_171, %mul3A_173 : vector<16xf32>
        %swap3A_175 = arith.constant 1 : i32
        %swap3A_176 = arith.index_cast %swap3A_175 : i32 to index
        %swap3A_177 = arith.index_cast %scan3A_135 : i32 to index
        %swap3A_178 = arith.constant 32 : index
        %swap3A_179 = tpu.vector_load %arg6[%swap3A_176, %swap3A_177, %swap3A_178] {strides = array<i32>} : memref<2x64x768xf32, #tpu.memory_space<vmem>>, vector<1x1x16xf32>,
        %swap3A_180 = vector.shape_cast %swap3A_179 : vector<1x1x16xf32> to vector<16xf32>
        %swap3A_181 = vector.shape_cast %mul3A_174 : vector<16xf32> to vector<1x1x16xf32>
        tpu.vector_store %arg6[%swap3A_176, %swap3A_177, %swap3A_178], %swap3A_181 {strides = array<i32>} : memref<2x64x768xf32, #tpu.memory_space<vmem>>, vector<1x1x16xf32>,
        %get3A_182 = arith.constant 1 : i32
        %get3A_183 = arith.index_cast %get3A_182 : i32 to index
        %get3A_184 = arith.index_cast %scan3A_135 : i32 to index
        %get3A_185 = arith.constant 48 : index
        %get3A_186 = tpu.vector_load %arg6[%get3A_183, %get3A_184, %get3A_185] {strides = array<i32>} : memref<2x64x768xf32, #tpu.memory_space<vmem>>, vector<1x1x16xf32>,
        %get3A_187 = vector.shape_cast %get3A_186 : vector<1x1x16xf32> to vector<16xf32>
        %mul3A_188 = arith.constant 27.7128124 : f32
        %mul3A_189 = vector.broadcast %mul3A_188 : f32 to vector<16xf32>
        %mul3A_190 = arith.mulf %get3A_187, %mul3A_189 : vector<16xf32>
        %swap3A_191 = arith.constant 1 : i32
        %swap3A_192 = arith.index_cast %swap3A_191 : i32 to index
        %swap3A_193 = arith.index_cast %scan3A_135 : i32 to index
        %swap3A_194 = arith.constant 48 : index
        %swap3A_195 = tpu.vector_load %arg6[%swap3A_192, %swap3A_193, %swap3A_194] {strides = array<i32>} : memref<2x64x768xf32, #tpu.memory_space<vmem>>, vector<1x1x16xf32>,
        %swap3A_196 = vector.shape_cast %swap3A_195 : vector<1x1x16xf32> to vector<16xf32>
        %swap3A_197 = vector.shape_cast %mul3A_190 : vector<16xf32> to vector<1x1x16xf32>
        tpu.vector_store %arg6[%swap3A_192, %swap3A_193, %swap3A_194], %swap3A_197 {strides = array<i32>} : memref<2x64x768xf32, #tpu.memory_space<vmem>>, vector<1x1x16xf32>,
        %get3A_198 = arith.constant 1 : i32
        %get3A_199 = arith.index_cast %get3A_198 : i32 to index
        %get3A_200 = arith.index_cast %scan3A_135 : i32 to index
        %get3A_201 = arith.constant 64 : index
        %get3A_202 = tpu.vector_load %arg6[%get3A_199, %get3A_200, %get3A_201] {strides = array<i32>} : memref<2x64x768xf32, #tpu.memory_space<vmem>>, vector<1x1x16xf32>,
        %get3A_203 = vector.shape_cast %get3A_202 : vector<1x1x16xf32> to vector<16xf32>
        %mul3A_204 = arith.constant 27.7128124 : f32
        %mul3A_205 = vector.broadcast %mul3A_204 : f32 to vector<16xf32>
        %mul3A_206 = arith.mulf %get3A_203, %mul3A_205 : vector<16xf32>
        %swap3A_207 = arith.constant 1 : i32
        %swap3A_208 = arith.index_cast %swap3A_207 : i32 to index
        %swap3A_209 = arith.index_cast %scan3A_135 : i32 to index
        %swap3A_210 = arith.constant 64 : index
        %swap3A_211 = tpu.vector_load %arg6[%swap3A_208, %swap3A_209, %swap3A_210] {strides = array<i32>} : memref<2x64x768xf32, #tpu.memory_space<vmem>>, vector<1x1x16xf32>,
        %swap3A_212 = vector.shape_cast %swap3A_211 : vector<1x1x16xf32> to vector<16xf32>
        %swap3A_213 = vector.shape_cast %mul3A_206 : vector<16xf32> to vector<1x1x16xf32>
        tpu.vector_store %arg6[%swap3A_208, %swap3A_209, %swap3A_210], %swap3A_213 {strides = array<i32>} : memref<2x64x768xf32, #tpu.memory_space<vmem>>, vector<1x1x16xf32>,
        %get3A_214 = arith.constant 1 : i32
        %get3A_215 = arith.index_cast %get3A_214 : i32 to index
        %get3A_216 = arith.index_cast %scan3A_135 : i32 to index
        %get3A_217 = arith.constant 80 : index
        %get3A_218 = tpu.vector_load %arg6[%get3A_215, %get3A_216, %get3A_217] {strides = array<i32>} : memref<2x64x768xf32, #tpu.memory_space<vmem>>, vector<1x1x16xf32>,
        %get3A_219 = vector.shape_cast %get3A_218 : vector<1x1x16xf32> to vector<16xf32>
        %mul3A_220 = arith.constant 27.7128124 : f32
        %mul3A_221 = vector.broadcast %mul3A_220 : f32 to vector<16xf32>
        %mul3A_222 = arith.mulf %get3A_219, %mul3A_221 : vector<16xf32>
        %swap3A_223 = arith.constant 1 : i32
        %swap3A_224 = arith.index_cast %swap3A_223 : i32 to index
        %swap3A_225 = arith.index_cast %scan3A_135 : i32 to index
        %swap3A_226 = arith.constant 80 : index
        %swap3A_227 = tpu.vector_load %arg6[%swap3A_224, %swap3A_225, %swap3A_226] {strides = array<i32>} : memref<2x64x768xf32, #tpu.memory_space<vmem>>, vector<1x1x16xf32>,
        %swap3A_228 = vector.shape_cast %swap3A_227 : vector<1x1x16xf32> to vector<16xf32>
        %swap3A_229 = vector.shape_cast %mul3A_222 : vector<16xf32> to vector<1x1x16xf32>
        tpu.vector_store %arg6[%swap3A_224, %swap3A_225, %swap3A_226], %swap3A_229 {strides = array<i32>} : memref<2x64x768xf32, #tpu.memory_space<vmem>>, vector<1x1x16xf32>,
        %get3A_230 = arith.constant 1 : i32
        %get3A_231 = arith.index_cast %get3A_230 : i32 to index
        %get3A_232 = arith.index_cast %scan3A_135 : i32 to index
        %get3A_233 = arith.constant 96 : index
        %get3A_234 = tpu.vector_load %arg6[%get3A_231, %get3A_232, %get3A_233] {strides = array<i32>} : memref<2x64x768xf32, #tpu.memory_space<vmem>>, vector<1x1x16xf32>,
        %get3A_235 = vector.shape_cast %get3A_234 : vector<1x1x16xf32> to vector<16xf32>
        %mul3A_236 = arith.constant 27.7128124 : f32
        %mul3A_237 = vector.broadcast %mul3A_236 : f32 to vector<16xf32>
        %mul3A_238 = arith.mulf %get3A_235, %mul3A_237 : vector<16xf32>
        %swap3A_239 = arith.constant 1 : i32
        %swap3A_240 = arith.index_cast %swap3A_239 : i32 to index
        %swap3A_241 = arith.index_cast %scan3A_135 : i32 to index
        %swap3A_242 = arith.constant 96 : index
        %swap3A_243 = tpu.vector_load %arg6[%swap3A_240, %swap3A_241, %swap3A_242] {strides = array<i32>} : memref<2x64x768xf32, #tpu.memory_space<vmem>>, vector<1x1x16xf32>,
        %swap3A_244 = vector.shape_cast %swap3A_243 : vector<1x1x16xf32> to vector<16xf32>
        %swap3A_245 = vector.shape_cast %mul3A_238 : vector<16xf32> to vector<1x1x16xf32>
        tpu.vector_store %arg6[%swap3A_240, %swap3A_241, %swap3A_242], %swap3A_245 {strides = array<i32>} : memref<2x64x768xf32, #tpu.memory_space<vmem>>, vector<1x1x16xf32>,
        %get3A_246 = arith.constant 1 : i32
        %get3A_247 = arith.index_cast %get3A_246 : i32 to index
        %get3A_248 = arith.index_cast %scan3A_135 : i32 to index
        %get3A_249 = arith.constant 112 : index
        %get3A_250 = tpu.vector_load %arg6[%get3A_247, %get3A_248, %get3A_249] {strides = array<i32>} : memref<2x64x768xf32, #tpu.memory_space<vmem>>, vector<1x1x16xf32>,
        %get3A_251 = vector.shape_cast %get3A_250 : vector<1x1x16xf32> to vector<16xf32>
        %mul3A_252 = arith.constant 27.7128124 : f32
        %mul3A_253 = vector.broadcast %mul3A_252 : f32 to vector<16xf32>
        %mul3A_254 = arith.mulf %get3A_251, %mul3A_253 : vector<16xf32>
        %swap3A_255 = arith.constant 1 : i32
        %swap3A_256 = arith.index_cast %swap3A_255 : i32 to index
        %swap3A_257 = arith.index_cast %scan3A_135 : i32 to index
        %swap3A_258 = arith.constant 112 : index
        %swap3A_259 = tpu.vector_load %arg6[%swap3A_256, %swap3A_257, %swap3A_258] {strides = array<i32>} : memref<2x64x768xf32, #tpu.memory_space<vmem>>, vector<1x1x16xf32>,
        %swap3A_260 = vector.shape_cast %swap3A_259 : vector<1x1x16xf32> to vector<16xf32>
        %swap3A_261 = vector.shape_cast %mul3A_254 : vector<16xf32> to vector<1x1x16xf32>
        tpu.vector_store %arg6[%swap3A_256, %swap3A_257, %swap3A_258], %swap3A_261 {strides = array<i32>} : memref<2x64x768xf32, #tpu.memory_space<vmem>>, vector<1x1x16xf32>,
        %get3A_262 = arith.constant 1 : i32
        %get3A_263 = arith.index_cast %get3A_262 : i32 to index
        %get3A_264 = arith.index_cast %scan3A_135 : i32 to index
        %get3A_265 = arith.constant 128 : index
        %get3A_266 = tpu.vector_load %arg6[%get3A_263, %get3A_264, %get3A_265] {strides = array<i32>} : memref<2x64x768xf32, #tpu.memory_space<vmem>>, vector<1x1x16xf32>,
        %get3A_267 = vector.shape_cast %get3A_266 : vector<1x1x16xf32> to vector<16xf32>
        %mul3A_268 = arith.constant 27.7128124 : f32
        %mul3A_269 = vector.broadcast %mul3A_268 : f32 to vector<16xf32>
        %mul3A_270 = arith.mulf %get3A_267, %mul3A_269 : vector<16xf32>
        %swap3A_271 = arith.constant 1 : i32
        %swap3A_272 = arith.index_cast %swap3A_271 : i32 to index
        %swap3A_273 = arith.index_cast %scan3A_135 : i32 to index
        %swap3A_274 = arith.constant 128 : index
        %swap3A_275 = tpu.vector_load %arg6[%swap3A_272, %swap3A_273, %swap3A_274] {strides = array<i32>} : memref<2x64x768xf32, #tpu.memory_space<vmem>>, vector<1x1x16xf32>,
        %swap3A_276 = vector.shape_cast %swap3A_275 : vector<1x1x16xf32> to vector<16xf32>
        %swap3A_277 = vector.shape_cast %mul3A_270 : vector<16xf32> to vector<1x1x16xf32>
        tpu.vector_store %arg6[%swap3A_272, %swap3A_273, %swap3A_274], %swap3A_277 {strides = array<i32>} : memref<2x64x768xf32, #tpu.memory_space<vmem>>, vector<1x1x16xf32>,
        %get3A_278 = arith.constant 1 : i32
        %get3A_279 = arith.index_cast %get3A_278 : i32 to index
        %get3A_280 = arith.index_cast %scan3A_135 : i32 to index
        %get3A_281 = arith.constant 144 : index
        %get3A_282 = tpu.vector_load %arg6[%get3A_279, %get3A_280, %get3A_281] {strides = array<i32>} : memref<2x64x768xf32, #tpu.memory_space<vmem>>, vector<1x1x16xf32>,
        %get3A_283 = vector.shape_cast %get3A_282 : vector<1x1x16xf32> to vector<16xf32>
        %mul3A_284 = arith.constant 27.7128124 : f32
        %mul3A_285 = vector.broadcast %mul3A_284 : f32 to vector<16xf32>
        %mul3A_286 = arith.mulf %get3A_283, %mul3A_285 : vector<16xf32>
        %swap3A_287 = arith.constant 1 : i32
        %swap3A_288 = arith.index_cast %swap3A_287 : i32 to index
        %swap3A_289 = arith.index_cast %scan3A_135 : i32 to index
        %swap3A_290 = arith.constant 144 : index
        %swap3A_291 = tpu.vector_load %arg6[%swap3A_288, %swap3A_289, %swap3A_290] {strides = array<i32>} : memref<2x64x768xf32, #tpu.memory_space<vmem>>, vector<1x1x16xf32>,
        %swap3A_292 = vector.shape_cast %swap3A_291 : vector<1x1x16xf32> to vector<16xf32>
        %swap3A_293 = vector.shape_cast %mul3A_286 : vector<16xf32> to vector<1x1x16xf32>
        tpu.vector_store %arg6[%swap3A_288, %swap3A_289, %swap3A_290], %swap3A_293 {strides = array<i32>} : memref<2x64x768xf32, #tpu.memory_space<vmem>>, vector<1x1x16xf32>,
        %get3A_294 = arith.constant 1 : i32
        %get3A_295 = arith.index_cast %get3A_294 : i32 to index
        %get3A_296 = arith.index_cast %scan3A_135 : i32 to index
        %get3A_297 = arith.constant 160 : index
        %get3A_298 = tpu.vector_load %arg6[%get3A_295, %get3A_296, %get3A_297] {strides = array<i32>} : memref<2x64x768xf32, #tpu.memory_space<vmem>>, vector<1x1x16xf32>,
        %get3A_299 = vector.shape_cast %get3A_298 : vector<1x1x16xf32> to vector<16xf32>
        %mul3A_300 = arith.constant 27.7128124 : f32
        %mul3A_301 = vector.broadcast %mul3A_300 : f32 to vector<16xf32>
        %mul3A_302 = arith.mulf %get3A_299, %mul3A_301 : vector<16xf32>
        %swap3A_303 = arith.constant 1 : i32
        %swap3A_304 = arith.index_cast %swap3A_303 : i32 to index
        %swap3A_305 = arith.index_cast %scan3A_135 : i32 to index
        %swap3A_306 = arith.constant 160 : index
        %swap3A_307 = tpu.vector_load %arg6[%swap3A_304, %swap3A_305, %swap3A_306] {strides = array<i32>} : memref<2x64x768xf32, #tpu.memory_space<vmem>>, vector<1x1x16xf32>,
        %swap3A_308 = vector.shape_cast %swap3A_307 : vector<1x1x16xf32> to vector<16xf32>
        %swap3A_309 = vector.shape_cast %mul3A_302 : vector<16xf32> to vector<1x1x16xf32>
        tpu.vector_store %arg6[%swap3A_304, %swap3A_305, %swap3A_306], %swap3A_309 {strides = array<i32>} : memref<2x64x768xf32, #tpu.memory_space<vmem>>, vector<1x1x16xf32>,
        %get3A_310 = arith.constant 1 : i32
        %get3A_311 = arith.index_cast %get3A_310 : i32 to index
        %get3A_312 = arith.index_cast %scan3A_135 : i32 to index
        %get3A_313 = arith.constant 176 : index
        %get3A_314 = tpu.vector_load %arg6[%get3A_311, %get3A_312, %get3A_313] {strides = array<i32>} : memref<2x64x768xf32, #tpu.memory_space<vmem>>, vector<1x1x16xf32>,
        %get3A_315 = vector.shape_cast %get3A_314 : vector<1x1x16xf32> to vector<16xf32>
        %mul3A_316 = arith.constant 27.7128124 : f32
        %mul3A_317 = vector.broadcast %mul3A_316 : f32 to vector<16xf32>
        %mul3A_318 = arith.mulf %get3A_315, %mul3A_317 : vector<16xf32>
        %swap3A_319 = arith.constant 1 : i32
        %swap3A_320 = arith.index_cast %swap3A_319 : i32 to index
        %swap3A_321 = arith.index_cast %scan3A_135 : i32 to index
        %swap3A_322 = arith.constant 176 : index
        %swap3A_323 = tpu.vector_load %arg6[%swap3A_320, %swap3A_321, %swap3A_322] {strides = array<i32>} : memref<2x64x768xf32, #tpu.memory_space<vmem>>, vector<1x1x16xf32>,
        %swap3A_324 = vector.shape_cast %swap3A_323 : vector<1x1x16xf32> to vector<16xf32>
        %swap3A_325 = vector.shape_cast %mul3A_318 : vector<16xf32> to vector<1x1x16xf32>
        tpu.vector_store %arg6[%swap3A_320, %swap3A_321, %swap3A_322], %swap3A_325 {strides = array<i32>} : memref<2x64x768xf32, #tpu.memory_space<vmem>>, vector<1x1x16xf32>,
        %get3A_326 = arith.constant 1 : i32
        %get3A_327 = arith.index_cast %get3A_326 : i32 to index
        %get3A_328 = arith.index_cast %scan3A_135 : i32 to index
        %get3A_329 = arith.constant 192 : index
        %get3A_330 = tpu.vector_load %arg6[%get3A_327, %get3A_328, %get3A_329] {strides = array<i32>} : memref<2x64x768xf32, #tpu.memory_space<vmem>>, vector<1x1x16xf32>,
        %get3A_331 = vector.shape_cast %get3A_330 : vector<1x1x16xf32> to vector<16xf32>
        %mul3A_332 = arith.constant 27.7128124 : f32
        %mul3A_333 = vector.broadcast %mul3A_332 : f32 to vector<16xf32>
        %mul3A_334 = arith.mulf %get3A_331, %mul3A_333 : vector<16xf32>
        %swap3A_335 = arith.constant 1 : i32
        %swap3A_336 = arith.index_cast %swap3A_335 : i32 to index
        %swap3A_337 = arith.index_cast %scan3A_135 : i32 to index
        %swap3A_338 = arith.constant 192 : index
        %swap3A_339 = tpu.vector_load %arg6[%swap3A_336, %swap3A_337, %swap3A_338] {strides = array<i32>} : memref<2x64x768xf32, #tpu.memory_space<vmem>>, vector<1x1x16xf32>,
        %swap3A_340 = vector.shape_cast %swap3A_339 : vector<1x1x16xf32> to vector<16xf32>
        %swap3A_341 = vector.shape_cast %mul3A_334 : vector<16xf32> to vector<1x1x16xf32>
        tpu.vector_store %arg6[%swap3A_336, %swap3A_337, %swap3A_338], %swap3A_341 {strides = array<i32>} : memref<2x64x768xf32, #tpu.memory_space<vmem>>, vector<1x1x16xf32>,
        %get3A_342 = arith.constant 1 : i32
        %get3A_343 = arith.index_cast %get3A_342 : i32 to index
        %get3A_344 = arith.index_cast %scan3A_135 : i32 to index
        %get3A_345 = arith.constant 208 : index
        %get3A_346 = tpu.vector_load %arg6[%get3A_343, %get3A_344, %get3A_345] {strides = array<i32>} : memref<2x64x768xf32, #tpu.memory_space<vmem>>, vector<1x1x16xf32>,
        %get3A_347 = vector.shape_cast %get3A_346 : vector<1x1x16xf32> to vector<16xf32>
        %mul3A_348 = arith.constant 27.7128124 : f32
        %mul3A_349 = vector.broadcast %mul3A_348 : f32 to vector<16xf32>
        %mul3A_350 = arith.mulf %get3A_347, %mul3A_349 : vector<16xf32>
        %swap3A_351 = arith.constant 1 : i32
        %swap3A_352 = arith.index_cast %swap3A_351 : i32 to index
        %swap3A_353 = arith.index_cast %scan3A_135 : i32 to index
        %swap3A_354 = arith.constant 208 : index
        %swap3A_355 = tpu.vector_load %arg6[%swap3A_352, %swap3A_353, %swap3A_354] {strides = array<i32>} : memref<2x64x768xf32, #tpu.memory_space<vmem>>, vector<1x1x16xf32>,
        %swap3A_356 = vector.shape_cast %swap3A_355 : vector<1x1x16xf32> to vector<16xf32>
        %swap3A_357 = vector.shape_cast %mul3A_350 : vector<16xf32> to vector<1x1x16xf32>
        tpu.vector_store %arg6[%swap3A_352, %swap3A_353, %swap3A_354], %swap3A_357 {strides = array<i32>} : memref<2x64x768xf32, #tpu.memory_space<vmem>>, vector<1x1x16xf32>,
        %get3A_358 = arith.constant 1 : i32
        %get3A_359 = arith.index_cast %get3A_358 : i32 to index
        %get3A_360 = arith.index_cast %scan3A_135 : i32 to index
        %get3A_361 = arith.constant 224 : index
        %get3A_362 = tpu.vector_load %arg6[%get3A_359, %get3A_360, %get3A_361] {strides = array<i32>} : memref<2x64x768xf32, #tpu.memory_space<vmem>>, vector<1x1x16xf32>,
        %get3A_363 = vector.shape_cast %get3A_362 : vector<1x1x16xf32> to vector<16xf32>
        %mul3A_364 = arith.constant 27.7128124 : f32
        %mul3A_365 = vector.broadcast %mul3A_364 : f32 to vector<16xf32>
        %mul3A_366 = arith.mulf %get3A_363, %mul3A_365 : vector<16xf32>
        %swap3A_367 = arith.constant 1 : i32
        %swap3A_368 = arith.index_cast %swap3A_367 : i32 to index
        %swap3A_369 = arith.index_cast %scan3A_135 : i32 to index
        %swap3A_370 = arith.constant 224 : index
        %swap3A_371 = tpu.vector_load %arg6[%swap3A_368, %swap3A_369, %swap3A_370] {strides = array<i32>} : memref<2x64x768xf32, #tpu.memory_space<vmem>>, vector<1x1x16xf32>,
        %swap3A_372 = vector.shape_cast %swap3A_371 : vector<1x1x16xf32> to vector<16xf32>
        %swap3A_373 = vector.shape_cast %mul3A_366 : vector<16xf32> to vector<1x1x16xf32>
        tpu.vector_store %arg6[%swap3A_368, %swap3A_369, %swap3A_370], %swap3A_373 {strides = array<i32>} : memref<2x64x768xf32, #tpu.memory_space<vmem>>, vector<1x1x16xf32>,
        %get3A_374 = arith.constant 1 : i32
        %get3A_375 = arith.index_cast %get3A_374 : i32 to index
        %get3A_376 = arith.index_cast %scan3A_135 : i32 to index
        %get3A_377 = arith.constant 240 : index
        %get3A_378 = tpu.vector_load %arg6[%get3A_375, %get3A_376, %get3A_377] {strides = array<i32>} : memref<2x64x768xf32, #tpu.memory_space<vmem>>, vector<1x1x16xf32>,
        %get3A_379 = vector.shape_cast %get3A_378 : vector<1x1x16xf32> to vector<16xf32>
        %mul3A_380 = arith.constant 27.7128124 : f32
        %mul3A_381 = vector.broadcast %mul3A_380 : f32 to vector<16xf32>
        %mul3A_382 = arith.mulf %get3A_379, %mul3A_381 : vector<16xf32>
        %swap3A_383 = arith.constant 1 : i32
        %swap3A_384 = arith.index_cast %swap3A_383 : i32 to index
        %swap3A_385 = arith.index_cast %scan3A_135 : i32 to index
        %swap3A_386 = arith.constant 240 : index
        %swap3A_387 = tpu.vector_load %arg6[%swap3A_384, %swap3A_385, %swap3A_386] {strides = array<i32>} : memref<2x64x768xf32, #tpu.memory_space<vmem>>, vector<1x1x16xf32>,
        %swap3A_388 = vector.shape_cast %swap3A_387 : vector<1x1x16xf32> to vector<16xf32>
        %swap3A_389 = vector.shape_cast %mul3A_382 : vector<16xf32> to vector<1x1x16xf32>
        tpu.vector_store %arg6[%swap3A_384, %swap3A_385, %swap3A_386], %swap3A_389 {strides = array<i32>} : memref<2x64x768xf32, #tpu.memory_space<vmem>>, vector<1x1x16xf32>,
        %get3A_390 = arith.constant 1 : i32
        %get3A_391 = arith.index_cast %get3A_390 : i32 to index
        %get3A_392 = arith.index_cast %scan3A_135 : i32 to index
        %get3A_393 = arith.constant 256 : index
        %get3A_394 = tpu.vector_load %arg6[%get3A_391, %get3A_392, %get3A_393] {strides = array<i32>} : memref<2x64x768xf32, #tpu.memory_space<vmem>>, vector<1x1x16xf32>,
        %get3A_395 = vector.shape_cast %get3A_394 : vector<1x1x16xf32> to vector<16xf32>
        %mul3A_396 = arith.constant 27.7128124 : f32
        %mul3A_397 = vector.broadcast %mul3A_396 : f32 to vector<16xf32>
        %mul3A_398 = arith.mulf %get3A_395, %mul3A_397 : vector<16xf32>
        %swap3A_399 = arith.constant 1 : i32
        %swap3A_400 = arith.index_cast %swap3A_399 : i32 to index
        %swap3A_401 = arith.index_cast %scan3A_135 : i32 to index
        %swap3A_402 = arith.constant 256 : index
        %swap3A_403 = tpu.vector_load %arg6[%swap3A_400, %swap3A_401, %swap3A_402] {strides = array<i32>} : memref<2x64x768xf32, #tpu.memory_space<vmem>>, vector<1x1x16xf32>,
        %swap3A_404 = vector.shape_cast %swap3A_403 : vector<1x1x16xf32> to vector<16xf32>
        %swap3A_405 = vector.shape_cast %mul3A_398 : vector<16xf32> to vector<1x1x16xf32>
        tpu.vector_store %arg6[%swap3A_400, %swap3A_401, %swap3A_402], %swap3A_405 {strides = array<i32>} : memref<2x64x768xf32, #tpu.memory_space<vmem>>, vector<1x1x16xf32>,
        %get3A_406 = arith.constant 1 : i32
        %get3A_407 = arith.index_cast %get3A_406 : i32 to index
        %get3A_408 = arith.index_cast %scan3A_135 : i32 to index
        %get3A_409 = arith.constant 272 : index
        %get3A_410 = tpu.vector_load %arg6[%get3A_407, %get3A_408, %get3A_409] {strides = array<i32>} : memref<2x64x768xf32, #tpu.memory_space<vmem>>, vector<1x1x16xf32>,
        %get3A_411 = vector.shape_cast %get3A_410 : vector<1x1x16xf32> to vector<16xf32>
        %mul3A_412 = arith.constant 27.7128124 : f32
        %mul3A_413 = vector.broadcast %mul3A_412 : f32 to vector<16xf32>
        %mul3A_414 = arith.mulf %get3A_411, %mul3A_413 : vector<16xf32>
        %swap3A_415 = arith.constant 1 : i32
        %swap3A_416 = arith.index_cast %swap3A_415 : i32 to index
        %swap3A_417 = arith.index_cast %scan3A_135 : i32 to index
        %swap3A_418 = arith.constant 272 : index
        %swap3A_419 = tpu.vector_load %arg6[%swap3A_416, %swap3A_417, %swap3A_418] {strides = array<i32>} : memref<2x64x768xf32, #tpu.memory_space<vmem>>, vector<1x1x16xf32>,
        %swap3A_420 = vector.shape_cast %swap3A_419 : vector<1x1x16xf32> to vector<16xf32>
        %swap3A_421 = vector.shape_cast %mul3A_414 : vector<16xf32> to vector<1x1x16xf32>
        tpu.vector_store %arg6[%swap3A_416, %swap3A_417, %swap3A_418], %swap3A_421 {strides = array<i32>} : memref<2x64x768xf32, #tpu.memory_space<vmem>>, vector<1x1x16xf32>,
        %get3A_422 = arith.constant 1 : i32
        %get3A_423 = arith.index_cast %get3A_422 : i32 to index
        %get3A_424 = arith.index_cast %scan3A_135 : i32 to index
        %get3A_425 = arith.constant 288 : index
        %get3A_426 = tpu.vector_load %arg6[%get3A_423, %get3A_424, %get3A_425] {strides = array<i32>} : memref<2x64x768xf32, #tpu.memory_space<vmem>>, vector<1x1x16xf32>,
        %get3A_427 = vector.shape_cast %get3A_426 : vector<1x1x16xf32> to vector<16xf32>
        %mul3A_428 = arith.constant 27.7128124 : f32
        %mul3A_429 = vector.broadcast %mul3A_428 : f32 to vector<16xf32>
        %mul3A_430 = arith.mulf %get3A_427, %mul3A_429 : vector<16xf32>
        %swap3A_431 = arith.constant 1 : i32
        %swap3A_432 = arith.index_cast %swap3A_431 : i32 to index
        %swap3A_433 = arith.index_cast %scan3A_135 : i32 to index
        %swap3A_434 = arith.constant 288 : index
        %swap3A_435 = tpu.vector_load %arg6[%swap3A_432, %swap3A_433, %swap3A_434] {strides = array<i32>} : memref<2x64x768xf32, #tpu.memory_space<vmem>>, vector<1x1x16xf32>,
        %swap3A_436 = vector.shape_cast %swap3A_435 : vector<1x1x16xf32> to vector<16xf32>
        %swap3A_437 = vector.shape_cast %mul3A_430 : vector<16xf32> to vector<1x1x16xf32>
        tpu.vector_store %arg6[%swap3A_432, %swap3A_433, %swap3A_434], %swap3A_437 {strides = array<i32>} : memref<2x64x768xf32, #tpu.memory_space<vmem>>, vector<1x1x16xf32>,
        %get3A_438 = arith.constant 1 : i32
        %get3A_439 = arith.index_cast %get3A_438 : i32 to index
        %get3A_440 = arith.index_cast %scan3A_135 : i32 to index
        %get3A_441 = arith.constant 304 : index
        %get3A_442 = tpu.vector_load %arg6[%get3A_439, %get3A_440, %get3A_441] {strides = array<i32>} : memref<2x64x768xf32, #tpu.memory_space<vmem>>, vector<1x1x16xf32>,
        %get3A_443 = vector.shape_cast %get3A_442 : vector<1x1x16xf32> to vector<16xf32>
        %mul3A_444 = arith.constant 27.7128124 : f32
        %mul3A_445 = vector.broadcast %mul3A_444 : f32 to vector<16xf32>
        %mul3A_446 = arith.mulf %get3A_443, %mul3A_445 : vector<16xf32>
        %swap3A_447 = arith.constant 1 : i32
        %swap3A_448 = arith.index_cast %swap3A_447 : i32 to index
        %swap3A_449 = arith.index_cast %scan3A_135 : i32 to index
        %swap3A_450 = arith.constant 304 : index
        %swap3A_451 = tpu.vector_load %arg6[%swap3A_448, %swap3A_449, %swap3A_450] {strides = array<i32>} : memref<2x64x768xf32, #tpu.memory_space<vmem>>, vector<1x1x16xf32>,
        %swap3A_452 = vector.shape_cast %swap3A_451 : vector<1x1x16xf32> to vector<16xf32>
        %swap3A_453 = vector.shape_cast %mul3A_446 : vector<16xf32> to vector<1x1x16xf32>
        tpu.vector_store %arg6[%swap3A_448, %swap3A_449, %swap3A_450], %swap3A_453 {strides = array<i32>} : memref<2x64x768xf32, #tpu.memory_space<vmem>>, vector<1x1x16xf32>,
        %get3A_454 = arith.constant 1 : i32
        %get3A_455 = arith.index_cast %get3A_454 : i32 to index
        %get3A_456 = arith.index_cast %scan3A_135 : i32 to index
        %get3A_457 = arith.constant 320 : index
        %get3A_458 = tpu.vector_load %arg6[%get3A_455, %get3A_456, %get3A_457] {strides = array<i32>} : memref<2x64x768xf32, #tpu.memory_space<vmem>>, vector<1x1x16xf32>,
        %get3A_459 = vector.shape_cast %get3A_458 : vector<1x1x16xf32> to vector<16xf32>
        %mul3A_460 = arith.constant 27.7128124 : f32
        %mul3A_461 = vector.broadcast %mul3A_460 : f32 to vector<16xf32>
        %mul3A_462 = arith.mulf %get3A_459, %mul3A_461 : vector<16xf32>
        %swap3A_463 = arith.constant 1 : i32
        %swap3A_464 = arith.index_cast %swap3A_463 : i32 to index
        %swap3A_465 = arith.index_cast %scan3A_135 : i32 to index
        %swap3A_466 = arith.constant 320 : index
        %swap3A_467 = tpu.vector_load %arg6[%swap3A_464, %swap3A_465, %swap3A_466] {strides = array<i32>} : memref<2x64x768xf32, #tpu.memory_space<vmem>>, vector<1x1x16xf32>,
        %swap3A_468 = vector.shape_cast %swap3A_467 : vector<1x1x16xf32> to vector<16xf32>
        %swap3A_469 = vector.shape_cast %mul3A_462 : vector<16xf32> to vector<1x1x16xf32>
        tpu.vector_store %arg6[%swap3A_464, %swap3A_465, %swap3A_466], %swap3A_469 {strides = array<i32>} : memref<2x64x768xf32, #tpu.memory_space<vmem>>, vector<1x1x16xf32>,
        %get3A_470 = arith.constant 1 : i32
        %get3A_471 = arith.index_cast %get3A_470 : i32 to index
        %get3A_472 = arith.index_cast %scan3A_135 : i32 to index
        %get3A_473 = arith.constant 336 : index
        %get3A_474 = tpu.vector_load %arg6[%get3A_471, %get3A_472, %get3A_473] {strides = array<i32>} : memref<2x64x768xf32, #tpu.memory_space<vmem>>, vector<1x1x16xf32>,
        %get3A_475 = vector.shape_cast %get3A_474 : vector<1x1x16xf32> to vector<16xf32>
        %mul3A_476 = arith.constant 27.7128124 : f32
        %mul3A_477 = vector.broadcast %mul3A_476 : f32 to vector<16xf32>
        %mul3A_478 = arith.mulf %get3A_475, %mul3A_477 : vector<16xf32>
        %swap3A_479 = arith.constant 1 : i32
        %swap3A_480 = arith.index_cast %swap3A_479 : i32 to index
        %swap3A_481 = arith.index_cast %scan3A_135 : i32 to index
        %swap3A_482 = arith.constant 336 : index
        %swap3A_483 = tpu.vector_load %arg6[%swap3A_480, %swap3A_481, %swap3A_482] {strides = array<i32>} : memref<2x64x768xf32, #tpu.memory_space<vmem>>, vector<1x1x16xf32>,
        %swap3A_484 = vector.shape_cast %swap3A_483 : vector<1x1x16xf32> to vector<16xf32>
        %swap3A_485 = vector.shape_cast %mul3A_478 : vector<16xf32> to vector<1x1x16xf32>
        tpu.vector_store %arg6[%swap3A_480, %swap3A_481, %swap3A_482], %swap3A_485 {strides = array<i32>} : memref<2x64x768xf32, #tpu.memory_space<vmem>>, vector<1x1x16xf32>,
        %get3A_486 = arith.constant 1 : i32
        %get3A_487 = arith.index_cast %get3A_486 : i32 to index
        %get3A_488 = arith.index_cast %scan3A_135 : i32 to index
        %get3A_489 = arith.constant 352 : index
        %get3A_490 = tpu.vector_load %arg6[%get3A_487, %get3A_488, %get3A_489] {strides = array<i32>} : memref<2x64x768xf32, #tpu.memory_space<vmem>>, vector<1x1x16xf32>,
        %get3A_491 = vector.shape_cast %get3A_490 : vector<1x1x16xf32> to vector<16xf32>
        %mul3A_492 = arith.constant 27.7128124 : f32
        %mul3A_493 = vector.broadcast %mul3A_492 : f32 to vector<16xf32>
        %mul3A_494 = arith.mulf %get3A_491, %mul3A_493 : vector<16xf32>
        %swap3A_495 = arith.constant 1 : i32
        %swap3A_496 = arith.index_cast %swap3A_495 : i32 to index
        %swap3A_497 = arith.index_cast %scan3A_135 : i32 to index
        %swap3A_498 = arith.constant 352 : index
        %swap3A_499 = tpu.vector_load %arg6[%swap3A_496, %swap3A_497, %swap3A_498] {strides = array<i32>} : memref<2x64x768xf32, #tpu.memory_space<vmem>>, vector<1x1x16xf32>,
        %swap3A_500 = vector.shape_cast %swap3A_499 : vector<1x1x16xf32> to vector<16xf32>
        %swap3A_501 = vector.shape_cast %mul3A_494 : vector<16xf32> to vector<1x1x16xf32>
        tpu.vector_store %arg6[%swap3A_496, %swap3A_497, %swap3A_498], %swap3A_501 {strides = array<i32>} : memref<2x64x768xf32, #tpu.memory_space<vmem>>, vector<1x1x16xf32>,
        %get3A_502 = arith.constant 1 : i32
        %get3A_503 = arith.index_cast %get3A_502 : i32 to index
        %get3A_504 = arith.index_cast %scan3A_135 : i32 to index
        %get3A_505 = arith.constant 368 : index
        %get3A_506 = tpu.vector_load %arg6[%get3A_503, %get3A_504, %get3A_505] {strides = array<i32>} : memref<2x64x768xf32, #tpu.memory_space<vmem>>, vector<1x1x16xf32>,
        %get3A_507 = vector.shape_cast %get3A_506 : vector<1x1x16xf32> to vector<16xf32>
        %mul3A_508 = arith.constant 27.7128124 : f32
        %mul3A_509 = vector.broadcast %mul3A_508 : f32 to vector<16xf32>
        %mul3A_510 = arith.mulf %get3A_507, %mul3A_509 : vector<16xf32>
        %swap3A_511 = arith.constant 1 : i32
        %swap3A_512 = arith.index_cast %swap3A_511 : i32 to index
        %swap3A_513 = arith.index_cast %scan3A_135 : i32 to index
        %swap3A_514 = arith.constant 368 : index
        %swap3A_515 = tpu.vector_load %arg6[%swap3A_512, %swap3A_513, %swap3A_514] {strides = array<i32>} : memref<2x64x768xf32, #tpu.memory_space<vmem>>, vector<1x1x16xf32>,
        %swap3A_516 = vector.shape_cast %swap3A_515 : vector<1x1x16xf32> to vector<16xf32>
        %swap3A_517 = vector.shape_cast %mul3A_510 : vector<16xf32> to vector<1x1x16xf32>
        tpu.vector_store %arg6[%swap3A_512, %swap3A_513, %swap3A_514], %swap3A_517 {strides = array<i32>} : memref<2x64x768xf32, #tpu.memory_space<vmem>>, vector<1x1x16xf32>,
        %get3A_518 = arith.constant 1 : i32
        %get3A_519 = arith.index_cast %get3A_518 : i32 to index
        %get3A_520 = arith.index_cast %scan3A_135 : i32 to index
        %get3A_521 = arith.constant 384 : index
        %get3A_522 = tpu.vector_load %arg6[%get3A_519, %get3A_520, %get3A_521] {strides = array<i32>} : memref<2x64x768xf32, #tpu.memory_space<vmem>>, vector<1x1x16xf32>,
        %get3A_523 = vector.shape_cast %get3A_522 : vector<1x1x16xf32> to vector<16xf32>
        %mul3A_524 = arith.constant 27.7128124 : f32
        %mul3A_525 = vector.broadcast %mul3A_524 : f32 to vector<16xf32>
        %mul3A_526 = arith.mulf %get3A_523, %mul3A_525 : vector<16xf32>
        %swap3A_527 = arith.constant 1 : i32
        %swap3A_528 = arith.index_cast %swap3A_527 : i32 to index
        %swap3A_529 = arith.index_cast %scan3A_135 : i32 to index
        %swap3A_530 = arith.constant 384 : index
        %swap3A_531 = tpu.vector_load %arg6[%swap3A_528, %swap3A_529, %swap3A_530] {strides = array<i32>} : memref<2x64x768xf32, #tpu.memory_space<vmem>>, vector<1x1x16xf32>,
        %swap3A_532 = vector.shape_cast %swap3A_531 : vector<1x1x16xf32> to vector<16xf32>
        %swap3A_533 = vector.shape_cast %mul3A_526 : vector<16xf32> to vector<1x1x16xf32>
        tpu.vector_store %arg6[%swap3A_528, %swap3A_529, %swap3A_530], %swap3A_533 {strides = array<i32>} : memref<2x64x768xf32, #tpu.memory_space<vmem>>, vector<1x1x16xf32>,
        %get3A_534 = arith.constant 1 : i32
        %get3A_535 = arith.index_cast %get3A_534 : i32 to index
        %get3A_536 = arith.index_cast %scan3A_135 : i32 to index
        %get3A_537 = arith.constant 400 : index
        %get3A_538 = tpu.vector_load %arg6[%get3A_535, %get3A_536, %get3A_537] {strides = array<i32>} : memref<2x64x768xf32, #tpu.memory_space<vmem>>, vector<1x1x16xf32>,
        %get3A_539 = vector.shape_cast %get3A_538 : vector<1x1x16xf32> to vector<16xf32>
        %mul3A_540 = arith.constant 27.7128124 : f32
        %mul3A_541 = vector.broadcast %mul3A_540 : f32 to vector<16xf32>
        %mul3A_542 = arith.mulf %get3A_539, %mul3A_541 : vector<16xf32>
        %swap3A_543 = arith.constant 1 : i32
        %swap3A_544 = arith.index_cast %swap3A_543 : i32 to index
        %swap3A_545 = arith.index_cast %scan3A_135 : i32 to index
        %swap3A_546 = arith.constant 400 : index
        %swap3A_547 = tpu.vector_load %arg6[%swap3A_544, %swap3A_545, %swap3A_546] {strides = array<i32>} : memref<2x64x768xf32, #tpu.memory_space<vmem>>, vector<1x1x16xf32>,
        %swap3A_548 = vector.shape_cast %swap3A_547 : vector<1x1x16xf32> to vector<16xf32>
        %swap3A_549 = vector.shape_cast %mul3A_542 : vector<16xf32> to vector<1x1x16xf32>
        tpu.vector_store %arg6[%swap3A_544, %swap3A_545, %swap3A_546], %swap3A_549 {strides = array<i32>} : memref<2x64x768xf32, #tpu.memory_space<vmem>>, vector<1x1x16xf32>,
        %get3A_550 = arith.constant 1 : i32
        %get3A_551 = arith.index_cast %get3A_550 : i32 to index
        %get3A_552 = arith.index_cast %scan3A_135 : i32 to index
        %get3A_553 = arith.constant 416 : index
        %get3A_554 = tpu.vector_load %arg6[%get3A_551, %get3A_552, %get3A_553] {strides = array<i32>} : memref<2x64x768xf32, #tpu.memory_space<vmem>>, vector<1x1x16xf32>,
        %get3A_555 = vector.shape_cast %get3A_554 : vector<1x1x16xf32> to vector<16xf32>
        %mul3A_556 = arith.constant 27.7128124 : f32
        %mul3A_557 = vector.broadcast %mul3A_556 : f32 to vector<16xf32>
        %mul3A_558 = arith.mulf %get3A_555, %mul3A_557 : vector<16xf32>
        %swap3A_559 = arith.constant 1 : i32
        %swap3A_560 = arith.index_cast %swap3A_559 : i32 to index
        %swap3A_561 = arith.index_cast %scan3A_135 : i32 to index
        %swap3A_562 = arith.constant 416 : index
        %swap3A_563 = tpu.vector_load %arg6[%swap3A_560, %swap3A_561, %swap3A_562] {strides = array<i32>} : memref<2x64x768xf32, #tpu.memory_space<vmem>>, vector<1x1x16xf32>,
        %swap3A_564 = vector.shape_cast %swap3A_563 : vector<1x1x16xf32> to vector<16xf32>
        %swap3A_565 = vector.shape_cast %mul3A_558 : vector<16xf32> to vector<1x1x16xf32>
        tpu.vector_store %arg6[%swap3A_560, %swap3A_561, %swap3A_562], %swap3A_565 {strides = array<i32>} : memref<2x64x768xf32, #tpu.memory_space<vmem>>, vector<1x1x16xf32>,
        %get3A_566 = arith.constant 1 : i32
        %get3A_567 = arith.index_cast %get3A_566 : i32 to index
        %get3A_568 = arith.index_cast %scan3A_135 : i32 to index
        %get3A_569 = arith.constant 432 : index
        %get3A_570 = tpu.vector_load %arg6[%get3A_567, %get3A_568, %get3A_569] {strides = array<i32>} : memref<2x64x768xf32, #tpu.memory_space<vmem>>, vector<1x1x16xf32>,
        %get3A_571 = vector.shape_cast %get3A_570 : vector<1x1x16xf32> to vector<16xf32>
        %mul3A_572 = arith.constant 27.7128124 : f32
        %mul3A_573 = vector.broadcast %mul3A_572 : f32 to vector<16xf32>
        %mul3A_574 = arith.mulf %get3A_571, %mul3A_573 : vector<16xf32>
        %swap3A_575 = arith.constant 1 : i32
        %swap3A_576 = arith.index_cast %swap3A_575 : i32 to index
        %swap3A_577 = arith.index_cast %scan3A_135 : i32 to index
        %swap3A_578 = arith.constant 432 : index
        %swap3A_579 = tpu.vector_load %arg6[%swap3A_576, %swap3A_577, %swap3A_578] {strides = array<i32>} : memref<2x64x768xf32, #tpu.memory_space<vmem>>, vector<1x1x16xf32>,
        %swap3A_580 = vector.shape_cast %swap3A_579 : vector<1x1x16xf32> to vector<16xf32>
        %swap3A_581 = vector.shape_cast %mul3A_574 : vector<16xf32> to vector<1x1x16xf32>
        tpu.vector_store %arg6[%swap3A_576, %swap3A_577, %swap3A_578], %swap3A_581 {strides = array<i32>} : memref<2x64x768xf32, #tpu.memory_space<vmem>>, vector<1x1x16xf32>,
        %get3A_582 = arith.constant 1 : i32
        %get3A_583 = arith.index_cast %get3A_582 : i32 to index
        %get3A_584 = arith.index_cast %scan3A_135 : i32 to index
        %get3A_585 = arith.constant 448 : index
        %get3A_586 = tpu.vector_load %arg6[%get3A_583, %get3A_584, %get3A_585] {strides = array<i32>} : memref<2x64x768xf32, #tpu.memory_space<vmem>>, vector<1x1x16xf32>,
        %get3A_587 = vector.shape_cast %get3A_586 : vector<1x1x16xf32> to vector<16xf32>
        %mul3A_588 = arith.constant 27.7128124 : f32
        %mul3A_589 = vector.broadcast %mul3A_588 : f32 to vector<16xf32>
        %mul3A_590 = arith.mulf %get3A_587, %mul3A_589 : vector<16xf32>
        %swap3A_591 = arith.constant 1 : i32
        %swap3A_592 = arith.index_cast %swap3A_591 : i32 to index
        %swap3A_593 = arith.index_cast %scan3A_135 : i32 to index
        %swap3A_594 = arith.constant 448 : index
        %swap3A_595 = tpu.vector_load %arg6[%swap3A_592, %swap3A_593, %swap3A_594] {strides = array<i32>} : memref<2x64x768xf32, #tpu.memory_space<vmem>>, vector<1x1x16xf32>,
        %swap3A_596 = vector.shape_cast %swap3A_595 : vector<1x1x16xf32> to vector<16xf32>
        %swap3A_597 = vector.shape_cast %mul3A_590 : vector<16xf32> to vector<1x1x16xf32>
        tpu.vector_store %arg6[%swap3A_592, %swap3A_593, %swap3A_594], %swap3A_597 {strides = array<i32>} : memref<2x64x768xf32, #tpu.memory_space<vmem>>, vector<1x1x16xf32>,
        %get3A_598 = arith.constant 1 : i32
        %get3A_599 = arith.index_cast %get3A_598 : i32 to index
        %get3A_600 = arith.index_cast %scan3A_135 : i32 to index
        %get3A_601 = arith.constant 464 : index
        %get3A_602 = tpu.vector_load %arg6[%get3A_599, %get3A_600, %get3A_601] {strides = array<i32>} : memref<2x64x768xf32, #tpu.memory_space<vmem>>, vector<1x1x16xf32>,
        %get3A_603 = vector.shape_cast %get3A_602 : vector<1x1x16xf32> to vector<16xf32>
        %mul3A_604 = arith.constant 27.7128124 : f32
        %mul3A_605 = vector.broadcast %mul3A_604 : f32 to vector<16xf32>
        %mul3A_606 = arith.mulf %get3A_603, %mul3A_605 : vector<16xf32>
        %swap3A_607 = arith.constant 1 : i32
        %swap3A_608 = arith.index_cast %swap3A_607 : i32 to index
        %swap3A_609 = arith.index_cast %scan3A_135 : i32 to index
        %swap3A_610 = arith.constant 464 : index
        %swap3A_611 = tpu.vector_load %arg6[%swap3A_608, %swap3A_609, %swap3A_610] {strides = array<i32>} : memref<2x64x768xf32, #tpu.memory_space<vmem>>, vector<1x1x16xf32>,
        %swap3A_612 = vector.shape_cast %swap3A_611 : vector<1x1x16xf32> to vector<16xf32>
        %swap3A_613 = vector.shape_cast %mul3A_606 : vector<16xf32> to vector<1x1x16xf32>
        tpu.vector_store %arg6[%swap3A_608, %swap3A_609, %swap3A_610], %swap3A_613 {strides = array<i32>} : memref<2x64x768xf32, #tpu.memory_space<vmem>>, vector<1x1x16xf32>,
        %get3A_614 = arith.constant 1 : i32
        %get3A_615 = arith.index_cast %get3A_614 : i32 to index
        %get3A_616 = arith.index_cast %scan3A_135 : i32 to index
        %get3A_617 = arith.constant 480 : index
        %get3A_618 = tpu.vector_load %arg6[%get3A_615, %get3A_616, %get3A_617] {strides = array<i32>} : memref<2x64x768xf32, #tpu.memory_space<vmem>>, vector<1x1x16xf32>,
        %get3A_619 = vector.shape_cast %get3A_618 : vector<1x1x16xf32> to vector<16xf32>
        %mul3A_620 = arith.constant 27.7128124 : f32
        %mul3A_621 = vector.broadcast %mul3A_620 : f32 to vector<16xf32>
        %mul3A_622 = arith.mulf %get3A_619, %mul3A_621 : vector<16xf32>
        %swap3A_623 = arith.constant 1 : i32
        %swap3A_624 = arith.index_cast %swap3A_623 : i32 to index
        %swap3A_625 = arith.index_cast %scan3A_135 : i32 to index
        %swap3A_626 = arith.constant 480 : index
        %swap3A_627 = tpu.vector_load %arg6[%swap3A_624, %swap3A_625, %swap3A_626] {strides = array<i32>} : memref<2x64x768xf32, #tpu.memory_space<vmem>>, vector<1x1x16xf32>,
        %swap3A_628 = vector.shape_cast %swap3A_627 : vector<1x1x16xf32> to vector<16xf32>
        %swap3A_629 = vector.shape_cast %mul3A_622 : vector<16xf32> to vector<1x1x16xf32>
        tpu.vector_store %arg6[%swap3A_624, %swap3A_625, %swap3A_626], %swap3A_629 {strides = array<i32>} : memref<2x64x768xf32, #tpu.memory_space<vmem>>, vector<1x1x16xf32>,
        %get3A_630 = arith.constant 1 : i32
        %get3A_631 = arith.index_cast %get3A_630 : i32 to index
        %get3A_632 = arith.index_cast %scan3A_135 : i32 to index
        %get3A_633 = arith.constant 496 : index
        %get3A_634 = tpu.vector_load %arg6[%get3A_631, %get3A_632, %get3A_633] {strides = array<i32>} : memref<2x64x768xf32, #tpu.memory_space<vmem>>, vector<1x1x16xf32>,
        %get3A_635 = vector.shape_cast %get3A_634 : vector<1x1x16xf32> to vector<16xf32>
        %mul3A_636 = arith.constant 27.7128124 : f32
        %mul3A_637 = vector.broadcast %mul3A_636 : f32 to vector<16xf32>
        %mul3A_638 = arith.mulf %get3A_635, %mul3A_637 : vector<16xf32>
        %swap3A_639 = arith.constant 1 : i32
        %swap3A_640 = arith.index_cast %swap3A_639 : i32 to index
        %swap3A_641 = arith.index_cast %scan3A_135 : i32 to index
        %swap3A_642 = arith.constant 496 : index
        %swap3A_643 = tpu.vector_load %arg6[%swap3A_640, %swap3A_641, %swap3A_642] {strides = array<i32>} : memref<2x64x768xf32, #tpu.memory_space<vmem>>, vector<1x1x16xf32>,
        %swap3A_644 = vector.shape_cast %swap3A_643 : vector<1x1x16xf32> to vector<16xf32>
        %swap3A_645 = vector.shape_cast %mul3A_638 : vector<16xf32> to vector<1x1x16xf32>
        tpu.vector_store %arg6[%swap3A_640, %swap3A_641, %swap3A_642], %swap3A_645 {strides = array<i32>} : memref<2x64x768xf32, #tpu.memory_space<vmem>>, vector<1x1x16xf32>,
        %get3A_646 = arith.constant 1 : i32
        %get3A_647 = arith.index_cast %get3A_646 : i32 to index
        %get3A_648 = arith.index_cast %scan3A_135 : i32 to index
        %get3A_649 = arith.constant 512 : index
        %get3A_650 = tpu.vector_load %arg6[%get3A_647, %get3A_648, %get3A_649] {strides = array<i32>} : memref<2x64x768xf32, #tpu.memory_space<vmem>>, vector<1x1x16xf32>,
        %get3A_651 = vector.shape_cast %get3A_650 : vector<1x1x16xf32> to vector<16xf32>
        %mul3A_652 = arith.constant 27.7128124 : f32
        %mul3A_653 = vector.broadcast %mul3A_652 : f32 to vector<16xf32>
        %mul3A_654 = arith.mulf %get3A_651, %mul3A_653 : vector<16xf32>
        %swap3A_655 = arith.constant 1 : i32
        %swap3A_656 = arith.index_cast %swap3A_655 : i32 to index
        %swap3A_657 = arith.index_cast %scan3A_135 : i32 to index
        %swap3A_658 = arith.constant 512 : index
        %swap3A_659 = tpu.vector_load %arg6[%swap3A_656, %swap3A_657, %swap3A_658] {strides = array<i32>} : memref<2x64x768xf32, #tpu.memory_space<vmem>>, vector<1x1x16xf32>,
        %swap3A_660 = vector.shape_cast %swap3A_659 : vector<1x1x16xf32> to vector<16xf32>
        %swap3A_661 = vector.shape_cast %mul3A_654 : vector<16xf32> to vector<1x1x16xf32>
        tpu.vector_store %arg6[%swap3A_656, %swap3A_657, %swap3A_658], %swap3A_661 {strides = array<i32>} : memref<2x64x768xf32, #tpu.memory_space<vmem>>, vector<1x1x16xf32>,
        %get3A_662 = arith.constant 1 : i32
        %get3A_663 = arith.index_cast %get3A_662 : i32 to index
        %get3A_664 = arith.index_cast %scan3A_135 : i32 to index
        %get3A_665 = arith.constant 528 : index
        %get3A_666 = tpu.vector_load %arg6[%get3A_663, %get3A_664, %get3A_665] {strides = array<i32>} : memref<2x64x768xf32, #tpu.memory_space<vmem>>, vector<1x1x16xf32>,
        %get3A_667 = vector.shape_cast %get3A_666 : vector<1x1x16xf32> to vector<16xf32>
        %mul3A_668 = arith.constant 27.7128124 : f32
        %mul3A_669 = vector.broadcast %mul3A_668 : f32 to vector<16xf32>
        %mul3A_670 = arith.mulf %get3A_667, %mul3A_669 : vector<16xf32>
        %swap3A_671 = arith.constant 1 : i32
        %swap3A_672 = arith.index_cast %swap3A_671 : i32 to index
        %swap3A_673 = arith.index_cast %scan3A_135 : i32 to index
        %swap3A_674 = arith.constant 528 : index
        %swap3A_675 = tpu.vector_load %arg6[%swap3A_672, %swap3A_673, %swap3A_674] {strides = array<i32>} : memref<2x64x768xf32, #tpu.memory_space<vmem>>, vector<1x1x16xf32>,
        %swap3A_676 = vector.shape_cast %swap3A_675 : vector<1x1x16xf32> to vector<16xf32>
        %swap3A_677 = vector.shape_cast %mul3A_670 : vector<16xf32> to vector<1x1x16xf32>
        tpu.vector_store %arg6[%swap3A_672, %swap3A_673, %swap3A_674], %swap3A_677 {strides = array<i32>} : memref<2x64x768xf32, #tpu.memory_space<vmem>>, vector<1x1x16xf32>,
        %get3A_678 = arith.constant 1 : i32
        %get3A_679 = arith.index_cast %get3A_678 : i32 to index
        %get3A_680 = arith.index_cast %scan3A_135 : i32 to index
        %get3A_681 = arith.constant 544 : index
        %get3A_682 = tpu.vector_load %arg6[%get3A_679, %get3A_680, %get3A_681] {strides = array<i32>} : memref<2x64x768xf32, #tpu.memory_space<vmem>>, vector<1x1x16xf32>,
        %get3A_683 = vector.shape_cast %get3A_682 : vector<1x1x16xf32> to vector<16xf32>
        %mul3A_684 = arith.constant 27.7128124 : f32
        %mul3A_685 = vector.broadcast %mul3A_684 : f32 to vector<16xf32>
        %mul3A_686 = arith.mulf %get3A_683, %mul3A_685 : vector<16xf32>
        %swap3A_687 = arith.constant 1 : i32
        %swap3A_688 = arith.index_cast %swap3A_687 : i32 to index
        %swap3A_689 = arith.index_cast %scan3A_135 : i32 to index
        %swap3A_690 = arith.constant 544 : index
        %swap3A_691 = tpu.vector_load %arg6[%swap3A_688, %swap3A_689, %swap3A_690] {strides = array<i32>} : memref<2x64x768xf32, #tpu.memory_space<vmem>>, vector<1x1x16xf32>,
        %swap3A_692 = vector.shape_cast %swap3A_691 : vector<1x1x16xf32> to vector<16xf32>
        %swap3A_693 = vector.shape_cast %mul3A_686 : vector<16xf32> to vector<1x1x16xf32>
        tpu.vector_store %arg6[%swap3A_688, %swap3A_689, %swap3A_690], %swap3A_693 {strides = array<i32>} : memref<2x64x768xf32, #tpu.memory_space<vmem>>, vector<1x1x16xf32>,
        %get3A_694 = arith.constant 1 : i32
        %get3A_695 = arith.index_cast %get3A_694 : i32 to index
        %get3A_696 = arith.index_cast %scan3A_135 : i32 to index
        %get3A_697 = arith.constant 560 : index
        %get3A_698 = tpu.vector_load %arg6[%get3A_695, %get3A_696, %get3A_697] {strides = array<i32>} : memref<2x64x768xf32, #tpu.memory_space<vmem>>, vector<1x1x16xf32>,
        %get3A_699 = vector.shape_cast %get3A_698 : vector<1x1x16xf32> to vector<16xf32>
        %mul3A_700 = arith.constant 27.7128124 : f32
        %mul3A_701 = vector.broadcast %mul3A_700 : f32 to vector<16xf32>
        %mul3A_702 = arith.mulf %get3A_699, %mul3A_701 : vector<16xf32>
        %swap3A_703 = arith.constant 1 : i32
        %swap3A_704 = arith.index_cast %swap3A_703 : i32 to index
        %swap3A_705 = arith.index_cast %scan3A_135 : i32 to index
        %swap3A_706 = arith.constant 560 : index
        %swap3A_707 = tpu.vector_load %arg6[%swap3A_704, %swap3A_705, %swap3A_706] {strides = array<i32>} : memref<2x64x768xf32, #tpu.memory_space<vmem>>, vector<1x1x16xf32>,
        %swap3A_708 = vector.shape_cast %swap3A_707 : vector<1x1x16xf32> to vector<16xf32>
        %swap3A_709 = vector.shape_cast %mul3A_702 : vector<16xf32> to vector<1x1x16xf32>
        tpu.vector_store %arg6[%swap3A_704, %swap3A_705, %swap3A_706], %swap3A_709 {strides = array<i32>} : memref<2x64x768xf32, #tpu.memory_space<vmem>>, vector<1x1x16xf32>,
        %get3A_710 = arith.constant 1 : i32
        %get3A_711 = arith.index_cast %get3A_710 : i32 to index
        %get3A_712 = arith.index_cast %scan3A_135 : i32 to index
        %get3A_713 = arith.constant 576 : index
        %get3A_714 = tpu.vector_load %arg6[%get3A_711, %get3A_712, %get3A_713] {strides = array<i32>} : memref<2x64x768xf32, #tpu.memory_space<vmem>>, vector<1x1x16xf32>,
        %get3A_715 = vector.shape_cast %get3A_714 : vector<1x1x16xf32> to vector<16xf32>
        %mul3A_716 = arith.constant 27.7128124 : f32
        %mul3A_717 = vector.broadcast %mul3A_716 : f32 to vector<16xf32>
        %mul3A_718 = arith.mulf %get3A_715, %mul3A_717 : vector<16xf32>
        %swap3A_719 = arith.constant 1 : i32
        %swap3A_720 = arith.index_cast %swap3A_719 : i32 to index
        %swap3A_721 = arith.index_cast %scan3A_135 : i32 to index
        %swap3A_722 = arith.constant 576 : index
        %swap3A_723 = tpu.vector_load %arg6[%swap3A_720, %swap3A_721, %swap3A_722] {strides = array<i32>} : memref<2x64x768xf32, #tpu.memory_space<vmem>>, vector<1x1x16xf32>,
        %swap3A_724 = vector.shape_cast %swap3A_723 : vector<1x1x16xf32> to vector<16xf32>
        %swap3A_725 = vector.shape_cast %mul3A_718 : vector<16xf32> to vector<1x1x16xf32>
        tpu.vector_store %arg6[%swap3A_720, %swap3A_721, %swap3A_722], %swap3A_725 {strides = array<i32>} : memref<2x64x768xf32, #tpu.memory_space<vmem>>, vector<1x1x16xf32>,
        %get3A_726 = arith.constant 1 : i32
        %get3A_727 = arith.index_cast %get3A_726 : i32 to index
        %get3A_728 = arith.index_cast %scan3A_135 : i32 to index
        %get3A_729 = arith.constant 592 : index
        %get3A_730 = tpu.vector_load %arg6[%get3A_727, %get3A_728, %get3A_729] {strides = array<i32>} : memref<2x64x768xf32, #tpu.memory_space<vmem>>, vector<1x1x16xf32>,
        %get3A_731 = vector.shape_cast %get3A_730 : vector<1x1x16xf32> to vector<16xf32>
        %mul3A_732 = arith.constant 27.7128124 : f32
        %mul3A_733 = vector.broadcast %mul3A_732 : f32 to vector<16xf32>
        %mul3A_734 = arith.mulf %get3A_731, %mul3A_733 : vector<16xf32>
        %swap3A_735 = arith.constant 1 : i32
        %swap3A_736 = arith.index_cast %swap3A_735 : i32 to index
        %swap3A_737 = arith.index_cast %scan3A_135 : i32 to index
        %swap3A_738 = arith.constant 592 : index
        %swap3A_739 = tpu.vector_load %arg6[%swap3A_736, %swap3A_737, %swap3A_738] {strides = array<i32>} : memref<2x64x768xf32, #tpu.memory_space<vmem>>, vector<1x1x16xf32>,
        %swap3A_740 = vector.shape_cast %swap3A_739 : vector<1x1x16xf32> to vector<16xf32>
        %swap3A_741 = vector.shape_cast %mul3A_734 : vector<16xf32> to vector<1x1x16xf32>
        tpu.vector_store %arg6[%swap3A_736, %swap3A_737, %swap3A_738], %swap3A_741 {strides = array<i32>} : memref<2x64x768xf32, #tpu.memory_space<vmem>>, vector<1x1x16xf32>,
        %get3A_742 = arith.constant 1 : i32
        %get3A_743 = arith.index_cast %get3A_742 : i32 to index
        %get3A_744 = arith.index_cast %scan3A_135 : i32 to index
        %get3A_745 = arith.constant 608 : index
        %get3A_746 = tpu.vector_load %arg6[%get3A_743, %get3A_744, %get3A_745] {strides = array<i32>} : memref<2x64x768xf32, #tpu.memory_space<vmem>>, vector<1x1x16xf32>,
        %get3A_747 = vector.shape_cast %get3A_746 : vector<1x1x16xf32> to vector<16xf32>
        %mul3A_748 = arith.constant 27.7128124 : f32
        %mul3A_749 = vector.broadcast %mul3A_748 : f32 to vector<16xf32>
        %mul3A_750 = arith.mulf %get3A_747, %mul3A_749 : vector<16xf32>
        %swap3A_751 = arith.constant 1 : i32
        %swap3A_752 = arith.index_cast %swap3A_751 : i32 to index
        %swap3A_753 = arith.index_cast %scan3A_135 : i32 to index
        %swap3A_754 = arith.constant 608 : index
        %swap3A_755 = tpu.vector_load %arg6[%swap3A_752, %swap3A_753, %swap3A_754] {strides = array<i32>} : memref<2x64x768xf32, #tpu.memory_space<vmem>>, vector<1x1x16xf32>,
        %swap3A_756 = vector.shape_cast %swap3A_755 : vector<1x1x16xf32> to vector<16xf32>
        %swap3A_757 = vector.shape_cast %mul3A_750 : vector<16xf32> to vector<1x1x16xf32>
        tpu.vector_store %arg6[%swap3A_752, %swap3A_753, %swap3A_754], %swap3A_757 {strides = array<i32>} : memref<2x64x768xf32, #tpu.memory_space<vmem>>, vector<1x1x16xf32>,
        %get3A_758 = arith.constant 1 : i32
        %get3A_759 = arith.index_cast %get3A_758 : i32 to index
        %get3A_760 = arith.index_cast %scan3A_135 : i32 to index
        %get3A_761 = arith.constant 624 : index
        %get3A_762 = tpu.vector_load %arg6[%get3A_759, %get3A_760, %get3A_761] {strides = array<i32>} : memref<2x64x768xf32, #tpu.memory_space<vmem>>, vector<1x1x16xf32>,
        %get3A_763 = vector.shape_cast %get3A_762 : vector<1x1x16xf32> to vector<16xf32>
        %mul3A_764 = arith.constant 27.7128124 : f32
        %mul3A_765 = vector.broadcast %mul3A_764 : f32 to vector<16xf32>
        %mul3A_766 = arith.mulf %get3A_763, %mul3A_765 : vector<16xf32>
        %swap3A_767 = arith.constant 1 : i32
        %swap3A_768 = arith.index_cast %swap3A_767 : i32 to index
        %swap3A_769 = arith.index_cast %scan3A_135 : i32 to index
        %swap3A_770 = arith.constant 624 : index
        %swap3A_771 = tpu.vector_load %arg6[%swap3A_768, %swap3A_769, %swap3A_770] {strides = array<i32>} : memref<2x64x768xf32, #tpu.memory_space<vmem>>, vector<1x1x16xf32>,
        %swap3A_772 = vector.shape_cast %swap3A_771 : vector<1x1x16xf32> to vector<16xf32>
        %swap3A_773 = vector.shape_cast %mul3A_766 : vector<16xf32> to vector<1x1x16xf32>
        tpu.vector_store %arg6[%swap3A_768, %swap3A_769, %swap3A_770], %swap3A_773 {strides = array<i32>} : memref<2x64x768xf32, #tpu.memory_space<vmem>>, vector<1x1x16xf32>,
        %get3A_774 = arith.constant 1 : i32
        %get3A_775 = arith.index_cast %get3A_774 : i32 to index
        %get3A_776 = arith.index_cast %scan3A_135 : i32 to index
        %get3A_777 = arith.constant 640 : index
        %get3A_778 = tpu.vector_load %arg6[%get3A_775, %get3A_776, %get3A_777] {strides = array<i32>} : memref<2x64x768xf32, #tpu.memory_space<vmem>>, vector<1x1x16xf32>,
        %get3A_779 = vector.shape_cast %get3A_778 : vector<1x1x16xf32> to vector<16xf32>
        %mul3A_780 = arith.constant 27.7128124 : f32
        %mul3A_781 = vector.broadcast %mul3A_780 : f32 to vector<16xf32>
        %mul3A_782 = arith.mulf %get3A_779, %mul3A_781 : vector<16xf32>
        %swap3A_783 = arith.constant 1 : i32
        %swap3A_784 = arith.index_cast %swap3A_783 : i32 to index
        %swap3A_785 = arith.index_cast %scan3A_135 : i32 to index
        %swap3A_786 = arith.constant 640 : index
        %swap3A_787 = tpu.vector_load %arg6[%swap3A_784, %swap3A_785, %swap3A_786] {strides = array<i32>} : memref<2x64x768xf32, #tpu.memory_space<vmem>>, vector<1x1x16xf32>,
        %swap3A_788 = vector.shape_cast %swap3A_787 : vector<1x1x16xf32> to vector<16xf32>
        %swap3A_789 = vector.shape_cast %mul3A_782 : vector<16xf32> to vector<1x1x16xf32>
        tpu.vector_store %arg6[%swap3A_784, %swap3A_785, %swap3A_786], %swap3A_789 {strides = array<i32>} : memref<2x64x768xf32, #tpu.memory_space<vmem>>, vector<1x1x16xf32>,
        %get3A_790 = arith.constant 1 : i32
        %get3A_791 = arith.index_cast %get3A_790 : i32 to index
        %get3A_792 = arith.index_cast %scan3A_135 : i32 to index
        %get3A_793 = arith.constant 656 : index
        %get3A_794 = tpu.vector_load %arg6[%get3A_791, %get3A_792, %get3A_793] {strides = array<i32>} : memref<2x64x768xf32, #tpu.memory_space<vmem>>, vector<1x1x16xf32>,
        %get3A_795 = vector.shape_cast %get3A_794 : vector<1x1x16xf32> to vector<16xf32>
        %mul3A_796 = arith.constant 27.7128124 : f32
        %mul3A_797 = vector.broadcast %mul3A_796 : f32 to vector<16xf32>
        %mul3A_798 = arith.mulf %get3A_795, %mul3A_797 : vector<16xf32>
        %swap3A_799 = arith.constant 1 : i32
        %swap3A_800 = arith.index_cast %swap3A_799 : i32 to index
        %swap3A_801 = arith.index_cast %scan3A_135 : i32 to index
        %swap3A_802 = arith.constant 656 : index
        %swap3A_803 = tpu.vector_load %arg6[%swap3A_800, %swap3A_801, %swap3A_802] {strides = array<i32>} : memref<2x64x768xf32, #tpu.memory_space<vmem>>, vector<1x1x16xf32>,
        %swap3A_804 = vector.shape_cast %swap3A_803 : vector<1x1x16xf32> to vector<16xf32>
        %swap3A_805 = vector.shape_cast %mul3A_798 : vector<16xf32> to vector<1x1x16xf32>
        tpu.vector_store %arg6[%swap3A_800, %swap3A_801, %swap3A_802], %swap3A_805 {strides = array<i32>} : memref<2x64x768xf32, #tpu.memory_space<vmem>>, vector<1x1x16xf32>,
        %get3A_806 = arith.constant 1 : i32
        %get3A_807 = arith.index_cast %get3A_806 : i32 to index
        %get3A_808 = arith.index_cast %scan3A_135 : i32 to index
        %get3A_809 = arith.constant 672 : index
        %get3A_810 = tpu.vector_load %arg6[%get3A_807, %get3A_808, %get3A_809] {strides = array<i32>} : memref<2x64x768xf32, #tpu.memory_space<vmem>>, vector<1x1x16xf32>,
        %get3A_811 = vector.shape_cast %get3A_810 : vector<1x1x16xf32> to vector<16xf32>
        %mul3A_812 = arith.constant 27.7128124 : f32
        %mul3A_813 = vector.broadcast %mul3A_812 : f32 to vector<16xf32>
        %mul3A_814 = arith.mulf %get3A_811, %mul3A_813 : vector<16xf32>
        %swap3A_815 = arith.constant 1 : i32
        %swap3A_816 = arith.index_cast %swap3A_815 : i32 to index
        %swap3A_817 = arith.index_cast %scan3A_135 : i32 to index
        %swap3A_818 = arith.constant 672 : index
        %swap3A_819 = tpu.vector_load %arg6[%swap3A_816, %swap3A_817, %swap3A_818] {strides = array<i32>} : memref<2x64x768xf32, #tpu.memory_space<vmem>>, vector<1x1x16xf32>,
        %swap3A_820 = vector.shape_cast %swap3A_819 : vector<1x1x16xf32> to vector<16xf32>
        %swap3A_821 = vector.shape_cast %mul3A_814 : vector<16xf32> to vector<1x1x16xf32>
        tpu.vector_store %arg6[%swap3A_816, %swap3A_817, %swap3A_818], %swap3A_821 {strides = array<i32>} : memref<2x64x768xf32, #tpu.memory_space<vmem>>, vector<1x1x16xf32>,
        %get3A_822 = arith.constant 1 : i32
        %get3A_823 = arith.index_cast %get3A_822 : i32 to index
        %get3A_824 = arith.index_cast %scan3A_135 : i32 to index
        %get3A_825 = arith.constant 688 : index
        %get3A_826 = tpu.vector_load %arg6[%get3A_823, %get3A_824, %get3A_825] {strides = array<i32>} : memref<2x64x768xf32, #tpu.memory_space<vmem>>, vector<1x1x16xf32>,
        %get3A_827 = vector.shape_cast %get3A_826 : vector<1x1x16xf32> to vector<16xf32>
        %mul3A_828 = arith.constant 27.7128124 : f32
        %mul3A_829 = vector.broadcast %mul3A_828 : f32 to vector<16xf32>
        %mul3A_830 = arith.mulf %get3A_827, %mul3A_829 : vector<16xf32>
        %swap3A_831 = arith.constant 1 : i32
        %swap3A_832 = arith.index_cast %swap3A_831 : i32 to index
        %swap3A_833 = arith.index_cast %scan3A_135 : i32 to index
        %swap3A_834 = arith.constant 688 : index
        %swap3A_835 = tpu.vector_load %arg6[%swap3A_832, %swap3A_833, %swap3A_834] {strides = array<i32>} : memref<2x64x768xf32, #tpu.memory_space<vmem>>, vector<1x1x16xf32>,
        %swap3A_836 = vector.shape_cast %swap3A_835 : vector<1x1x16xf32> to vector<16xf32>
        %swap3A_837 = vector.shape_cast %mul3A_830 : vector<16xf32> to vector<1x1x16xf32>
        tpu.vector_store %arg6[%swap3A_832, %swap3A_833, %swap3A_834], %swap3A_837 {strides = array<i32>} : memref<2x64x768xf32, #tpu.memory_space<vmem>>, vector<1x1x16xf32>,
        %get3A_838 = arith.constant 1 : i32
        %get3A_839 = arith.index_cast %get3A_838 : i32 to index
        %get3A_840 = arith.index_cast %scan3A_135 : i32 to index
        %get3A_841 = arith.constant 704 : index
        %get3A_842 = tpu.vector_load %arg6[%get3A_839, %get3A_840, %get3A_841] {strides = array<i32>} : memref<2x64x768xf32, #tpu.memory_space<vmem>>, vector<1x1x16xf32>,
        %get3A_843 = vector.shape_cast %get3A_842 : vector<1x1x16xf32> to vector<16xf32>
        %mul3A_844 = arith.constant 27.7128124 : f32
        %mul3A_845 = vector.broadcast %mul3A_844 : f32 to vector<16xf32>
        %mul3A_846 = arith.mulf %get3A_843, %mul3A_845 : vector<16xf32>
        %swap3A_847 = arith.constant 1 : i32
        %swap3A_848 = arith.index_cast %swap3A_847 : i32 to index
        %swap3A_849 = arith.index_cast %scan3A_135 : i32 to index
        %swap3A_850 = arith.constant 704 : index
        %swap3A_851 = tpu.vector_load %arg6[%swap3A_848, %swap3A_849, %swap3A_850] {strides = array<i32>} : memref<2x64x768xf32, #tpu.memory_space<vmem>>, vector<1x1x16xf32>,
        %swap3A_852 = vector.shape_cast %swap3A_851 : vector<1x1x16xf32> to vector<16xf32>
        %swap3A_853 = vector.shape_cast %mul3A_846 : vector<16xf32> to vector<1x1x16xf32>
        tpu.vector_store %arg6[%swap3A_848, %swap3A_849, %swap3A_850], %swap3A_853 {strides = array<i32>} : memref<2x64x768xf32, #tpu.memory_space<vmem>>, vector<1x1x16xf32>,
        %get3A_854 = arith.constant 1 : i32
        %get3A_855 = arith.index_cast %get3A_854 : i32 to index
        %get3A_856 = arith.index_cast %scan3A_135 : i32 to index
        %get3A_857 = arith.constant 720 : index
        %get3A_858 = tpu.vector_load %arg6[%get3A_855, %get3A_856, %get3A_857] {strides = array<i32>} : memref<2x64x768xf32, #tpu.memory_space<vmem>>, vector<1x1x16xf32>,
        %get3A_859 = vector.shape_cast %get3A_858 : vector<1x1x16xf32> to vector<16xf32>
        %mul3A_860 = arith.constant 27.7128124 : f32
        %mul3A_861 = vector.broadcast %mul3A_860 : f32 to vector<16xf32>
        %mul3A_862 = arith.mulf %get3A_859, %mul3A_861 : vector<16xf32>
        %swap3A_863 = arith.constant 1 : i32
        %swap3A_864 = arith.index_cast %swap3A_863 : i32 to index
        %swap3A_865 = arith.index_cast %scan3A_135 : i32 to index
        %swap3A_866 = arith.constant 720 : index
        %swap3A_867 = tpu.vector_load %arg6[%swap3A_864, %swap3A_865, %swap3A_866] {strides = array<i32>} : memref<2x64x768xf32, #tpu.memory_space<vmem>>, vector<1x1x16xf32>,
        %swap3A_868 = vector.shape_cast %swap3A_867 : vector<1x1x16xf32> to vector<16xf32>
        %swap3A_869 = vector.shape_cast %mul3A_862 : vector<16xf32> to vector<1x1x16xf32>
        tpu.vector_store %arg6[%swap3A_864, %swap3A_865, %swap3A_866], %swap3A_869 {strides = array<i32>} : memref<2x64x768xf32, #tpu.memory_space<vmem>>, vector<1x1x16xf32>,
        %get3A_870 = arith.constant 1 : i32
        %get3A_871 = arith.index_cast %get3A_870 : i32 to index
        %get3A_872 = arith.index_cast %scan3A_135 : i32 to index
        %get3A_873 = arith.constant 736 : index
        %get3A_874 = tpu.vector_load %arg6[%get3A_871, %get3A_872, %get3A_873] {strides = array<i32>} : memref<2x64x768xf32, #tpu.memory_space<vmem>>, vector<1x1x16xf32>,
        %get3A_875 = vector.shape_cast %get3A_874 : vector<1x1x16xf32> to vector<16xf32>
        %mul3A_876 = arith.constant 27.7128124 : f32
        %mul3A_877 = vector.broadcast %mul3A_876 : f32 to vector<16xf32>
        %mul3A_878 = arith.mulf %get3A_875, %mul3A_877 : vector<16xf32>
        %swap3A_879 = arith.constant 1 : i32
        %swap3A_880 = arith.index_cast %swap3A_879 : i32 to index
        %swap3A_881 = arith.index_cast %scan3A_135 : i32 to index
        %swap3A_882 = arith.constant 736 : index
        %swap3A_883 = tpu.vector_load %arg6[%swap3A_880, %swap3A_881, %swap3A_882] {strides = array<i32>} : memref<2x64x768xf32, #tpu.memory_space<vmem>>, vector<1x1x16xf32>,
        %swap3A_884 = vector.shape_cast %swap3A_883 : vector<1x1x16xf32> to vector<16xf32>
        %swap3A_885 = vector.shape_cast %mul3A_878 : vector<16xf32> to vector<1x1x16xf32>
        tpu.vector_store %arg6[%swap3A_880, %swap3A_881, %swap3A_882], %swap3A_885 {strides = array<i32>} : memref<2x64x768xf32, #tpu.memory_space<vmem>>, vector<1x1x16xf32>,
        %get3A_886 = arith.constant 1 : i32
        %get3A_887 = arith.index_cast %get3A_886 : i32 to index
        %get3A_888 = arith.index_cast %scan3A_135 : i32 to index
        %get3A_889 = arith.constant 752 : index
        %get3A_890 = tpu.vector_load %arg6[%get3A_887, %get3A_888, %get3A_889] {strides = array<i32>} : memref<2x64x768xf32, #tpu.memory_space<vmem>>, vector<1x1x16xf32>,
        %get3A_891 = vector.shape_cast %get3A_890 : vector<1x1x16xf32> to vector<16xf32>
        %mul3A_892 = arith.constant 27.7128124 : f32
        %mul3A_893 = vector.broadcast %mul3A_892 : f32 to vector<16xf32>
        %mul3A_894 = arith.mulf %get3A_891, %mul3A_893 : vector<16xf32>
        %swap3A_895 = arith.constant 1 : i32
        %swap3A_896 = arith.index_cast %swap3A_895 : i32 to index
        %swap3A_897 = arith.index_cast %scan3A_135 : i32 to index
        %swap3A_898 = arith.constant 752 : index
        %swap3A_899 = tpu.vector_load %arg6[%swap3A_896, %swap3A_897, %swap3A_898] {strides = array<i32>} : memref<2x64x768xf32, #tpu.memory_space<vmem>>, vector<1x1x16xf32>,
        %swap3A_900 = vector.shape_cast %swap3A_899 : vector<1x1x16xf32> to vector<16xf32>
        %swap3A_901 = vector.shape_cast %mul3A_894 : vector<16xf32> to vector<1x1x16xf32>
        tpu.vector_store %arg6[%swap3A_896, %swap3A_897, %swap3A_898], %swap3A_901 {strides = array<i32>} : memref<2x64x768xf32, #tpu.memory_space<vmem>>, vector<1x1x16xf32>,
      }
      %scan3A_118 = arith.constant 64 : i32
      %mul3A_119 = arith.constant 64 : i32
      %mul3A_120 = arith.muli %add3A_94, %mul3A_119 : i32
      %add3A_121 = arith.addi %mul3A_2, %mul3A_120 : i32
      %dma_start3A_122 = arith.constant 1 : i32
      %dma_start3A_123 = arith.constant 0 : i32
      %dma_start3A_124 = arith.constant 0 : i32
      %dma_start3A_125 = tpu.memref_slice %arg6[%dma_start3A_122, %dma_start3A_123, %dma_start3A_124] : memref<2x64x768xf32, #tpu.memory_space<vmem>> -> memref<1x64x768xf32, #tpu.memory_space<vmem>>
      %dma_start3A_126 = tpu.memref_squeeze %dma_start3A_125 : memref<1x64x768xf32, #tpu.memory_space<vmem>> -> memref<64x768xf32, #tpu.memory_space<vmem>>
      %dma_start3A_127 = arith.constant 0 : i32
      %dma_start3A_128 = tpu.memref_slice %arg4[%add3A_121, %dma_start3A_127] : memref<16384x768xf32, #tpu.memory_space<hbm>> -> memref<64x768xf32, #tpu.memory_space<hbm>>
      %dma_start3A_129 = arith.constant 0 : i32
      %dma_start3A_130 = tpu.memref_slice %arg4[%add3A_121, %dma_start3A_129] : memref<16384x768xf32, #tpu.memory_space<hbm>> -> memref<64x768xf32, #tpu.memory_space<hbm>>
      %dma_start3A_131 = arith.constant 0 : i32
      %dma_start3A_132 = arith.constant 0 : i32
      %dma_start3A_133 = tpu.memref_slice %arg6[%dma_start3A_122, %dma_start3A_131, %dma_start3A_132] : memref<2x64x768xf32, #tpu.memory_space<vmem>> -> memref<1x64x768xf32, #tpu.memory_space<vmem>>
      %dma_start3A_134 = tpu.memref_squeeze %dma_start3A_133 : memref<1x64x768xf32, #tpu.memory_space<vmem>> -> memref<64x768xf32, #tpu.memory_space<vmem>>
      tpu.enqueue_dma source(%dma_start3A_134 : memref<64x768xf32, #tpu.memory_space<vmem>>) target(%dma_start3A_130 : memref<64x768xf32, #tpu.memory_space<hbm>>) target_semaphore(%arg10 : memref<!tpu.dma_semaphore, #tpu.memory_space<semaphore_mem>>)
    }
    %scan3A_17 = arith.constant 4 : i32
    %add3A_18 = arith.constant 384 : i32
    %add3A_19 = arith.addi %mul3A_2, %add3A_18 : i32
    %dma_wait3A = arith.constant 0 : i32
    %dma_wait3A_20 = arith.constant 0 : i32
    %dma_wait3A_21 = arith.constant 0 : i32
    %dma_wait3A_22 = tpu.memref_slice %arg6[%dma_wait3A, %dma_wait3A_20, %dma_wait3A_21] : memref<2x64x768xf32, #tpu.memory_space<vmem>> -> memref<1x64x768xf32, #tpu.memory_space<vmem>>
    %dma_wait3A_23 = tpu.memref_squeeze %dma_wait3A_22 : memref<1x64x768xf32, #tpu.memory_space<vmem>> -> memref<64x768xf32, #tpu.memory_space<vmem>>
    %dma_wait3A_24 = arith.constant 0 : i32
    %dma_wait3A_25 = tpu.memref_slice %arg4[%add3A_19, %dma_wait3A_24] : memref<16384x768xf32, #tpu.memory_space<hbm>> -> memref<64x768xf32, #tpu.memory_space<hbm>>
    %dma_wait3A_26 = arith.constant 0 : i32
    %dma_wait3A_27 = tpu.memref_slice %arg4[%add3A_19, %dma_wait3A_26] : memref<16384x768xf32, #tpu.memory_space<hbm>> -> memref<64x768xf32, #tpu.memory_space<hbm>>
    %dma_wait3A_28 = arith.constant 0 : i32
    %dma_wait3A_29 = arith.constant 0 : i32
    %dma_wait3A_30 = tpu.memref_slice %arg6[%dma_wait3A, %dma_wait3A_28, %dma_wait3A_29] : memref<2x64x768xf32, #tpu.memory_space<vmem>> -> memref<1x64x768xf32, #tpu.memory_space<vmem>>
    %dma_wait3A_31 = tpu.memref_squeeze %dma_wait3A_30 : memref<1x64x768xf32, #tpu.memory_space<vmem>> -> memref<64x768xf32, #tpu.memory_space<vmem>>
    tpu.wait_dma2 semaphore(%arg9 : memref<!tpu.dma_semaphore, #tpu.memory_space<semaphore_mem>>) src(%dma_wait3A_31 : memref<64x768xf32, #tpu.memory_space<vmem>>) dst(%dma_wait3A_27 : memref<64x768xf32, #tpu.memory_space<hbm>>)
    %add3A_32 = arith.constant 448 : i32
    %add3A_33 = arith.addi %mul3A_2, %add3A_32 : i32
    %dma_wait3A_34 = arith.constant 1 : i32
    %dma_wait3A_35 = arith.constant 0 : i32
    %dma_wait3A_36 = arith.constant 0 : i32
    %dma_wait3A_37 = tpu.memref_slice %arg6[%dma_wait3A_34, %dma_wait3A_35, %dma_wait3A_36] : memref<2x64x768xf32, #tpu.memory_space<vmem>> -> memref<1x64x768xf32, #tpu.memory_space<vmem>>
    %dma_wait3A_38 = tpu.memref_squeeze %dma_wait3A_37 : memref<1x64x768xf32, #tpu.memory_space<vmem>> -> memref<64x768xf32, #tpu.memory_space<vmem>>
    %dma_wait3A_39 = arith.constant 0 : i32
    %dma_wait3A_40 = tpu.memref_slice %arg4[%add3A_33, %dma_wait3A_39] : memref<16384x768xf32, #tpu.memory_space<hbm>> -> memref<64x768xf32, #tpu.memory_space<hbm>>
    %dma_wait3A_41 = arith.constant 0 : i32
    %dma_wait3A_42 = tpu.memref_slice %arg4[%add3A_33, %dma_wait3A_41] : memref<16384x768xf32, #tpu.memory_space<hbm>> -> memref<64x768xf32, #tpu.memory_space<hbm>>
    %dma_wait3A_43 = arith.constant 0 : i32
    %dma_wait3A_44 = arith.constant 0 : i32
    %dma_wait3A_45 = tpu.memref_slice %arg6[%dma_wait3A_34, %dma_wait3A_43, %dma_wait3A_44] : memref<2x64x768xf32, #tpu.memory_space<vmem>> -> memref<1x64x768xf32, #tpu.memory_space<vmem>>
    %dma_wait3A_46 = tpu.memref_squeeze %dma_wait3A_45 : memref<1x64x768xf32, #tpu.memory_space<vmem>> -> memref<64x768xf32, #tpu.memory_space<vmem>>
    tpu.wait_dma2 semaphore(%arg10 : memref<!tpu.dma_semaphore, #tpu.memory_space<semaphore_mem>>) src(%dma_wait3A_46 : memref<64x768xf32, #tpu.memory_space<vmem>>) dst(%dma_wait3A_42 : memref<64x768xf32, #tpu.memory_space<hbm>>)
    return
  }
}

</mosaic_0001>

<sc_bundles>
// kernel: kernel.3.cloned.1.call-start
scs
__scs_entry_jumppad:
0x0: {  	(pc) =	sbr.rel $0x88, $3  }
0x1: {  	(tag) =	ssettag $0x0;
	lr =	simm.s32 $0x1  }
0x2: {  	[smem:$0x3F9F] =	sst lr;
	_ =	strace $0xD0000000  }
0x3: {  	_ = 	snop  }
0x4: {  	_ = 	snop  }
0x5: {  	_ = 	snop  }
0x6: {  	_ = 	snop  }
0x7: {  	_ = 	snop  }
__scs_overlays_trampoline_lowered:
0x8: {  	[smem:$0x3FAE] =	sst s0  }
0x9: {  	[smem:$0x3FAF] =	sst s1  }
0xa: {  	[smem:$0x3FB0] =	sst s2  }
0xb: {  	[smem:$0x3FB1] =	sst s3  }
0xc: {  	[smem:$0x3FB2] =	sst s4  }
0xd: {  	[smem:$0x3FB3] =	sst s5  }
0xe: {  	[smem:$0x3FB4] =	sst s6  }
0xf: {  	[smem:$0x3FB5] =	sst s7  }
0x10: {  	[smem:$0x3FB6] =	sst s8  }
0x11: {  	[smem:$0x3FB7] =	sst s9;
	s0 =	simm.s32 @!p0 $0x0  }
0x12: {  	s1 =	sld [smem:$0x3F9D];
	s0 =	simm.s32 @p0 $0x1  }
0x13: {  	[smem:$0x3FB8] =	sst s0;
	s0 =	simm.s32 @!p1 $0x0  }
0x14: {  	s2 =	sld [smem:$0x3F9C];
	s0 =	simm.s32 @p1 $0x1  }
0x15: {  	[smem:$0x3FB9] =	sst s0;
	s0 =	simm.s32 @!p2 $0x0  }
0x16: {  	s3 =	sld [smem:$0x3FDB];
	s0 =	simm.s32 @p2 $0x1  }
0x17: {  	s4 =	simm.s32 $0x1BF5;
	[smem:$0x3FBB] =	sst s0  }
0x18: {  	s0 =	sld [smem:$0x3F9E];
	_ =	swait.ge [sflag:s4], $0x0  }
0x19: {  	s7 =	sld [smem:$0x3F9F]  }
0x1a: {  	s8 =	sadd.s32 $0xFFFFE003, lr  }
0x1b: {  	s9 =	sadd.s32 $0xFFFFFEF7, lr;
	s5 =	simm.s32 $0xFFFFFFFF;
	p2 =	slt.u32 s8, $0xFFFFF086  }
0x1c: {  	p1 =	slt.u32 s9, $0xF7A;
	s5 =	simm.s32 @!p2 $0x0  }
0x1d: {  	s5 =	simm.s32 @p1 $0x1;
	p0 =	seq.s32 s7, s2  }
0x1e: {  	s7 =	smul.u32 @!p0 $0xF7A, s2;
	p2 =	seq.s32 @!p0 s5, $0x0  }
0x1f: {  	s9 =	smul.u32 $0xF7A, s1;
	s8 =	simm.s32 @!p0 $0x1BF5;
	p2 =	por !p2, p0  }
0x20: {  	[sflag:s8] =	ssyncset.s32 @!p0 $0xFFFFF086;
	s6 =	sadd.s32 @!p0 s3, s7;
	s7 =	simm.s32 @!p0 $0x108  }
0x21: {  	s3 =	sadd.s32 s3, s9;
	s6 =	sadd.s32 @!p0 $0x88, s6;
	s7 =	simm.s32 @p2 $0x1082  }
0x22: {  	[simem:s7], [sflag:s8] =	dma.local @!p0 [hbm:s6], $0xF7A  }
0x23: {  	s9 =	sor.u32 $0xD0000000, s2;
	s6 =	simm.s32 $0x108;
	_ =	swait.ge @!p0 [sflag:s8], $0x0  }
0x24: {  	s3 =	sadd.s32 $0x88, s3;
	s6 =	simm.s32 @!p1 $0x1082;
	[sflag:s4] =	ssyncset.s32 $0xFFFFF086  }
0x25: {  	[simem:s6], [sflag:s4] =	dma.local [hbm:s3], $0xF7A  }
0x26: {  	[smem:$0x3F9F] =	sst s1;
	(tag) =	ssettag s2;
	_ =	strace s9  }
0x27: {  	s1 =	sld [smem:$0x3FAF]  }
0x28: {  	s2 =	sld [smem:$0x3FB0]  }
0x29: {  	s4 =	sld [smem:$0x3FB2]  }
0x2a: {  	p0 =	seq.s32 s5, $0x0;
	s5 =	sld [smem:$0x3FB3]  }
0x2b: {  	s6 =	sld [smem:$0x3FB4]  }
0x2c: {  	s7 =	sld [smem:$0x3FB5]  }
0x2d: {  	s3 =	simm.s32 $0x108;
	s8 =	sld [smem:$0x3FB6]  }
0x2e: {  	s3 =	simm.s32 @!p0 $0x1082;
	s9 =	sld [smem:$0x3FB7]  }
0x2f: {  	lr =	sadd.s32 s0, s3;
	s0 =	sld [smem:$0x3FAE]  }
0x30: {  	s3 =	sld [smem:$0x3FB1]  }
0x31: {  	[smem:$0x3FBA] =	sst s10  }
0x32: {  	s10 =	sld [smem:$0x3FB8];
	_ =	sdelay $0x3  }
0x33: {  	p0 =	seq.s32 s10, $0x1;
	s10 =	sld [smem:$0x3FBA];
	_ =	sdelay $0x3  }
0x34: {  	[smem:$0x3FBA] =	sst s10  }
0x35: {  	s10 =	sld [smem:$0x3FB9];
	_ =	sdelay $0x3  }
0x36: {  	p1 =	seq.s32 s10, $0x1;
	s10 =	sld [smem:$0x3FBA];
	_ =	sdelay $0x3  }
0x37: {  	[smem:$0x3FBA] =	sst s10  }
0x38: {  	s10 =	sld [smem:$0x3FBB]  }
0x39: {  	_ = 	snop;
	(pc) =	sbr.ind lr, $3  }
0x3a: {  	_ = 	snop  }
0x3b: {  	_ = 	snop  }
0x3c: {  	p2 =	seq.s32 s10, $0x1;
	s10 =	sld [smem:$0x3FBA]  }
0x3d: {  	_ =	shalt  }
0x3e: {  	_ =	shalt  }
0x3f: {  	_ =	shalt  }
0x40: {  	_ =	shalt  }
0x41: {  	_ =	shalt  }
0x42: {  	_ =	shalt  }
0x43: {  	_ =	shalt  }
0x44: {  	_ =	shalt  }
0x45: {  	_ =	shalt  }
0x46: {  	_ =	shalt  }
0x47: {  	_ =	shalt  }
0x48: {  	_ =	shalt  }
0x49: {  	_ =	shalt  }
0x4a: {  	_ =	shalt  }
0x4b: {  	_ =	shalt  }
0x4c: {  	_ =	shalt  }
0x4d: {  	_ =	shalt  }
0x4e: {  	_ =	shalt  }
0x4f: {  	_ =	shalt  }
0x50: {  	_ =	shalt  }
0x51: {  	_ =	shalt  }
0x52: {  	_ =	shalt  }
0x53: {  	_ =	shalt  }
0x54: {  	_ =	shalt  }
0x55: {  	_ =	shalt  }
0x56: {  	_ =	shalt  }
0x57: {  	_ =	shalt  }
0x58: {  	_ =	shalt  }
0x59: {  	_ =	shalt  }
0x5a: {  	_ =	shalt  }
0x5b: {  	_ =	shalt  }
0x5c: {  	_ =	shalt  }
0x5d: {  	_ =	shalt  }
0x5e: {  	_ =	shalt  }
0x5f: {  	_ =	shalt  }
0x60: {  	_ =	shalt  }
0x61: {  	_ =	shalt  }
0x62: {  	_ =	shalt  }
0x63: {  	_ =	shalt  }
0x64: {  	_ =	shalt  }
0x65: {  	_ =	shalt  }
0x66: {  	_ =	shalt  }
0x67: {  	_ =	shalt  }
0x68: {  	_ =	shalt  }
0x69: {  	_ =	shalt  }
0x6a: {  	_ =	shalt  }
0x6b: {  	_ =	shalt  }
0x6c: {  	_ =	shalt  }
0x6d: {  	_ =	shalt  }
0x6e: {  	_ =	shalt  }
0x6f: {  	_ =	shalt  }
0x70: {  	_ =	shalt  }
0x71: {  	_ =	shalt  }
0x72: {  	_ =	shalt  }
0x73: {  	_ =	shalt  }
0x74: {  	_ =	shalt  }
0x75: {  	_ =	shalt  }
0x76: {  	_ =	shalt  }
0x77: {  	_ =	shalt  }
0x78: {  	_ =	shalt  }
0x79: {  	_ =	shalt  }
0x7a: {  	_ =	shalt  }
0x7b: {  	_ =	shalt  }
0x7c: {  	_ =	shalt  }
0x7d: {  	_ =	shalt  }
0x7e: {  	_ =	shalt  }
0x7f: {  	_ =	shalt  }
0x80: {  	_ =	shalt  }
0x81: {  	_ =	shalt  }
0x82: {  	_ =	shalt  }
0x83: {  	_ =	shalt  }
0x84: {  	_ =	shalt  }
0x85: {  	_ =	shalt  }
0x86: {  	_ =	shalt  }
0x87: {  	_ =	shalt  }
.Lfunc_end0:
.L_simem_size_0:
called_computation_lowered:
.L_overlay_start_0:
0x88: {  	s2 =	sld [smem:$0x3FD9]  }
0x89: {  	s3 =	sld [smem:$0x3FFE];
	_ =	sdelay $0x1  }
0x8a: {  	s1 =	srdreg.scid  }
0x8b: {  	s0 =	sand.u32 $0x1, s1  }
0x8c: {  	s17 =	sshll.u32 s0, $0xA;
	s2 =	sadd.s32 s3, s2  }
0x8d: {  	s2 =	sadd.s32 s2, s17  }
0x8e: {  	[smem:$0x3FC6] =	sst s2  }
0x8f: {  	_ = 	snop  }
0x90: {  	s2 =	sld [smem:$0x3FC8]  }
0x91: {  	s18 =	sld [smem:$0x3FD0];
	(tm) =	ssettm $0x1  }
0x92: {  	s4 =	sld [smem:$0x3FFB];
	_ =	sdelay $0x3  }
0x93: {  	_ =	strace s4  }
0x94: {  	s4 =	sld [smem:$0x3FFC];
	_ =	sdelay $0x3  }
0x95: {  	_ =	strace s4  }
0x96: {  	s4 =	sld [smem:$0x3FFD];
	_ =	sdelay $0x3  }
0x97: {  	_ =	strace s4  }
0x98: {  	_ =	strace $0x8FFFFFFF  }
0x99: {  	s19 =	sld [smem:$0x3FDB];
	_ =	sdelay $0x1  }
0x9a: {  	s5 =	simm.s32 $_scs_section_size  }
0x9b: {  	s6 =	simm.s32 $_size__tile_overlayer_lowered;
	s7 =	simm.s32 $_tile_overlayer_lowered  }
0x9c: {  	s22 =	simm.s32 $0x1BFF;
	s21 =	sshll.u32 s7, $0x1;
	s4 =	sadd.s32 s5, s19  }
0x9d: {  	s8 =	simm.s32 $0x0;
	s20 =	sshll.u32 s6, $0x1;
	s6 =	sadd.s32 s21, s4  }
0x9e: {  	[timem:s8], [sflag:s22] =	dma.local [hbm:s6], s20  }
0x9f: {  	_ =	swait.ge [sflag:s22], s20  }
0xa0: {  	s5 =	ssub.s32 $0x0, s20;
	[sflag:s22] =	ssyncset.done $0x0  }
0xa1: {  	[sflag:s22] =	ssyncadd.s32 s5;
	_ =	sdelay $0x1  }
0xa2: {  	s23 =	simm.s32 $0x1B8B  }
0xa3: {  	_ =	swait.ge [sflag:s23], $0x1  }
0xa4: {  	[sflag:s23] =	ssyncset.done $0x0  }
0xa5: {  	s25 =	simm.s32 $0x1B8E;
	s24 =	sld [smem:$0x3FFE];
	[sflag:s23] =	ssyncadd.s32 $0xFFFFFFFF  }
0xa6: {  	s26 =	simm.s32 $execute0_lowered;
	[smem:$0x3FD2] =	sst s25  }
0xa7: {  	s6 =	sshll.u32 s26, $0x1;
	_ =	strace $0x80000046;
	[dreg:$0x1] =	wrdreg $0xFFFFFFFF  }
0xa8: {  	s28 =	simm.s32 $_size_execute0_lowered;
	s4 =	sadd.s32 s4, s6;
	[dreg:$0x0] =	wrdreg $0x0  }
0xa9: {  	s6 =	sshll.u32 s28, $0x1;
	[dreg:$0x2] =	wrdreg s4  }
0xaa: {  	[dreg:$0x3] =	wrdreg s6  }
0xab: {  	[dreg:$0x4] =	wrdreg $0xC0  }
0xac: {  	_ =	task [dreg:s8], $0x5FFFF  }
0xad: {  	[dreg:$0x1] =	wrdreg $0xFFFFFFFF  }
0xae: {  	[dreg:$0x0] =	wrdreg $0x60  }
0xaf: {  	[dreg:$0x2] =	wrdreg s2  }
0xb0: {  	[dreg:$0x3] =	wrdreg s24  }
0xb1: {  	[dreg:$0x4] =	wrdreg s18  }
0xb2: {  	[dreg:$0x5] =	wrdreg $0x9  }
0xb3: {  	_ =	task.clear_ibuf [dreg:s8], $0x6FFFF;
	_ =	strace $0x90000046  }
0xb4: {  	s29 =	simm.s32 $0x9;
	_ =	strace $0x80000048  }
0xb5: {  	_ =	swait.ge [sflag:s29], $0x1  }
0xb6: {  	[sflag:s29] =	ssyncadd.s32 $0xFFFFFFFF  }
0xb7: {  	_ =	strace $0x90000048  }
0xb8: {  	_ =	sfence  }
0xb9: {  	s30 =	sld [smem:$0x0];
	_ =	sdelay $0x2  }
0xba: {  	s31 =	sshll.u32 s1, $0xD;
	s1 =	sshrl.u32 s1, $0x2  }
0xbb: {  	s3 =	sand.u32 $0x4000, s31;
	s1 =	sadd.s32 s1, s30  }
0xbc: {  	s0 =	sor.u32 s3, s0;
	s1 =	sshll.u32 s1, $0x11  }
0xbd: {  	s0 =	sor.u32 s1, s0  }
0xbe: {  	s0 =	sadd.s32 $0x8F2B, s0  }
0xbf: {  	[sflag:s0] =	ssyncadd.remote.s32 $0x1  }
0xc0: {  	_ =	sfence.sel $0xFFFF  }
0xc1: {  	[dreg:$0x0] =	wrdreg $0xFFFFFFFF;
	(pc) =	sbr.abs _section_cstart, $3  }
0xc2: {  	[dreg:$0x1] =	wrdreg $0xFFFFFFFF  }
0xc3: {  	_ =	task.clear_ibuf [dreg:s8], $0x2FFFF;
	_ =	strace $0x9FFFFFFF  }
0xc4: {  	(tm) =	ssettm $0x7FFFFFFF  }
0xc5: {  	_ =	shalt  }
tec
execute0_lowered:
.L_overlay_start_1:
0x0: {  	(tag) =	ssettag $0x1  }
0x1: {  	s1 =	rddreg [dreg:$0x0]  }
0x2: {  	s0 =	rddreg [dreg:$0x1];
	s2 =	srdreg.scid  }
0x3: {  	s4 =	stileid.u32;
	s3 =	rddreg [dreg:$0x2];
	s11 =	simm.s32 $0x400  }
0x4: {  	s10 =	simm.s32 $0x1;
	s12 =	simm.s32 $0xC400;
	s23 =	simm.s32 $0x11C00  }
0x5: {  	s24 =	simm.s32 $0x12400;
	s28 =	simm.s32 $0x13C00;
	s29 =	simm.s32 $0x14400  }
0x6: {  	s30 =	simm.s32 $0x14C00;
	s31 =	simm.s32 $0x15400;
	s9 =	simm.s32 $0x17400  }
0x7: {  	s13 =	simm.s32 $0x17C00;
	s14 =	simm.s32 $0x2;
	s15 =	simm.s32 $0x3  }
0x8: {  	s18 =	simm.s32 $0x0;
	s2 =	sand.u32 $0x1, s2;
	s5 =	sshll.u32 s4, $0x1  }
0x9: {  	s4 =	simm.s32 $0x0;
	s7 =	sadd.s32 $0x100, s1;
	s8 =	sadd.s32 $0x200, s1  }
0xa: {  	s5 =	sor.u32 s2, s5;
	[smem:$0x7FF] =	sst s4;
	s2 =	ssub.s32 $0x2, s2  }
0xb: {  	s6 =	sshll.u32 s5, $0x7;
	_ =	strace $0x80000047;
	s25 =	sshrl.u32 s2, $0x1  }
0xc: {  	s5 =	sshll.u32 s5, $0x9;
	s0 =	sadd.s32 s6, s0;
	s2 =	ssub.s32 s2, s25  }
0xd: {  	v2 =	vlaneseq.u32;
	s25 =	simm.s32 $0x12C00;
	s6 =	simm.s32 $0x16C00;
	s0 =	sadd.s32 $0x400, s0  }
0xe: {  	vm0 =	vmmov $0xffff;
	v1 =	vshrl.u32 v2, $0x3;
	s26 =	smax.u32 s2, $0x1;
	s2 =	simm.s32 $0x15C00;
	[dreg:$0x4] =	wrdreg s0  }
0xf: {  	v0 =	vand.u32 $0x7, v2;
	v2 =	vor.u32 $0x8, v2;
	v1 =	vmul.u32 $0x8, v1;
	[dreg:$0x5] =	wrdreg s26;
	s26 =	simm.s32 $0x13400;
	s0 =	simm.s32 $0x16400  }
.LBB2_1:
0x10: {  	[dreg:$0x6] =	wrdreg s18  }
0x11: {  	s16 =	rddreg [dreg:$0x4];
	s17 =	simm.s32 $0x5  }
0x12: {  	[tilespmem:s4], [sflag:$0x5] =	stream.linear.gather [hbm4b:s16+s4], $0x400, $0x38;
	[tilespmem:$0x18400] =	vst v63  }
0x13: {  	_ =	swait.ge [sflag:s17], $0x400  }
0x14: {  	[sflag:s17] =	ssyncset.done $0x0  }
0x15: {  	[sflag:s17] =	ssyncadd.s32 $0xFFFFFC00  }
0x16: {  	v3 =	vld [tilespmem:$0x0];
	_ =	sdelay $0x4  }
0x17: {  	v4 =	vshrl.u32 v3, $0x3  }
0x18: {  	v4 =	vmul.u32 $0x30, v4  }
0x19: {  	v3 =	vand.u32 $0x7, v3  }
0x1a: {  	v3 =	vor.u32 v3, v4  }
0x1b: {  	v4 =	vperm.xlane v3, v0;
	_ =	sdelay $0x1  }
0x1c: {  	v4 =	vadd.s32 v1, v4;
	_ =	sdelay $0x3  }
0x1d: {  	v3 =	vperm.xlane v3, v2  }
0x1e: {  	[tilespmem:s11], [sflag:$0x1] =	stream.indirect_vreg.gather [hbm4b:s1+s4], $0x80, v4, vm0, $0xb8;
	[tilespmem:$0x18400] =	vst v63  }
0x1f: {  	s18 =	simm.s32 $0xC00;
	v3 =	vadd.s32 v1, v3  }
0x20: {  	[tilespmem:s18], [sflag:$0x1] =	stream.indirect_vreg.gather [hbm4b:s7+s4], $0x80, v4, vm0, $0xb8;
	[tilespmem:$0x18400] =	vst v63  }
0x21: {  	s19 =	simm.s32 $0x1400  }
0x22: {  	[tilespmem:s19], [sflag:$0x1] =	stream.indirect_vreg.gather [hbm4b:s8+s4], $0x80, v4, vm0, $0xb8;
	[tilespmem:$0x18400] =	vst v63  }
0x23: {  	s20 =	simm.s32 $0x1C00  }
0x24: {  	[tilespmem:s20], [sflag:$0x1] =	stream.indirect_vreg.gather [hbm4b:s1+s4], $0x80, v3, vm0, $0xb8;
	[tilespmem:$0x18400] =	vst v63  }
0x25: {  	s21 =	simm.s32 $0x2400  }
0x26: {  	[tilespmem:s21], [sflag:$0x1] =	stream.indirect_vreg.gather [hbm4b:s7+s4], $0x80, v3, vm0, $0xb8;
	[tilespmem:$0x18400] =	vst v63  }
0x27: {  	s22 =	simm.s32 $0x2C00  }
0x28: {  	[tilespmem:s22], [sflag:$0x1] =	stream.indirect_vreg.gather [hbm4b:s8+s4], $0x80, v3, vm0, $0xb8;
	[tilespmem:$0x18400] =	vst v63  }
0x29: {  	v3 =	vld [tilespmem:$0x10];
	_ =	sdelay $0x4  }
0x2a: {  	v61 =	vshrl.u32 v3, $0x3  }
0x2b: {  	v4 =	vmul.u32 $0x30, v61  }
0x2c: {  	v3 =	vand.u32 $0x7, v3  }
0x2d: {  	v3 =	vor.u32 v3, v4  }
0x2e: {  	v4 =	vperm.xlane v3, v0;
	_ =	sdelay $0x1  }
0x2f: {  	v4 =	vadd.s32 v1, v4;
	_ =	sdelay $0x3  }
0x30: {  	s17 =	simm.s32 $0x3400;
	v3 =	vperm.xlane v3, v2  }
0x31: {  	[tilespmem:s17], [sflag:$0x1] =	stream.indirect_vreg.gather [hbm4b:s1+s4], $0x80, v4, vm0, $0xb8;
	[tilespmem:$0x18400] =	vst v63  }
0x32: {  	s18 =	simm.s32 $0x3C00;
	v3 =	vadd.s32 v1, v3  }
0x33: {  	[tilespmem:s18], [sflag:$0x1] =	stream.indirect_vreg.gather [hbm4b:s7+s4], $0x80, v4, vm0, $0xb8;
	[tilespmem:$0x18400] =	vst v63  }
0x34: {  	s19 =	simm.s32 $0x4400  }
0x35: {  	[tilespmem:s19], [sflag:$0x1] =	stream.indirect_vreg.gather [hbm4b:s8+s4], $0x80, v4, vm0, $0xb8;
	[tilespmem:$0x18400] =	vst v63  }
0x36: {  	s20 =	simm.s32 $0x4C00  }
0x37: {  	[tilespmem:s20], [sflag:$0x1] =	stream.indirect_vreg.gather [hbm4b:s1+s4], $0x80, v3, vm0, $0xb8;
	[tilespmem:$0x18400] =	vst v63  }
0x38: {  	s21 =	simm.s32 $0x5400  }
0x39: {  	[tilespmem:s21], [sflag:$0x1] =	stream.indirect_vreg.gather [hbm4b:s7+s4], $0x80, v3, vm0, $0xb8;
	[tilespmem:$0x18400] =	vst v63  }
0x3a: {  	s22 =	simm.s32 $0x5C00  }
0x3b: {  	[tilespmem:s22], [sflag:$0x1] =	stream.indirect_vreg.gather [hbm4b:s8+s4], $0x80, v3, vm0, $0xb8;
	[tilespmem:$0x18400] =	vst v63  }
0x3c: {  	v3 =	vld [tilespmem:$0x20];
	_ =	sdelay $0x4  }
0x3d: {  	v62 =	vshrl.u32 v3, $0x3  }
0x3e: {  	v4 =	vmul.u32 $0x30, v62  }
0x3f: {  	v3 =	vand.u32 $0x7, v3  }
0x40: {  	v3 =	vor.u32 v3, v4  }
0x41: {  	v4 =	vperm.xlane v3, v0;
	_ =	sdelay $0x1  }
0x42: {  	v4 =	vadd.s32 v1, v4;
	_ =	sdelay $0x3  }
0x43: {  	s17 =	simm.s32 $0x6400;
	v3 =	vperm.xlane v3, v2  }
0x44: {  	[tilespmem:s17], [sflag:$0x1] =	stream.indirect_vreg.gather [hbm4b:s1+s4], $0x80, v4, vm0, $0xb8;
	[tilespmem:$0x18400] =	vst v63  }
0x45: {  	s18 =	simm.s32 $0x6C00;
	v3 =	vadd.s32 v1, v3  }
0x46: {  	[tilespmem:s18], [sflag:$0x1] =	stream.indirect_vreg.gather [hbm4b:s7+s4], $0x80, v4, vm0, $0xb8;
	[tilespmem:$0x18400] =	vst v63  }
0x47: {  	s19 =	simm.s32 $0x7400  }
0x48: {  	[tilespmem:s19], [sflag:$0x1] =	stream.indirect_vreg.gather [hbm4b:s8+s4], $0x80, v4, vm0, $0xb8;
	[tilespmem:$0x18400] =	vst v63  }
0x49: {  	s20 =	simm.s32 $0x7C00  }
0x4a: {  	[tilespmem:s20], [sflag:$0x1] =	stream.indirect_vreg.gather [hbm4b:s1+s4], $0x80, v3, vm0, $0xb8;
	[tilespmem:$0x18400] =	vst v63  }
0x4b: {  	s21 =	simm.s32 $0x8400  }
0x4c: {  	[tilespmem:s21], [sflag:$0x1] =	stream.indirect_vreg.gather [hbm4b:s7+s4], $0x80, v3, vm0, $0xb8;
	[tilespmem:$0x18400] =	vst v63  }
0x4d: {  	s22 =	simm.s32 $0x8C00  }
0x4e: {  	[tilespmem:s22], [sflag:$0x1] =	stream.indirect_vreg.gather [hbm4b:s8+s4], $0x80, v3, vm0, $0xb8;
	[tilespmem:$0x18400] =	vst v63  }
0x4f: {  	v3 =	vld [tilespmem:$0x30];
	_ =	sdelay $0x4  }
0x50: {  	v63 =	vshrl.u32 v3, $0x3  }
0x51: {  	v4 =	vmul.u32 $0x30, v63  }
0x52: {  	v3 =	vand.u32 $0x7, v3  }
0x53: {  	v3 =	vor.u32 v3, v4  }
0x54: {  	v4 =	vperm.xlane v3, v0;
	_ =	sdelay $0x1  }
0x55: {  	v4 =	vadd.s32 v1, v4;
	_ =	sdelay $0x3  }
0x56: {  	s17 =	simm.s32 $0x9400;
	v3 =	vperm.xlane v3, v2  }
0x57: {  	[tilespmem:s17], [sflag:$0x1] =	stream.indirect_vreg.gather [hbm4b:s1+s4], $0x80, v4, vm0, $0xb8;
	[tilespmem:$0x18400] =	vst v63  }
0x58: {  	s18 =	simm.s32 $0x9C00;
	v3 =	vadd.s32 v1, v3  }
0x59: {  	[tilespmem:s18], [sflag:$0x1] =	stream.indirect_vreg.gather [hbm4b:s7+s4], $0x80, v4, vm0, $0xb8;
	[tilespmem:$0x18400] =	vst v63  }
0x5a: {  	s19 =	simm.s32 $0xA400  }
0x5b: {  	[tilespmem:s19], [sflag:$0x1] =	stream.indirect_vreg.gather [hbm4b:s8+s4], $0x80, v4, vm0, $0xb8;
	[tilespmem:$0x18400] =	vst v63  }
0x5c: {  	s20 =	simm.s32 $0xAC00  }
0x5d: {  	[tilespmem:s20], [sflag:$0x1] =	stream.indirect_vreg.gather [hbm4b:s1+s4], $0x80, v3, vm0, $0xb8;
	[tilespmem:$0x18400] =	vst v63  }
0x5e: {  	s21 =	simm.s32 $0xB400  }
0x5f: {  	[tilespmem:s21], [sflag:$0x1] =	stream.indirect_vreg.gather [hbm4b:s7+s4], $0x80, v3, vm0, $0xb8;
	[tilespmem:$0x18400] =	vst v63  }
0x60: {  	s16 =	simm.s32 $0x0;
	s22 =	simm.s32 $0xBC00  }
0x61: {  	[tilespmem:s22], [sflag:$0x1] =	stream.indirect_vreg.gather [hbm4b:s8+s4], $0x80, v3, vm0, $0xb8;
	[tilespmem:$0x18400] =	vst v63  }
.LBB2_2:
0x62: {  	_ =	swait.ge [sflag:s10], $0xC000  }
0x63: {  	p0 =	seq.s32 s16, $0x0;
	[sflag:s10] =	ssyncset.done $0x0  }
0x64: {  	s18 =	simm.s32 @!p0 $0x4;
	[sflag:s10] =	ssyncadd.s32 $0xFFFF4000  }
0x65: {  	s17 =	sshllo.u32 s16, $0x1;
	_ =	swait.ge @!p0 [sflag:s18], $0xC000  }
0x66: {  	s19 =	sshll.u32 s17, $0x7;
	[sflag:s18] =	ssyncset.done @!p0 $0x0  }
0x67: {  	s19 =	sand.u32 $0x3FFFFF80, s19;
	[sflag:s18] =	ssyncadd.s32 @!p0 $0xFFFF4000  }
0x68: {  	v3 =	vld [tilespmem:s19+$0x0];
	_ =	sdelay $0x4  }
0x69: {  	v4 =	vshrl.u32 v3, $0x3  }
0x6a: {  	v4 =	vmul.u32 $0x30, v4  }
0x6b: {  	v3 =	vand.u32 $0x7, v3  }
0x6c: {  	v3 =	vor.u32 v3, v4  }
0x6d: {  	v4 =	vperm.xlane v3, v0;
	_ =	sdelay $0x1  }
0x6e: {  	v4 =	vadd.s32 v1, v4;
	_ =	sdelay $0x3  }
0x6f: {  	s18 =	simm.s32 $0x0;
	v3 =	vperm.xlane v3, v2  }
0x70: {  	[tilespmem:s12], [sflag:$0x2] =	stream.indirect_vreg.gather [hbm4b:s1+s18], $0x80, v4, vm0, $0xb8;
	[tilespmem:$0x18400] =	vst v63  }
0x71: {  	s20 =	simm.s32 $0xCC00;
	v3 =	vadd.s32 v1, v3  }
0x72: {  	[tilespmem:s20], [sflag:$0x2] =	stream.indirect_vreg.gather [hbm4b:s7+s18], $0x80, v4, vm0, $0xb8;
	[tilespmem:$0x18400] =	vst v63  }
0x73: {  	s22 =	simm.s32 $0xD400  }
0x74: {  	[tilespmem:s22], [sflag:$0x2] =	stream.indirect_vreg.gather [hbm4b:s8+s18], $0x80, v4, vm0, $0xb8;
	[tilespmem:$0x18400] =	vst v63  }
0x75: {  	s21 =	simm.s32 $0xDC00  }
0x76: {  	[tilespmem:s21], [sflag:$0x2] =	stream.indirect_vreg.gather [hbm4b:s1+s18], $0x80, v3, vm0, $0xb8;
	[tilespmem:$0x18400] =	vst v63  }
0x77: {  	s22 =	simm.s32 $0xE400  }
0x78: {  	[tilespmem:s22], [sflag:$0x2] =	stream.indirect_vreg.gather [hbm4b:s7+s18], $0x80, v3, vm0, $0xb8;
	[tilespmem:$0x18400] =	vst v63  }
0x79: {  	s21 =	simm.s32 $0xEC00  }
0x7a: {  	[tilespmem:s21], [sflag:$0x2] =	stream.indirect_vreg.gather [hbm4b:s8+s18], $0x80, v3, vm0, $0xb8;
	[tilespmem:$0x18400] =	vst v63  }
0x7b: {  	v3 =	vld [tilespmem:s19+$0x10];
	_ =	sdelay $0x4  }
0x7c: {  	v4 =	vshrl.u32 v3, $0x3  }
0x7d: {  	v4 =	vmul.u32 $0x30, v4  }
0x7e: {  	v3 =	vand.u32 $0x7, v3  }
0x7f: {  	v3 =	vor.u32 v3, v4  }
0x80: {  	v4 =	vperm.xlane v3, v0;
	_ =	sdelay $0x1  }
0x81: {  	v4 =	vadd.s32 v1, v4;
	_ =	sdelay $0x3  }
0x82: {  	s22 =	simm.s32 $0xF400;
	v3 =	vperm.xlane v3, v2  }
0x83: {  	[tilespmem:s22], [sflag:$0x2] =	stream.indirect_vreg.gather [hbm4b:s1+s18], $0x80, v4, vm0, $0xb8;
	[tilespmem:$0x18400] =	vst v63  }
0x84: {  	s21 =	simm.s32 $0xFC00;
	v3 =	vadd.s32 v1, v3  }
0x85: {  	[tilespmem:s21], [sflag:$0x2] =	stream.indirect_vreg.gather [hbm4b:s7+s18], $0x80, v4, vm0, $0xb8;
	[tilespmem:$0x18400] =	vst v63  }
0x86: {  	s22 =	simm.s32 $0x10400  }
0x87: {  	[tilespmem:s22], [sflag:$0x2] =	stream.indirect_vreg.gather [hbm4b:s8+s18], $0x80, v4, vm0, $0xb8;
	[tilespmem:$0x18400] =	vst v63  }
0x88: {  	s21 =	simm.s32 $0x10C00  }
0x89: {  	[tilespmem:s21], [sflag:$0x2] =	stream.indirect_vreg.gather [hbm4b:s1+s18], $0x80, v3, vm0, $0xb8;
	[tilespmem:$0x18400] =	vst v63  }
0x8a: {  	s22 =	simm.s32 $0x11400  }
0x8b: {  	[tilespmem:s22], [sflag:$0x2] =	stream.indirect_vreg.gather [hbm4b:s7+s18], $0x80, v3, vm0, $0xb8;
	[tilespmem:$0x18400] =	vst v63  }
0x8c: {  	_ = 	snop  }
0x8d: {  	[tilespmem:s23], [sflag:$0x2] =	stream.indirect_vreg.gather [hbm4b:s8+s18], $0x80, v3, vm0, $0xb8;
	[tilespmem:$0x18400] =	vst v63  }
0x8e: {  	v3 =	vld [tilespmem:s19+$0x20];
	_ =	sdelay $0x4  }
0x8f: {  	v4 =	vshrl.u32 v3, $0x3  }
0x90: {  	v4 =	vmul.u32 $0x30, v4  }
0x91: {  	v3 =	vand.u32 $0x7, v3  }
0x92: {  	v3 =	vor.u32 v3, v4  }
0x93: {  	v4 =	vperm.xlane v3, v0;
	_ =	sdelay $0x1  }
0x94: {  	v4 =	vadd.s32 v1, v4;
	_ =	sdelay $0x3  }
0x95: {  	v3 =	vperm.xlane v3, v2  }
0x96: {  	[tilespmem:s24], [sflag:$0x2] =	stream.indirect_vreg.gather [hbm4b:s1+s18], $0x80, v4, vm0, $0xb8;
	[tilespmem:$0x18400] =	vst v63  }
0x97: {  	v3 =	vadd.s32 v1, v3  }
0x98: {  	[tilespmem:s25], [sflag:$0x2] =	stream.indirect_vreg.gather [hbm4b:s7+s18], $0x80, v4, vm0, $0xb8;
	[tilespmem:$0x18400] =	vst v63  }
0x99: {  	_ = 	snop  }
0x9a: {  	[tilespmem:s26], [sflag:$0x2] =	stream.indirect_vreg.gather [hbm4b:s8+s18], $0x80, v4, vm0, $0xb8;
	[tilespmem:$0x18400] =	vst v63  }
0x9b: {  	_ = 	snop  }
0x9c: {  	[tilespmem:s28], [sflag:$0x2] =	stream.indirect_vreg.gather [hbm4b:s1+s18], $0x80, v3, vm0, $0xb8;
	[tilespmem:$0x18400] =	vst v63  }
0x9d: {  	_ = 	snop  }
0x9e: {  	[tilespmem:s29], [sflag:$0x2] =	stream.indirect_vreg.gather [hbm4b:s7+s18], $0x80, v3, vm0, $0xb8;
	[tilespmem:$0x18400] =	vst v63  }
0x9f: {  	_ = 	snop  }
0xa0: {  	[tilespmem:s30], [sflag:$0x2] =	stream.indirect_vreg.gather [hbm4b:s8+s18], $0x80, v3, vm0, $0xb8;
	[tilespmem:$0x18400] =	vst v63  }
0xa1: {  	v3 =	vld [tilespmem:s19+$0x30];
	_ =	sdelay $0x4  }
0xa2: {  	v4 =	vshrl.u32 v3, $0x3  }
0xa3: {  	v4 =	vmul.u32 $0x30, v4  }
0xa4: {  	v3 =	vand.u32 $0x7, v3  }
0xa5: {  	v3 =	vor.u32 v3, v4  }
0xa6: {  	v4 =	vperm.xlane v3, v0;
	_ =	sdelay $0x1  }
0xa7: {  	v4 =	vadd.s32 v1, v4;
	_ =	sdelay $0x3  }
0xa8: {  	v3 =	vperm.xlane v3, v2  }
0xa9: {  	[tilespmem:s31], [sflag:$0x2] =	stream.indirect_vreg.gather [hbm4b:s1+s18], $0x80, v4, vm0, $0xb8;
	[tilespmem:$0x18400] =	vst v63  }
0xaa: {  	v3 =	vadd.s32 v1, v3  }
0xab: {  	[tilespmem:s2], [sflag:$0x2] =	stream.indirect_vreg.gather [hbm4b:s7+s18], $0x80, v4, vm0, $0xb8;
	[tilespmem:$0x18400] =	vst v63  }
0xac: {  	s21 =	simm.s32 $0x0  }
0xad: {  	[tilespmem:s0], [sflag:$0x2] =	stream.indirect_vreg.gather [hbm4b:s8+s18], $0x80, v4, vm0, $0xb8;
	[tilespmem:$0x18400] =	vst v63  }
0xae: {  	s19 =	smul.u32 $0x6000, s21  }
0xaf: {  	[tilespmem:s6], [sflag:$0x2] =	stream.indirect_vreg.gather [hbm4b:s1+s18], $0x80, v3, vm0, $0xb8;
	[tilespmem:$0x18400] =	vst v63  }
0xb0: {  	s22 =	sand.u32 $0x380, s18;
	s19 =	sshra.s32 s19, $0x2  }
0xb1: {  	[tilespmem:s9], [sflag:$0x2] =	stream.indirect_vreg.gather [hbm4b:s7+s18], $0x80, v3, vm0, $0xb8;
	[tilespmem:$0x18400] =	vst v63  }
0xb2: {  	s19 =	sor.u32 s22, s19  }
0xb3: {  	[tilespmem:s13], [sflag:$0x2] =	stream.indirect_vreg.gather [hbm4b:s8+s18], $0x80, v3, vm0, $0xb8;
	[tilespmem:$0x18400] =	vst v63  }
0xb4: {  	v3 =	vld [tilespmem:s19+$0x400]  }
0xb5: {  	v4 =	vld [tilespmem:s19+$0x410]  }
0xb6: {  	v5 =	vld [tilespmem:s19+$0x420]  }
0xb7: {  	v6 =	vld [tilespmem:s19+$0x430]  }
0xb8: {  	v7 =	vld [tilespmem:s19+$0x440]  }
0xb9: {  	v8 =	vld [tilespmem:s19+$0x450];
	v3 =	vmul.f32 $2.771281240e+01, v3  }
0xba: {  	v9 =	vld [tilespmem:s19+$0x460];
	v4 =	vmul.f32 $2.771281240e+01, v4  }
0xbb: {  	[tilespmem:s19+$0x400] =	vst v3;
	v3 =	vmul.f32 $2.771281240e+01, v5;
	v5 =	vld [tilespmem:s19+$0x470]  }
0xbc: {  	[tilespmem:s19+$0x410] =	vst v4;
	v4 =	vmul.f32 $2.771281240e+01, v6;
	v6 =	vld [tilespmem:s19+$0x800]  }
0xbd: {  	[tilespmem:s19+$0x420] =	vst v3;
	v3 =	vmul.f32 $2.771281240e+01, v7;
	v7 =	vld [tilespmem:s19+$0x810]  }
0xbe: {  	[tilespmem:s19+$0x430] =	vst v4;
	v4 =	vmul.f32 $2.771281240e+01, v8;
	v8 =	vld [tilespmem:s19+$0x820];
	_ =	sdelay $0x1  }
0xbf: {  	[tilespmem:s19+$0x440] =	vst v3;
	v3 =	vmul.f32 $2.771281240e+01, v9;
	v9 =	vld [tilespmem:s19+$0x870]  }
0xc0: {  	[tilespmem:s19+$0x450] =	vst v4;
	v4 =	vmul.f32 $2.771281240e+01, v5;
	v5 =	vld [tilespmem:s19+$0x830]  }
0xc1: {  	[tilespmem:s19+$0x460] =	vst v3;
	v3 =	vmul.f32 $2.771281240e+01, v6;
	v6 =	vld [tilespmem:s19+$0x840]  }
0xc2: {  	[tilespmem:s19+$0x470] =	vst v4;
	v4 =	vmul.f32 $2.771281240e+01, v7;
	v7 =	vmul.f32 $2.771281240e+01, v8;
	v8 =	vld [tilespmem:s19+$0x860]  }
0xc3: {  	[tilespmem:s19+$0x800] =	vst v3;
	v3 =	vld [tilespmem:s19+$0x850]  }
0xc4: {  	[tilespmem:s19+$0x810] =	vst v4;
	v4 =	vld [tilespmem:s19+$0xC00];
	v9 =	vmul.f32 $2.771281240e+01, v9  }
0xc5: {  	[tilespmem:s19+$0x820] =	vst v7;
	v7 =	vld [tilespmem:s19+$0xC10];
	v5 =	vmul.f32 $2.771281240e+01, v5  }
0xc6: {  	v6 =	vmul.f32 $2.771281240e+01, v6;
	[tilespmem:s19+$0x870] =	vst v9  }
0xc7: {  	[tilespmem:s19+$0x830] =	vst v5;
	v5 =	vld [tilespmem:s19+$0xC20];
	v8 =	vmul.f32 $2.771281240e+01, v8  }
0xc8: {  	v3 =	vmul.f32 $2.771281240e+01, v3;
	[tilespmem:s19+$0x840] =	vst v6;
	v6 =	vld [tilespmem:s19+$0xC30]  }
0xc9: {  	v9 =	vld [tilespmem:s19+$0xC70];
	[tilespmem:s19+$0x860] =	vst v8;
	v4 =	vmul.f32 $2.771281240e+01, v4  }
0xca: {  	v7 =	vmul.f32 $2.771281240e+01, v7;
	[tilespmem:s19+$0x850] =	vst v3;
	v3 =	vld [tilespmem:s19+$0xC40]  }
0xcb: {  	v8 =	vld [tilespmem:s19+$0xC50];
	[tilespmem:s19+$0xC00] =	vst v4  }
0xcc: {  	[tilespmem:s19+$0xC10] =	vst v7;
	v7 =	vld [tilespmem:s19+$0xC60];
	v4 =	vmul.f32 $2.771281240e+01, v5  }
0xcd: {  	v5 =	vld [tilespmem:s19+$0x1000];
	v6 =	vmul.f32 $2.771281240e+01, v6  }
0xce: {  	[tilespmem:s19+$0xC20] =	vst v4;
	v4 =	vld [tilespmem:s19+$0x1010]  }
0xcf: {  	v3 =	vmul.f32 $2.771281240e+01, v3;
	[tilespmem:s19+$0xC30] =	vst v6;
	v6 =	vld [tilespmem:s19+$0x1020]  }
0xd0: {  	v8 =	vmul.f32 $2.771281240e+01, v8  }
0xd1: {  	v7 =	vmul.f32 $2.771281240e+01, v7;
	[tilespmem:s19+$0xC40] =	vst v3;
	v3 =	vld [tilespmem:s19+$0x1030]  }
0xd2: {  	[tilespmem:s19+$0xC50] =	vst v8;
	v8 =	vld [tilespmem:s19+$0x1040];
	v5 =	vmul.f32 $2.771281240e+01, v5  }
0xd3: {  	v9 =	vmul.f32 $2.771281240e+01, v9;
	[tilespmem:s19+$0xC60] =	vst v7;
	v7 =	vld [tilespmem:s19+$0x1050]  }
0xd4: {  	v4 =	vmul.f32 $2.771281240e+01, v4;
	[tilespmem:s19+$0x1000] =	vst v5;
	v5 =	vmul.f32 $2.771281240e+01, v6;
	v6 =	vld [tilespmem:s19+$0x1060]  }
0xd5: {  	[tilespmem:s19+$0xC70] =	vst v9;
	v9 =	vld [tilespmem:s19+$0x1070]  }
0xd6: {  	[tilespmem:s19+$0x1010] =	vst v4;
	v4 =	vld [tilespmem:s19+$0x1400];
	v3 =	vmul.f32 $2.771281240e+01, v3  }
0xd7: {  	v8 =	vmul.f32 $2.771281240e+01, v8;
	[tilespmem:s19+$0x1020] =	vst v5;
	v5 =	vld [tilespmem:s19+$0x1410]  }
0xd8: {  	v7 =	vmul.f32 $2.771281240e+01, v7;
	[tilespmem:s19+$0x1030] =	vst v3;
	v3 =	vld [tilespmem:s19+$0x1420]  }
0xd9: {  	[tilespmem:s19+$0x1040] =	vst v8;
	v8 =	vld [tilespmem:s19+$0x1430];
	v6 =	vmul.f32 $2.771281240e+01, v6  }
0xda: {  	v10 =	vld [tilespmem:s19+$0x1440];
	[tilespmem:s19+$0x1050] =	vst v7;
	v7 =	vmul.f32 $2.771281240e+01, v9  }
0xdb: {  	v11 =	vld [tilespmem:s19+$0x1450];
	v4 =	vmul.f32 $2.771281240e+01, v4;
	[tilespmem:s19+$0x1060] =	vst v6  }
0xdc: {  	[tilespmem:s19+$0x1070] =	vst v7;
	v5 =	vmul.f32 $2.771281240e+01, v5;
	v6 =	vld [tilespmem:s19+$0x1460]  }
0xdd: {  	v7 =	vld [tilespmem:s19+$0x1470];
	[tilespmem:s19+$0x1400] =	vst v4;
	v3 =	vmul.f32 $2.771281240e+01, v3  }
0xde: {  	v4 =	vld [tilespmem:s19+$0x1800];
	[tilespmem:s19+$0x1410] =	vst v5;
	v5 =	vmul.f32 $2.771281240e+01, v8  }
0xdf: {  	v9 =	vmul.f32 $2.771281240e+01, v10;
	[tilespmem:s19+$0x1420] =	vst v3;
	v3 =	vld [tilespmem:s19+$0x1810]  }
0xe0: {  	s20 =	simm.s32 $0x1;
	v8 =	vmul.f32 $2.771281240e+01, v11;
	[tilespmem:s19+$0x1430] =	vst v5;
	v5 =	vld [tilespmem:s19+$0x1820]  }
.LBB2_3:
0xe1: {  	s21 =	sshrl.u32 s20, $0x3;
	p0 =	sne.s32 s20, $0x3F;
	[tilespmem:s19+$0x1440] =	vst v9;
	v6 =	vmul.f32 $2.771281240e+01, v6;
	v9 =	vld [tilespmem:s19+$0x1830]  }
0xe2: {  	s21 =	smul.u32 $0x6000, s21;
	[tilespmem:s19+$0x1450] =	vst v8;
	v7 =	vmul.f32 $2.771281240e+01, v7;
	v8 =	vld [tilespmem:s19+$0x1840]  }
0xe3: {  	s18 =	sadd.s32 $0x80, s18;
	[tilespmem:s19+$0x1460] =	vst v6;
	v4 =	vmul.f32 $2.771281240e+01, v4;
	v6 =	vld [tilespmem:s19+$0x1850]  }
0xe4: {  	s22 =	sand.u32 $0x380, s18;
	s21 =	sshra.s32 s21, $0x2;
	[tilespmem:s19+$0x1470] =	vst v7;
	v3 =	vmul.f32 $2.771281240e+01, v3;
	v7 =	vld [tilespmem:s19+$0x1860]  }
0xe5: {  	s21 =	sor.u32 s22, s21;
	[tilespmem:s19+$0x1800] =	vst v4;
	v4 =	vmul.f32 $2.771281240e+01, v5;
	v5 =	vld [tilespmem:s19+$0x1870]  }
0xe6: {  	v10 =	vld [tilespmem:s21+$0x400];
	[tilespmem:s19+$0x1810] =	vst v3;
	v3 =	vmul.f32 $2.771281240e+01, v9  }
0xe7: {  	v9 =	vld [tilespmem:s21+$0x410];
	[tilespmem:s19+$0x1820] =	vst v4;
	v4 =	vmul.f32 $2.771281240e+01, v8  }
0xe8: {  	v8 =	vld [tilespmem:s21+$0x420];
	[tilespmem:s19+$0x1830] =	vst v3;
	v3 =	vmul.f32 $2.771281240e+01, v6  }
0xe9: {  	v6 =	vld [tilespmem:s21+$0x430];
	[tilespmem:s19+$0x1840] =	vst v4;
	v4 =	vmul.f32 $2.771281240e+01, v7  }
0xea: {  	v7 =	vld [tilespmem:s21+$0x440];
	[tilespmem:s19+$0x1850] =	vst v3;
	v3 =	vmul.f32 $2.771281240e+01, v5  }
0xeb: {  	v5 =	vmul.f32 $2.771281240e+01, v10;
	v10 =	vld [tilespmem:s21+$0x450];
	[tilespmem:s19+$0x1860] =	vst v4  }
0xec: {  	v4 =	vmul.f32 $2.771281240e+01, v9;
	v9 =	vld [tilespmem:s21+$0x460];
	[tilespmem:s19+$0x1870] =	vst v3;
	s19 =	smov.u32 s21  }
0xed: {  	[tilespmem:s19+$0x400] =	vst v5;
	v3 =	vmul.f32 $2.771281240e+01, v8;
	v5 =	vld [tilespmem:s19+$0x470]  }
0xee: {  	[tilespmem:s19+$0x410] =	vst v4;
	v4 =	vmul.f32 $2.771281240e+01, v6;
	v6 =	vld [tilespmem:s19+$0x800]  }
0xef: {  	[tilespmem:s19+$0x420] =	vst v3;
	v3 =	vmul.f32 $2.771281240e+01, v7;
	v7 =	vld [tilespmem:s19+$0x810]  }
0xf0: {  	[tilespmem:s19+$0x430] =	vst v4;
	v4 =	vmul.f32 $2.771281240e+01, v10;
	v8 =	vld [tilespmem:s19+$0x820]  }
0xf1: {  	[tilespmem:s19+$0x440] =	vst v3;
	v3 =	vmul.f32 $2.771281240e+01, v9;
	v9 =	vld [tilespmem:s19+$0x830]  }
0xf2: {  	[tilespmem:s19+$0x450] =	vst v4;
	v4 =	vmul.f32 $2.771281240e+01, v5;
	v5 =	vld [tilespmem:s19+$0x840]  }
0xf3: {  	[tilespmem:s19+$0x460] =	vst v3;
	v3 =	vmul.f32 $2.771281240e+01, v6;
	v6 =	vld [tilespmem:s19+$0x850]  }
0xf4: {  	[tilespmem:s19+$0x470] =	vst v4;
	v4 =	vmul.f32 $2.771281240e+01, v7;
	v7 =	vld [tilespmem:s19+$0x860]  }
0xf5: {  	[tilespmem:s19+$0x800] =	vst v3;
	v3 =	vmul.f32 $2.771281240e+01, v8;
	v8 =	vld [tilespmem:s19+$0x870]  }
0xf6: {  	[tilespmem:s19+$0x810] =	vst v4;
	v4 =	vmul.f32 $2.771281240e+01, v9;
	v9 =	vld [tilespmem:s19+$0xC00]  }
0xf7: {  	[tilespmem:s19+$0x820] =	vst v3;
	v3 =	vmul.f32 $2.771281240e+01, v5;
	v5 =	vld [tilespmem:s19+$0xC10]  }
0xf8: {  	[tilespmem:s19+$0x830] =	vst v4;
	v4 =	vmul.f32 $2.771281240e+01, v6;
	v6 =	vld [tilespmem:s19+$0xC20]  }
0xf9: {  	[tilespmem:s19+$0x840] =	vst v3;
	v3 =	vmul.f32 $2.771281240e+01, v7;
	v7 =	vld [tilespmem:s19+$0xC30]  }
0xfa: {  	[tilespmem:s19+$0x850] =	vst v4;
	v4 =	vmul.f32 $2.771281240e+01, v8;
	v8 =	vld [tilespmem:s19+$0xC40]  }
0xfb: {  	[tilespmem:s19+$0x860] =	vst v3;
	v3 =	vmul.f32 $2.771281240e+01, v9;
	v9 =	vld [tilespmem:s19+$0xC50]  }
0xfc: {  	[tilespmem:s19+$0x870] =	vst v4;
	v4 =	vmul.f32 $2.771281240e+01, v5;
	v5 =	vld [tilespmem:s19+$0xC60]  }
0xfd: {  	[tilespmem:s19+$0xC00] =	vst v3;
	v3 =	vmul.f32 $2.771281240e+01, v6;
	v6 =	vld [tilespmem:s19+$0xC70]  }
0xfe: {  	[tilespmem:s19+$0xC10] =	vst v4;
	v4 =	vmul.f32 $2.771281240e+01, v7;
	v7 =	vld [tilespmem:s19+$0x1000]  }
0xff: {  	[tilespmem:s19+$0xC20] =	vst v3;
	v3 =	vmul.f32 $2.771281240e+01, v8;
	v8 =	vld [tilespmem:s19+$0x1010]  }
0x100: {  	[tilespmem:s19+$0xC30] =	vst v4;
	v4 =	vmul.f32 $2.771281240e+01, v9;
	v9 =	vld [tilespmem:s19+$0x1020]  }
0x101: {  	[tilespmem:s19+$0xC40] =	vst v3;
	v3 =	vmul.f32 $2.771281240e+01, v5;
	v5 =	vld [tilespmem:s19+$0x1030]  }
0x102: {  	[tilespmem:s19+$0xC50] =	vst v4;
	v4 =	vmul.f32 $2.771281240e+01, v6;
	v6 =	vld [tilespmem:s19+$0x1040]  }
0x103: {  	[tilespmem:s19+$0xC60] =	vst v3;
	v3 =	vmul.f32 $2.771281240e+01, v7;
	v7 =	vld [tilespmem:s19+$0x1050]  }
0x104: {  	[tilespmem:s19+$0xC70] =	vst v4;
	v4 =	vmul.f32 $2.771281240e+01, v8;
	v8 =	vld [tilespmem:s19+$0x1060]  }
0x105: {  	[tilespmem:s19+$0x1000] =	vst v3;
	v3 =	vmul.f32 $2.771281240e+01, v9;
	v9 =	vld [tilespmem:s19+$0x1070]  }
0x106: {  	[tilespmem:s19+$0x1010] =	vst v4;
	v4 =	vmul.f32 $2.771281240e+01, v5;
	v5 =	vld [tilespmem:s19+$0x1400]  }
0x107: {  	[tilespmem:s19+$0x1020] =	vst v3;
	v3 =	vmul.f32 $2.771281240e+01, v6;
	v6 =	vld [tilespmem:s19+$0x1410]  }
0x108: {  	[tilespmem:s19+$0x1030] =	vst v4;
	v4 =	vmul.f32 $2.771281240e+01, v7;
	v7 =	vld [tilespmem:s19+$0x1420]  }
0x109: {  	[tilespmem:s19+$0x1040] =	vst v3;
	v3 =	vmul.f32 $2.771281240e+01, v8;
	v8 =	vld [tilespmem:s19+$0x1430]  }
0x10a: {  	[tilespmem:s19+$0x1050] =	vst v4;
	v4 =	vmul.f32 $2.771281240e+01, v9;
	v9 =	vld [tilespmem:s19+$0x1440]  }
0x10b: {  	[tilespmem:s19+$0x1060] =	vst v3;
	v3 =	vmul.f32 $2.771281240e+01, v5;
	v5 =	vld [tilespmem:s19+$0x1450]  }
.Ltmp0:
0x10c: {  	[tilespmem:s19+$0x1070] =	vst v4;
	v4 =	vmul.f32 $2.771281240e+01, v6;
	v6 =	vld [tilespmem:s19+$0x1460];
	(pc) =	sbr.rel @p0 .LBB2_3-.Ltmp0, $4  }
0x10d: {  	[tilespmem:s19+$0x1400] =	vst v3;
	v3 =	vmul.f32 $2.771281240e+01, v7;
	v7 =	vld [tilespmem:s19+$0x1470]  }
0x10e: {  	[tilespmem:s19+$0x1410] =	vst v4;
	v8 =	vmul.f32 $2.771281240e+01, v8;
	v4 =	vld [tilespmem:s19+$0x1800]  }
0x10f: {  	[tilespmem:s19+$0x1420] =	vst v3;
	v9 =	vmul.f32 $2.771281240e+01, v9;
	v3 =	vld [tilespmem:s19+$0x1810]  }
0x110: {  	s20 =	sadd.s32 $0x1, s20;
	[tilespmem:s19+$0x1430] =	vst v8;
	v8 =	vmul.f32 $2.771281240e+01, v5;
	v5 =	vld [tilespmem:s19+$0x1820]  }
0x111: {  	[tilespmem:s19+$0x1440] =	vst v9;
	v56 =	vld [tilespmem:s19+$0x1830];
	v6 =	vmul.f32 $2.771281240e+01, v6  }
0x112: {  	v57 =	vld [tilespmem:s19+$0x1840];
	[tilespmem:s19+$0x1450] =	vst v8;
	v7 =	vmul.f32 $2.771281240e+01, v7  }
0x113: {  	v58 =	vld [tilespmem:s19+$0x1850];
	[tilespmem:s19+$0x1460] =	vst v6;
	v4 =	vmul.f32 $2.771281240e+01, v4  }
0x114: {  	v59 =	vld [tilespmem:s19+$0x1860];
	[tilespmem:s19+$0x1470] =	vst v7;
	v3 =	vmul.f32 $2.771281240e+01, v3  }
0x115: {  	v61 =	vld [tilespmem:s19+$0x1870];
	[tilespmem:s19+$0x1800] =	vst v4;
	v60 =	vmul.f32 $2.771281240e+01, v5  }
0x116: {  	[tilespmem:s19+$0x1810] =	vst v3;
	v3 =	vmul.f32 $2.771281240e+01, v56  }
0x117: {  	s18 =	sshll.u32 s16, $0x7;
	v62 =	vmul.f32 $2.771281240e+01, v57;
	[tilespmem:s19+$0x1820] =	vst v60  }
0x118: {  	s18 =	sadd.s32 s5, s18;
	[tilespmem:s19+$0x1830] =	vst v3;
	v3 =	vmul.f32 $2.771281240e+01, v58  }
0x119: {  	s18 =	sshrl.u32 s18, $0x3;
	v63 =	vmul.f32 $2.771281240e+01, v59;
	[tilespmem:s19+$0x1840] =	vst v62  }
0x11a: {  	s18 =	smul.u32 $0x300, s18;
	[tilespmem:s19+$0x1850] =	vst v3;
	v3 =	vmul.f32 $2.771281240e+01, v61  }
0x11b: {  	p0 =	seq.s32 s16, $0x3;
	[tilespmem:s19+$0x1860] =	vst v63  }
.Ltmp1:
0x11c: {  	s18 =	sadd.s32 s3, s18;
	[tilespmem:s19+$0x1870] =	vst v3;
	(pc) =	sbr.rel @p0 .LBB2_6-.Ltmp1, $4  }
0x11d: {  	[hbm4b:s18+s4] =	stream.linear.scatter [tilespmem:s11], [sflag:$0x3], $0xC000, $0x38;
	[tilespmem:$0x18400] =	vst v63  }
0x11e: {  	_ =	swait.ge [sflag:s14], $0xC000  }
0x11f: {  	[sflag:s14] =	ssyncset.done $0x0  }
0x120: {  	[sflag:s14] =	ssyncadd.s32 $0xFFFF4000  }
0x121: {  	_ =	swait.ge [sflag:s15], $0xC000  }
0x122: {  	s18 =	sshll.u32 s16, $0x8;
	[sflag:s15] =	ssyncset.done $0x0  }
0x123: {  	s18 =	sand.u32 $0x3FFFFF00, s18;
	[sflag:s15] =	ssyncadd.s32 $0xFFFF4000  }
0x124: {  	v3 =	vld [tilespmem:s18+$0x100];
	_ =	sdelay $0x4  }
0x125: {  	v4 =	vshrl.u32 v3, $0x3  }
0x126: {  	v4 =	vmul.u32 $0x30, v4  }
0x127: {  	v3 =	vand.u32 $0x7, v3  }
0x128: {  	v3 =	vor.u32 v3, v4  }
0x129: {  	v4 =	vperm.xlane v3, v0;
	_ =	sdelay $0x1  }
0x12a: {  	v4 =	vadd.s32 v1, v4;
	_ =	sdelay $0x3  }
0x12b: {  	v3 =	vperm.xlane v3, v2  }
0x12c: {  	[tilespmem:s11], [sflag:$0x1] =	stream.indirect_vreg.gather [hbm4b:s1+s4], $0x80, v4, vm0, $0xb8;
	[tilespmem:$0x18400] =	vst v63  }
0x12d: {  	s19 =	simm.s32 $0xC00;
	v3 =	vadd.s32 v1, v3  }
0x12e: {  	[tilespmem:s19], [sflag:$0x1] =	stream.indirect_vreg.gather [hbm4b:s7+s4], $0x80, v4, vm0, $0xb8;
	[tilespmem:$0x18400] =	vst v63  }
0x12f: {  	s20 =	simm.s32 $0x1400  }
0x130: {  	[tilespmem:s20], [sflag:$0x1] =	stream.indirect_vreg.gather [hbm4b:s8+s4], $0x80, v4, vm0, $0xb8;
	[tilespmem:$0x18400] =	vst v63  }
0x131: {  	s21 =	simm.s32 $0x1C00  }
0x132: {  	[tilespmem:s21], [sflag:$0x1] =	stream.indirect_vreg.gather [hbm4b:s1+s4], $0x80, v3, vm0, $0xb8;
	[tilespmem:$0x18400] =	vst v63  }
0x133: {  	s22 =	simm.s32 $0x2400  }
0x134: {  	[tilespmem:s22], [sflag:$0x1] =	stream.indirect_vreg.gather [hbm4b:s7+s4], $0x80, v3, vm0, $0xb8;
	[tilespmem:$0x18400] =	vst v63  }
0x135: {  	s20 =	simm.s32 $0x2C00  }
0x136: {  	[tilespmem:s20], [sflag:$0x1] =	stream.indirect_vreg.gather [hbm4b:s8+s4], $0x80, v3, vm0, $0xb8;
	[tilespmem:$0x18400] =	vst v63  }
0x137: {  	v3 =	vld [tilespmem:s18+$0x110];
	_ =	sdelay $0x4  }
0x138: {  	v61 =	vshrl.u32 v3, $0x3  }
0x139: {  	v4 =	vmul.u32 $0x30, v61  }
0x13a: {  	v3 =	vand.u32 $0x7, v3  }
0x13b: {  	v3 =	vor.u32 v3, v4  }
0x13c: {  	v4 =	vperm.xlane v3, v0;
	_ =	sdelay $0x1  }
0x13d: {  	v4 =	vadd.s32 v1, v4;
	_ =	sdelay $0x3  }
0x13e: {  	s21 =	simm.s32 $0x3400;
	v3 =	vperm.xlane v3, v2  }
0x13f: {  	[tilespmem:s21], [sflag:$0x1] =	stream.indirect_vreg.gather [hbm4b:s1+s4], $0x80, v4, vm0, $0xb8;
	[tilespmem:$0x18400] =	vst v63  }
0x140: {  	s22 =	simm.s32 $0x3C00;
	v3 =	vadd.s32 v1, v3  }
0x141: {  	[tilespmem:s22], [sflag:$0x1] =	stream.indirect_vreg.gather [hbm4b:s7+s4], $0x80, v4, vm0, $0xb8;
	[tilespmem:$0x18400] =	vst v63  }
0x142: {  	s20 =	simm.s32 $0x4400  }
0x143: {  	[tilespmem:s20], [sflag:$0x1] =	stream.indirect_vreg.gather [hbm4b:s8+s4], $0x80, v4, vm0, $0xb8;
	[tilespmem:$0x18400] =	vst v63  }
0x144: {  	s21 =	simm.s32 $0x4C00  }
0x145: {  	[tilespmem:s21], [sflag:$0x1] =	stream.indirect_vreg.gather [hbm4b:s1+s4], $0x80, v3, vm0, $0xb8;
	[tilespmem:$0x18400] =	vst v63  }
0x146: {  	s22 =	simm.s32 $0x5400  }
0x147: {  	[tilespmem:s22], [sflag:$0x1] =	stream.indirect_vreg.gather [hbm4b:s7+s4], $0x80, v3, vm0, $0xb8;
	[tilespmem:$0x18400] =	vst v63  }
0x148: {  	s20 =	simm.s32 $0x5C00  }
0x149: {  	[tilespmem:s20], [sflag:$0x1] =	stream.indirect_vreg.gather [hbm4b:s8+s4], $0x80, v3, vm0, $0xb8;
	[tilespmem:$0x18400] =	vst v63  }
0x14a: {  	v3 =	vld [tilespmem:s18+$0x120];
	_ =	sdelay $0x4  }
0x14b: {  	v62 =	vshrl.u32 v3, $0x3  }
0x14c: {  	v4 =	vmul.u32 $0x30, v62  }
0x14d: {  	v3 =	vand.u32 $0x7, v3  }
0x14e: {  	v3 =	vor.u32 v3, v4  }
0x14f: {  	v4 =	vperm.xlane v3, v0;
	_ =	sdelay $0x1  }
0x150: {  	v4 =	vadd.s32 v1, v4;
	_ =	sdelay $0x3  }
0x151: {  	s21 =	simm.s32 $0x6400;
	v3 =	vperm.xlane v3, v2  }
0x152: {  	[tilespmem:s21], [sflag:$0x1] =	stream.indirect_vreg.gather [hbm4b:s1+s4], $0x80, v4, vm0, $0xb8;
	[tilespmem:$0x18400] =	vst v63  }
0x153: {  	s22 =	simm.s32 $0x6C00;
	v3 =	vadd.s32 v1, v3  }
0x154: {  	[tilespmem:s22], [sflag:$0x1] =	stream.indirect_vreg.gather [hbm4b:s7+s4], $0x80, v4, vm0, $0xb8;
	[tilespmem:$0x18400] =	vst v63  }
0x155: {  	s20 =	simm.s32 $0x7400  }
0x156: {  	[tilespmem:s20], [sflag:$0x1] =	stream.indirect_vreg.gather [hbm4b:s8+s4], $0x80, v4, vm0, $0xb8;
	[tilespmem:$0x18400] =	vst v63  }
0x157: {  	s21 =	simm.s32 $0x7C00  }
0x158: {  	[tilespmem:s21], [sflag:$0x1] =	stream.indirect_vreg.gather [hbm4b:s1+s4], $0x80, v3, vm0, $0xb8;
	[tilespmem:$0x18400] =	vst v63  }
0x159: {  	s22 =	simm.s32 $0x8400  }
0x15a: {  	[tilespmem:s22], [sflag:$0x1] =	stream.indirect_vreg.gather [hbm4b:s7+s4], $0x80, v3, vm0, $0xb8;
	[tilespmem:$0x18400] =	vst v63  }
0x15b: {  	s20 =	simm.s32 $0x8C00  }
0x15c: {  	[tilespmem:s20], [sflag:$0x1] =	stream.indirect_vreg.gather [hbm4b:s8+s4], $0x80, v3, vm0, $0xb8;
	[tilespmem:$0x18400] =	vst v63  }
0x15d: {  	v3 =	vld [tilespmem:s18+$0x130];
	_ =	sdelay $0x4  }
0x15e: {  	v63 =	vshrl.u32 v3, $0x3  }
0x15f: {  	v4 =	vmul.u32 $0x30, v63  }
0x160: {  	v3 =	vand.u32 $0x7, v3  }
0x161: {  	v3 =	vor.u32 v3, v4  }
0x162: {  	v4 =	vperm.xlane v3, v0;
	_ =	sdelay $0x1  }
0x163: {  	v4 =	vadd.s32 v1, v4;
	_ =	sdelay $0x3  }
0x164: {  	s21 =	simm.s32 $0x9400;
	v3 =	vperm.xlane v3, v2  }
0x165: {  	[tilespmem:s21], [sflag:$0x1] =	stream.indirect_vreg.gather [hbm4b:s1+s4], $0x80, v4, vm0, $0xb8;
	[tilespmem:$0x18400] =	vst v63  }
0x166: {  	s22 =	simm.s32 $0x9C00;
	v3 =	vadd.s32 v1, v3  }
0x167: {  	[tilespmem:s22], [sflag:$0x1] =	stream.indirect_vreg.gather [hbm4b:s7+s4], $0x80, v4, vm0, $0xb8;
	[tilespmem:$0x18400] =	vst v63  }
0x168: {  	s19 =	simm.s32 $0xA400  }
0x169: {  	[tilespmem:s19], [sflag:$0x1] =	stream.indirect_vreg.gather [hbm4b:s8+s4], $0x80, v4, vm0, $0xb8;
	[tilespmem:$0x18400] =	vst v63  }
0x16a: {  	s20 =	simm.s32 $0xAC00  }
0x16b: {  	[tilespmem:s20], [sflag:$0x1] =	stream.indirect_vreg.gather [hbm4b:s1+s4], $0x80, v3, vm0, $0xb8;
	[tilespmem:$0x18400] =	vst v63  }
0x16c: {  	s21 =	simm.s32 $0xB400  }
0x16d: {  	[tilespmem:s21], [sflag:$0x1] =	stream.indirect_vreg.gather [hbm4b:s7+s4], $0x80, v3, vm0, $0xb8;
	[tilespmem:$0x18400] =	vst v63  }
0x16e: {  	s22 =	simm.s32 $0xBC00  }
0x16f: {  	[tilespmem:s22], [sflag:$0x1] =	stream.indirect_vreg.gather [hbm4b:s8+s4], $0x80, v3, vm0, $0xb8;
	[tilespmem:$0x18400] =	vst v63  }
.LBB2_6:
0x170: {  	s18 =	simm.s32 $0x0  }
0x171: {  	s18 =	smul.u32 $0x6000, s18  }
0x172: {  	s19 =	simm.s32 $0x0  }
0x173: {  	s20 =	sand.u32 $0x380, s19;
	s18 =	sshra.s32 s18, $0x2  }
0x174: {  	s18 =	sor.u32 s20, s18  }
0x175: {  	v3 =	vld [tilespmem:s18+$0xC400]  }
0x176: {  	v4 =	vld [tilespmem:s18+$0xC410]  }
0x177: {  	v5 =	vld [tilespmem:s18+$0xC420]  }
0x178: {  	v6 =	vld [tilespmem:s18+$0xC430]  }
0x179: {  	v7 =	vld [tilespmem:s18+$0xC440]  }
0x17a: {  	v8 =	vld [tilespmem:s18+$0xC460];
	v3 =	vmul.f32 $2.771281240e+01, v3  }
0x17b: {  	v9 =	vld [tilespmem:s18+$0xC470];
	v4 =	vmul.f32 $2.771281240e+01, v4  }
0x17c: {  	v5 =	vmul.f32 $2.771281240e+01, v5;
	[tilespmem:s18+$0xC400] =	vst v3;
	v3 =	vld [tilespmem:s18+$0xC450]  }
0x17d: {  	v6 =	vmul.f32 $2.771281240e+01, v6;
	[tilespmem:s18+$0xC410] =	vst v4;
	v4 =	vld [tilespmem:s18+$0xC800]  }
0x17e: {  	v7 =	vmul.f32 $2.771281240e+01, v7;
	[tilespmem:s18+$0xC420] =	vst v5;
	v5 =	vld [tilespmem:s18+$0xC810]  }
0x17f: {  	v8 =	vmul.f32 $2.771281240e+01, v8;
	[tilespmem:s18+$0xC430] =	vst v6;
	v6 =	vld [tilespmem:s18+$0xC820]  }
0x180: {  	[tilespmem:s18+$0xC440] =	vst v7;
	v7 =	vld [tilespmem:s18+$0xC830]  }
0x181: {  	[tilespmem:s18+$0xC460] =	vst v8;
	v8 =	vld [tilespmem:s18+$0xC850];
	v3 =	vmul.f32 $2.771281240e+01, v3  }
0x182: {  	v4 =	vmul.f32 $2.771281240e+01, v4  }
0x183: {  	v5 =	vmul.f32 $2.771281240e+01, v5;
	[tilespmem:s18+$0xC450] =	vst v3;
	v3 =	vld [tilespmem:s18+$0xC840]  }
0x184: {  	v9 =	vmul.f32 $2.771281240e+01, v9;
	[tilespmem:s18+$0xC800] =	vst v4;
	v4 =	vmul.f32 $2.771281240e+01, v6;
	v6 =	vld [tilespmem:s18+$0xC860]  }
0x185: {  	v7 =	vmul.f32 $2.771281240e+01, v7;
	[tilespmem:s18+$0xC810] =	vst v5;
	v5 =	vld [tilespmem:s18+$0xCC00]  }
0x186: {  	[tilespmem:s18+$0xC470] =	vst v9;
	v8 =	vmul.f32 $2.771281240e+01, v8  }
0x187: {  	[tilespmem:s18+$0xC830] =	vst v7;
	v7 =	vld [tilespmem:s18+$0xCC20]  }
0x188: {  	v9 =	vld [tilespmem:s18+$0xC870];
	[tilespmem:s18+$0xC850] =	vst v8;
	v3 =	vmul.f32 $2.771281240e+01, v3  }
0x189: {  	v8 =	vld [tilespmem:s18+$0xCC40];
	[tilespmem:s18+$0xC820] =	vst v4;
	v6 =	vmul.f32 $2.771281240e+01, v6  }
0x18a: {  	v4 =	vld [tilespmem:s18+$0xCC10];
	v5 =	vmul.f32 $2.771281240e+01, v5;
	[tilespmem:s18+$0xC840] =	vst v3  }
0x18b: {  	v3 =	vld [tilespmem:s18+$0xCC30];
	[tilespmem:s18+$0xC860] =	vst v6  }
0x18c: {  	v6 =	vld [tilespmem:s18+$0xCC50];
	[tilespmem:s18+$0xCC00] =	vst v5;
	v5 =	vmul.f32 $2.771281240e+01, v7  }
0x18d: {  	v9 =	vmul.f32 $2.771281240e+01, v9;
	v7 =	vld [tilespmem:s18+$0xCC60]  }
0x18e: {  	v8 =	vmul.f32 $2.771281240e+01, v8;
	[tilespmem:s18+$0xCC20] =	vst v5;
	v5 =	vld [tilespmem:s18+$0xD010]  }
0x18f: {  	[tilespmem:s18+$0xC870] =	vst v9;
	v9 =	vld [tilespmem:s18+$0xCC70];
	v4 =	vmul.f32 $2.771281240e+01, v4  }
0x190: {  	[tilespmem:s18+$0xCC40] =	vst v8;
	v8 =	vld [tilespmem:s18+$0xD030];
	v3 =	vmul.f32 $2.771281240e+01, v3  }
0x191: {  	[tilespmem:s18+$0xCC10] =	vst v4;
	v4 =	vld [tilespmem:s18+$0xD000];
	v6 =	vmul.f32 $2.771281240e+01, v6  }
0x192: {  	v7 =	vmul.f32 $2.771281240e+01, v7;
	[tilespmem:s18+$0xCC30] =	vst v3;
	v3 =	vld [tilespmem:s18+$0xD020]  }
0x193: {  	[tilespmem:s18+$0xCC50] =	vst v6;
	v6 =	vld [tilespmem:s18+$0xD040];
	v5 =	vmul.f32 $2.771281240e+01, v5  }
0x194: {  	v9 =	vmul.f32 $2.771281240e+01, v9;
	[tilespmem:s18+$0xCC60] =	vst v7;
	v7 =	vld [tilespmem:s18+$0xD050]  }
0x195: {  	v8 =	vmul.f32 $2.771281240e+01, v8;
	[tilespmem:s18+$0xD010] =	vst v5;
	v5 =	vld [tilespmem:s18+$0xD060]  }
0x196: {  	[tilespmem:s18+$0xCC70] =	vst v9;
	v9 =	vld [tilespmem:s18+$0xD070];
	v4 =	vmul.f32 $2.771281240e+01, v4  }
0x197: {  	[tilespmem:s18+$0xD030] =	vst v8;
	v8 =	vld [tilespmem:s18+$0xD420];
	v3 =	vmul.f32 $2.771281240e+01, v3  }
0x198: {  	[tilespmem:s18+$0xD000] =	vst v4;
	v4 =	vld [tilespmem:s18+$0xD400];
	v6 =	vmul.f32 $2.771281240e+01, v6  }
0x199: {  	v7 =	vmul.f32 $2.771281240e+01, v7;
	[tilespmem:s18+$0xD020] =	vst v3;
	v3 =	vld [tilespmem:s18+$0xD410]  }
0x19a: {  	v10 =	vld [tilespmem:s18+$0xD430];
	[tilespmem:s18+$0xD040] =	vst v6;
	v5 =	vmul.f32 $2.771281240e+01, v5  }
0x19b: {  	v11 =	vld [tilespmem:s18+$0xD440];
	[tilespmem:s18+$0xD050] =	vst v7;
	v6 =	vmul.f32 $2.771281240e+01, v9  }
0x19c: {  	v7 =	vmul.f32 $2.771281240e+01, v8;
	[tilespmem:s18+$0xD060] =	vst v5;
	v5 =	vld [tilespmem:s18+$0xD450]  }
0x19d: {  	v4 =	vmul.f32 $2.771281240e+01, v4;
	[tilespmem:s18+$0xD070] =	vst v6;
	v6 =	vld [tilespmem:s18+$0xD460]  }
0x19e: {  	[tilespmem:s18+$0xD420] =	vst v7;
	v7 =	vld [tilespmem:s18+$0xD470];
	v3 =	vmul.f32 $2.771281240e+01, v3  }
0x19f: {  	v8 =	vmul.f32 $2.771281240e+01, v10;
	[tilespmem:s18+$0xD400] =	vst v4;
	v4 =	vld [tilespmem:s18+$0xD800]  }
0x1a0: {  	v9 =	vmul.f32 $2.771281240e+01, v11;
	[tilespmem:s18+$0xD410] =	vst v3;
	v3 =	vld [tilespmem:s18+$0xD810]  }
0x1a1: {  	s20 =	simm.s32 $0x1;
	[tilespmem:s18+$0xD430] =	vst v8;
	v8 =	vmul.f32 $2.771281240e+01, v5;
	v5 =	vld [tilespmem:s18+$0xD820]  }
.LBB2_7:
0x1a2: {  	s21 =	sshrl.u32 s20, $0x3;
	p0 =	sne.s32 s20, $0x3F;
	[tilespmem:s18+$0xD440] =	vst v9;
	v6 =	vmul.f32 $2.771281240e+01, v6;
	v9 =	vld [tilespmem:s18+$0xD830]  }
0x1a3: {  	s21 =	smul.u32 $0x6000, s21;
	[tilespmem:s18+$0xD450] =	vst v8;
	v7 =	vmul.f32 $2.771281240e+01, v7;
	v8 =	vld [tilespmem:s18+$0xD840]  }
0x1a4: {  	s19 =	sadd.s32 $0x80, s19;
	[tilespmem:s18+$0xD460] =	vst v6;
	v4 =	vmul.f32 $2.771281240e+01, v4;
	v6 =	vld [tilespmem:s18+$0xD850]  }
0x1a5: {  	s22 =	sand.u32 $0x380, s19;
	s21 =	sshra.s32 s21, $0x2;
	[tilespmem:s18+$0xD470] =	vst v7;
	v3 =	vmul.f32 $2.771281240e+01, v3;
	v7 =	vld [tilespmem:s18+$0xD860]  }
0x1a6: {  	s21 =	sor.u32 s22, s21;
	[tilespmem:s18+$0xD800] =	vst v4;
	v4 =	vmul.f32 $2.771281240e+01, v5;
	v5 =	vld [tilespmem:s18+$0xD870]  }
0x1a7: {  	v10 =	vld [tilespmem:s21+$0xC400];
	[tilespmem:s18+$0xD810] =	vst v3;
	v3 =	vmul.f32 $2.771281240e+01, v9  }
0x1a8: {  	v9 =	vld [tilespmem:s21+$0xC410];
	[tilespmem:s18+$0xD820] =	vst v4;
	v4 =	vmul.f32 $2.771281240e+01, v8  }
0x1a9: {  	v8 =	vld [tilespmem:s21+$0xC420];
	[tilespmem:s18+$0xD830] =	vst v3;
	v3 =	vmul.f32 $2.771281240e+01, v6  }
0x1aa: {  	v6 =	vld [tilespmem:s21+$0xC430];
	[tilespmem:s18+$0xD840] =	vst v4;
	v4 =	vmul.f32 $2.771281240e+01, v7  }
0x1ab: {  	v7 =	vld [tilespmem:s21+$0xC440];
	[tilespmem:s18+$0xD850] =	vst v3;
	v3 =	vmul.f32 $2.771281240e+01, v5  }
0x1ac: {  	v5 =	vmul.f32 $2.771281240e+01, v10;
	v10 =	vld [tilespmem:s21+$0xC450];
	[tilespmem:s18+$0xD860] =	vst v4  }
0x1ad: {  	v4 =	vmul.f32 $2.771281240e+01, v9;
	v9 =	vld [tilespmem:s21+$0xC460];
	[tilespmem:s18+$0xD870] =	vst v3;
	s18 =	smov.u32 s21  }
0x1ae: {  	[tilespmem:s18+$0xC400] =	vst v5;
	v3 =	vmul.f32 $2.771281240e+01, v8;
	v5 =	vld [tilespmem:s18+$0xC470]  }
0x1af: {  	[tilespmem:s18+$0xC410] =	vst v4;
	v4 =	vmul.f32 $2.771281240e+01, v6;
	v6 =	vld [tilespmem:s18+$0xC800]  }
0x1b0: {  	[tilespmem:s18+$0xC420] =	vst v3;
	v3 =	vmul.f32 $2.771281240e+01, v7;
	v7 =	vld [tilespmem:s18+$0xC810]  }
0x1b1: {  	[tilespmem:s18+$0xC430] =	vst v4;
	v4 =	vmul.f32 $2.771281240e+01, v10;
	v8 =	vld [tilespmem:s18+$0xC820]  }
0x1b2: {  	[tilespmem:s18+$0xC440] =	vst v3;
	v3 =	vmul.f32 $2.771281240e+01, v9;
	v9 =	vld [tilespmem:s18+$0xC830]  }
0x1b3: {  	[tilespmem:s18+$0xC450] =	vst v4;
	v4 =	vmul.f32 $2.771281240e+01, v5;
	v5 =	vld [tilespmem:s18+$0xC840]  }
0x1b4: {  	[tilespmem:s18+$0xC460] =	vst v3;
	v3 =	vmul.f32 $2.771281240e+01, v6;
	v6 =	vld [tilespmem:s18+$0xC850]  }
0x1b5: {  	[tilespmem:s18+$0xC470] =	vst v4;
	v4 =	vmul.f32 $2.771281240e+01, v7;
	v7 =	vld [tilespmem:s18+$0xC860]  }
0x1b6: {  	[tilespmem:s18+$0xC800] =	vst v3;
	v3 =	vmul.f32 $2.771281240e+01, v8;
	v8 =	vld [tilespmem:s18+$0xC870]  }
0x1b7: {  	[tilespmem:s18+$0xC810] =	vst v4;
	v4 =	vmul.f32 $2.771281240e+01, v9;
	v9 =	vld [tilespmem:s18+$0xCC00]  }
0x1b8: {  	[tilespmem:s18+$0xC820] =	vst v3;
	v3 =	vmul.f32 $2.771281240e+01, v5;
	v5 =	vld [tilespmem:s18+$0xCC10]  }
0x1b9: {  	[tilespmem:s18+$0xC830] =	vst v4;
	v4 =	vmul.f32 $2.771281240e+01, v6;
	v6 =	vld [tilespmem:s18+$0xCC20]  }
0x1ba: {  	[tilespmem:s18+$0xC840] =	vst v3;
	v3 =	vmul.f32 $2.771281240e+01, v7;
	v7 =	vld [tilespmem:s18+$0xCC30]  }
0x1bb: {  	[tilespmem:s18+$0xC850] =	vst v4;
	v4 =	vmul.f32 $2.771281240e+01, v8;
	v8 =	vld [tilespmem:s18+$0xCC40]  }
0x1bc: {  	[tilespmem:s18+$0xC860] =	vst v3;
	v3 =	vmul.f32 $2.771281240e+01, v9;
	v9 =	vld [tilespmem:s18+$0xCC50]  }
0x1bd: {  	[tilespmem:s18+$0xC870] =	vst v4;
	v4 =	vmul.f32 $2.771281240e+01, v5;
	v5 =	vld [tilespmem:s18+$0xCC60]  }
0x1be: {  	[tilespmem:s18+$0xCC00] =	vst v3;
	v3 =	vmul.f32 $2.771281240e+01, v6;
	v6 =	vld [tilespmem:s18+$0xCC70]  }
0x1bf: {  	[tilespmem:s18+$0xCC10] =	vst v4;
	v4 =	vmul.f32 $2.771281240e+01, v7;
	v7 =	vld [tilespmem:s18+$0xD000]  }
0x1c0: {  	[tilespmem:s18+$0xCC20] =	vst v3;
	v3 =	vmul.f32 $2.771281240e+01, v8;
	v8 =	vld [tilespmem:s18+$0xD010]  }
0x1c1: {  	[tilespmem:s18+$0xCC30] =	vst v4;
	v4 =	vmul.f32 $2.771281240e+01, v9;
	v9 =	vld [tilespmem:s18+$0xD020]  }
0x1c2: {  	[tilespmem:s18+$0xCC40] =	vst v3;
	v3 =	vmul.f32 $2.771281240e+01, v5;
	v5 =	vld [tilespmem:s18+$0xD030]  }
0x1c3: {  	[tilespmem:s18+$0xCC50] =	vst v4;
	v4 =	vmul.f32 $2.771281240e+01, v6;
	v6 =	vld [tilespmem:s18+$0xD040]  }
0x1c4: {  	[tilespmem:s18+$0xCC60] =	vst v3;
	v3 =	vmul.f32 $2.771281240e+01, v7;
	v7 =	vld [tilespmem:s18+$0xD050]  }
0x1c5: {  	[tilespmem:s18+$0xCC70] =	vst v4;
	v4 =	vmul.f32 $2.771281240e+01, v8;
	v8 =	vld [tilespmem:s18+$0xD060]  }
0x1c6: {  	[tilespmem:s18+$0xD000] =	vst v3;
	v3 =	vmul.f32 $2.771281240e+01, v9;
	v9 =	vld [tilespmem:s18+$0xD070]  }
0x1c7: {  	[tilespmem:s18+$0xD010] =	vst v4;
	v4 =	vmul.f32 $2.771281240e+01, v5;
	v5 =	vld [tilespmem:s18+$0xD400]  }
0x1c8: {  	[tilespmem:s18+$0xD020] =	vst v3;
	v3 =	vmul.f32 $2.771281240e+01, v6;
	v6 =	vld [tilespmem:s18+$0xD410]  }
0x1c9: {  	[tilespmem:s18+$0xD030] =	vst v4;
	v4 =	vmul.f32 $2.771281240e+01, v7;
	v7 =	vld [tilespmem:s18+$0xD420]  }
0x1ca: {  	[tilespmem:s18+$0xD040] =	vst v3;
	v3 =	vmul.f32 $2.771281240e+01, v8;
	v8 =	vld [tilespmem:s18+$0xD430]  }
0x1cb: {  	[tilespmem:s18+$0xD050] =	vst v4;
	v4 =	vmul.f32 $2.771281240e+01, v9;
	v9 =	vld [tilespmem:s18+$0xD440]  }
0x1cc: {  	[tilespmem:s18+$0xD060] =	vst v3;
	v3 =	vmul.f32 $2.771281240e+01, v5;
	v5 =	vld [tilespmem:s18+$0xD450]  }
.Ltmp2:
0x1cd: {  	[tilespmem:s18+$0xD070] =	vst v4;
	v4 =	vmul.f32 $2.771281240e+01, v6;
	v6 =	vld [tilespmem:s18+$0xD460];
	(pc) =	sbr.rel @p0 .LBB2_7-.Ltmp2, $4  }
0x1ce: {  	[tilespmem:s18+$0xD400] =	vst v3;
	v3 =	vmul.f32 $2.771281240e+01, v7;
	v7 =	vld [tilespmem:s18+$0xD470]  }
0x1cf: {  	[tilespmem:s18+$0xD410] =	vst v4;
	v8 =	vmul.f32 $2.771281240e+01, v8;
	v4 =	vld [tilespmem:s18+$0xD800]  }
0x1d0: {  	[tilespmem:s18+$0xD420] =	vst v3;
	v9 =	vmul.f32 $2.771281240e+01, v9;
	v3 =	vld [tilespmem:s18+$0xD810]  }
0x1d1: {  	s20 =	sadd.s32 $0x1, s20;
	[tilespmem:s18+$0xD430] =	vst v8;
	v8 =	vmul.f32 $2.771281240e+01, v5;
	v5 =	vld [tilespmem:s18+$0xD820]  }
0x1d2: {  	[tilespmem:s18+$0xD440] =	vst v9;
	v56 =	vld [tilespmem:s18+$0xD830];
	v6 =	vmul.f32 $2.771281240e+01, v6  }
0x1d3: {  	v57 =	vld [tilespmem:s18+$0xD840];
	[tilespmem:s18+$0xD450] =	vst v8;
	v7 =	vmul.f32 $2.771281240e+01, v7  }
0x1d4: {  	v58 =	vld [tilespmem:s18+$0xD850];
	[tilespmem:s18+$0xD460] =	vst v6;
	v4 =	vmul.f32 $2.771281240e+01, v4  }
0x1d5: {  	v59 =	vld [tilespmem:s18+$0xD860];
	[tilespmem:s18+$0xD470] =	vst v7;
	v3 =	vmul.f32 $2.771281240e+01, v3  }
0x1d6: {  	v61 =	vld [tilespmem:s18+$0xD870];
	[tilespmem:s18+$0xD800] =	vst v4;
	v60 =	vmul.f32 $2.771281240e+01, v5  }
0x1d7: {  	[tilespmem:s18+$0xD810] =	vst v3;
	v3 =	vmul.f32 $2.771281240e+01, v56  }
0x1d8: {  	s17 =	sshll.u32 s17, $0x6;
	s16 =	sadd.s32 $0x1, s16;
	v62 =	vmul.f32 $2.771281240e+01, v57;
	[tilespmem:s18+$0xD820] =	vst v60  }
0x1d9: {  	s17 =	sadd.s32 s5, s17;
	p0 =	sne.s32 s16, $0x4;
	[tilespmem:s18+$0xD830] =	vst v3;
	v3 =	vmul.f32 $2.771281240e+01, v58  }
.Ltmp3:
0x1da: {  	s17 =	sshrl.u32 s17, $0x3;
	v63 =	vmul.f32 $2.771281240e+01, v59;
	[tilespmem:s18+$0xD840] =	vst v62;
	(pc) =	sbr.rel @p0 .LBB2_2-.Ltmp3, $4  }
0x1db: {  	s17 =	smul.u32 $0x300, s17;
	[tilespmem:s18+$0xD850] =	vst v3;
	v3 =	vmul.f32 $2.771281240e+01, v61  }
0x1dc: {  	[tilespmem:s18+$0xD860] =	vst v63  }
0x1dd: {  	s17 =	sadd.s32 s3, s17;
	[tilespmem:s18+$0xD870] =	vst v3  }
0x1de: {  	[hbm4b:s17+s4] =	stream.linear.scatter [tilespmem:s12], [sflag:$0x4], $0xC000, $0x38;
	[tilespmem:$0x18400] =	vst v63  }
0x1df: {  	_ =	swait.ge [sflag:s15], $0xC000  }
0x1e0: {  	[sflag:s15] =	ssyncset.done $0x0  }
0x1e1: {  	s17 =	simm.s32 $0x4;
	[sflag:s15] =	ssyncadd.s32 $0xFFFF4000  }
0x1e2: {  	_ =	swait.ge [sflag:s17], $0xC000  }
0x1e3: {  	s18 =	rddreg [dreg:$0x6]  }
0x1e4: {  	s16 =	rddreg [dreg:$0x5];
	s18 =	sadd.s32 $0x1, s18  }
0x1e5: {  	p0 =	sne.s32 s18, s16  }
.Ltmp4:
0x1e6: {  	_ = 	snop;
	(pc) =	sbr.rel @p0 .LBB2_1-.Ltmp4, $3  }
0x1e7: {  	_ =	sdelay $0x1  }
0x1e8: {  	[sflag:s17] =	ssyncset.done $0x0  }
0x1e9: {  	[sflag:s17] =	ssyncadd.s32 $0xFFFF4000  }
0x1ea: {  	_ =	sfence.sel $0x180000  }
0x1eb: {  	[bflag:$0x0] =	sbarrier.arrive $0xFFFF  }
0x1ec: {  	_ =	strace $0x90000047  }
0x1ed: {  	s0 =	stileid.u32;
	[bflag:$0x2] =	sbarrier.arrive $0xFFFF  }
0x1ee: {  	p0 =	sne.s32 s0, $0x0;
	s0 =	rddreg [dreg:$0x3]  }
0x1ef: {  	s0 =	sadd.s32 @!p0 $0x100000, s0  }
0x1f0: {  	[sflag:s0] =	ssyncadd.tile.s32 @!p0 $0x1;
	_ =	shalt  }
.Lfunc_end2:
_tile_overlayer_lowered:
.L_overlay_start_2:
0x1f1: {  	(tag) =	ssettag $0x2  }
0x1f2: {  	s0 =	rddreg [dreg:$0x0];
	s2 =	stileid.u32  }
0x1f3: {  	s1 =	rddreg [dreg:$0x1];
	p0 =	sne.s32 s2, $0x0  }
0x1f4: {  	s3 =	rddreg [dreg:$0x2];
	[bflag:$0x3] =	sbarrier.arrive $0xFFFF;
	s2 =	simm.s32 @!p0 $0x1C05  }
0x1f5: {  	[timem:s3], [sflag:s2] =	dma.local @!p0 [hbm:s0], s1  }
0x1f6: {  	s0 =	simm.s32 @!p0 $0x5  }
0x1f7: {  	_ =	swait.ge @!p0 [sflag:s0], s1  }
0x1f8: {  	s1 =	ssub.s32 @!p0 $0x0, s1;
	[sflag:s0] =	ssyncset.done @!p0 $0x0  }
0x1f9: {  	[sflag:s0] =	ssyncadd.s32 @!p0 s1  }
0x1fa: {  	[bflag:$0x3] =	sbarrier.arrive $0xFFFF  }
0x1fb: {  	_ =	shalt  }

</sc_bundles>
